<compile_context>
chip_gen: v7x
topology: tpu7x:2x2x1
jax: 0.10.2.dev20260603
libtpu: 0.0.44.dev20260713+nightly
codegen_flags: <defaults>
</compile_context>

<pallas_src>
import jax
import jax.numpy as jnp
from jax import lax
from jax.experimental import pallas as pl
from jax.experimental.pallas import tpu as pltpu
from jax.experimental.pallas import tpu_sc as plsc

N = 10000
E = 320000
NC = 2
NS = 16
NW = NC * NS
EPW = E // NW
K = 80
NCH = EPW // K
NP = 10240
RPS = NP // NS
PD = 5

_MESH = plsc.VectorSubcoreMesh(
    core_axis_name="c", subcore_axis_name="s", num_cores=NC, num_subcores=NS)


def _edge_pass(D):

    def body(g_hbm, src_hbm, dst_hbm, z_hbm, out_hbm,
             src_v, dst_v, rows_v, acc_sh, *sems):
        c = lax.axis_index("c")
        s = lax.axis_index("s")
        w = c * NS + s
        pltpu.sync_copy(z_hbm.at[pl.ds(s * RPS, RPS)],
                        acc_sh.at[pl.ds(s * RPS, RPS)])
        pltpu.sync_copy(src_hbm.at[w], src_v)
        pltpu.sync_copy(dst_hbm.at[w], dst_v)
        plsc.subcore_barrier()

        def fire_g(j, b):
            pltpu.async_copy(g_hbm.at[src_v.at[j]], rows_v.at[b], sems[b])

        def wait_g(j, b):
            pltpu.make_async_copy(
                g_hbm.at[src_v.at[j]], rows_v.at[b], sems[b]).wait()

        for b in range(PD):
            fire_g(b, b)

        def outer(i, carry):
            for t in range(PD):
                j = i * PD + t
                wait_g(j, t)
                pltpu.sync_copy(rows_v.at[t], acc_sh.at[dst_v.at[j]],
                                add=True)
                jn = j + PD

                @pl.when(jn < NCH)
                def _():
                    fire_g(jn, t)
            return carry

        lax.fori_loop(0, NCH // PD, outer, 0)
        plsc.subcore_barrier()
        pltpu.sync_copy(acc_sh.at[pl.ds(s * RPS, RPS)],
                        out_hbm.at[c, pl.ds(s * RPS, RPS)])

    return pl.kernel(
        body,
        out_type=jax.ShapeDtypeStruct((NC, NP, D), jnp.float32),
        mesh=_MESH,
        compiler_params=pltpu.CompilerParams(use_tc_tiling_on_sc=False),
        scratch_types=[
            pltpu.VMEM((NCH, K), jnp.int32),
            pltpu.VMEM((NCH, K), jnp.int32),
            pltpu.VMEM((PD, K, D), jnp.float32),
            pltpu.VMEM_SHARED((NP, D), jnp.float32),
        ] + [pltpu.SemaphoreType.DMA] * PD,
    )


def _deg_pass():

    def body(dst_hbm, z_hbm, ones_hbm, out_hbm, dst_v, ones_v, acc_sh):
        c = lax.axis_index("c")
        s = lax.axis_index("s")
        w = c * NS + s
        pltpu.sync_copy(z_hbm.at[pl.ds(s * RPS, RPS)],
                        acc_sh.at[pl.ds(s * RPS, RPS)])
        pltpu.sync_copy(dst_hbm.at[w], dst_v)
        pltpu.sync_copy(ones_hbm, ones_v)
        plsc.subcore_barrier()

        def chunk(j, carry):
            pltpu.sync_copy(ones_v, acc_sh.at[dst_v.at[j]], add=True)
            return carry

        lax.fori_loop(0, NCH, chunk, 0)
        plsc.subcore_barrier()
        pltpu.sync_copy(acc_sh.at[pl.ds(s * RPS, RPS)],
                        out_hbm.at[c, pl.ds(s * RPS, RPS)])

    return pl.kernel(
        body,
        out_type=jax.ShapeDtypeStruct((NC, NP, 16), jnp.float32),
        mesh=_MESH,
        compiler_params=pltpu.CompilerParams(use_tc_tiling_on_sc=False),
        scratch_types=[
            pltpu.VMEM((NCH, K), jnp.int32),
            pltpu.VMEM((K, 16), jnp.float32),
            pltpu.VMEM_SHARED((NP, 16), jnp.float32),
        ],
    )



R = 2000
GRID = N // R

def _rows(shape):
    return pl.BlockSpec((R,) + shape, lambda i: (i, 0))

def _accs(d):
    return pl.BlockSpec((2, R, d), lambda i: (0, i, 0))

def _full(shape):
    return pl.BlockSpec(shape, lambda i: (0,) * len(shape))


def _tc1_body(degp, x, w1, dinv_o, g1_o):
    deg = degp[0, :, 0:1] + degp[1, :, 0:1] + 1.0
    dinv = lax.rsqrt(deg)
    dinv_o[...] = dinv
    g1_o[...] = dinv * jnp.dot(x[...], w1[...],
                               preferred_element_type=jnp.float32)


def _tc2_body(accp, g1, dinv, b1, w2, x1_o, g2_o):
    d = dinv[...]
    x1 = jnp.maximum(d * (accp[0] + accp[1] + g1[...]) + b1[...], 0.0)
    x1_o[...] = x1
    g2_o[...] = d * jnp.dot(x1, w2[...], preferred_element_type=jnp.float32)


def _tc3_body(accp, g2, dinv, b2, x, ws02, bs02, w3, g3_o):
    d = dinv[...]
    x2 = jnp.maximum(d * (accp[0] + accp[1] + g2[...]) + b2[...], 0.0)
    x2 = x2 + jnp.dot(x[...], ws02[...],
                      preferred_element_type=jnp.float32) + bs02[...]
    g3_o[...] = d * jnp.dot(x2, w3[...], preferred_element_type=jnp.float32)


def _tc4_body(accp, g3, dinv, b3, x, ws03, bs03, x1, ws13, bs13, out_o):
    d = dinv[...]
    x3 = jnp.maximum(d * (accp[0] + accp[1] + g3[...]) + b3[...], 0.0)
    x3 = x3 + jnp.dot(x[...], ws03[...],
                      preferred_element_type=jnp.float32) + bs03[...]
    x3 = x3 + jnp.dot(x1[...], ws13[...],
                      preferred_element_type=jnp.float32) + bs13[...]
    out_o[...] = x3


def _tc(body, in_specs, out_shapes, out_specs):
    return pl.pallas_call(
        body,
        grid=(GRID,),
        in_specs=in_specs,
        out_specs=out_specs,
        out_shape=[jax.ShapeDtypeStruct(s, jnp.float32) for s in out_shapes])


@jax.jit
def kernel(x, edge_index, W1, b1, W2, b2, W3, b3,
           Ws02, bs02, Ws03, bs03, Ws13, bs13):
    ei = edge_index.astype(jnp.int32)
    src = ei[0].reshape(NW, NCH, K)
    dst = ei[1].reshape(NW, NCH, K)

    z64 = jnp.zeros((NP, 64), jnp.float32)
    z32 = jnp.zeros((NP, 32), jnp.float32)
    z16 = jnp.zeros((NP, 16), jnp.float32)
    ones = jnp.ones((K, 16), jnp.float32)

    degp = _deg_pass()(dst, z16, ones)
    dinv, g1 = _tc(
        _tc1_body,
        [_accs(16), _rows((128,)), _full((128, 64))],
        [(N, 1), (N, 64)],
        [_rows((1,)), _rows((64,))])(degp, x, W1)

    acc1 = _edge_pass(64)(g1, src, dst, z64)
    x1, g2 = _tc(
        _tc2_body,
        [_accs(64), _rows((64,)), _rows((1,)), _full((1, 64)),
         _full((64, 32))],
        [(N, 64), (N, 32)],
        [_rows((64,)), _rows((32,))])(
        acc1, g1, dinv, b1.reshape(1, -1), W2)

    acc2 = _edge_pass(32)(g2, src, dst, z32)
    g3, = _tc(
        _tc3_body,
        [_accs(32), _rows((32,)), _rows((1,)), _full((1, 32)),
         _rows((128,)), _full((128, 32)), _full((1, 32)), _full((32, 16))],
        [(N, 16)],
        [_rows((16,))])(
        acc2, g2, dinv, b2.reshape(1, -1), x, Ws02, bs02.reshape(1, -1), W3)

    acc3 = _edge_pass(16)(g3, src, dst, z16)
    out, = _tc(
        _tc4_body,
        [_accs(16), _rows((16,)), _rows((1,)), _full((1, 16)),
         _rows((128,)), _full((128, 16)), _full((1, 16)),
         _rows((64,)), _full((64, 16)), _full((1, 16))],
        [(N, 16)],
        [_rows((16,))])(
        acc3, g3, dinv, b3.reshape(1, -1), x, Ws03, bs03.reshape(1, -1),
        x1, Ws13, bs13.reshape(1, -1))
    return out

# --- scband reference (transcript-rebuilt; emitter-appended) ---
"""Pipeline reference for scband-skip-gcn3-layer-44212393345739 (READ-ONLY COPY).

The authoritative reference and input builder live on the scoring server;
editing this copy changes nothing except your own understanding.
"""

import jax, jax.numpy as jnp
import numpy as np

N_NODES = 10000
N_EDGES = 320000
D_FEAT = 128


def _gcn_conv(x, edge_index, W, b):
    n = x.shape[0]
    loops = jnp.arange(n, dtype=edge_index.dtype)
    src = jnp.concatenate([edge_index[0], loops])
    dst = jnp.concatenate([edge_index[1], loops])
    deg = jax.ops.segment_sum(jnp.ones(src.shape[0], dtype=x.dtype), dst, num_segments=n)
    dinv = jnp.where(deg > 0, deg ** -0.5, 0.0)
    norm = dinv[src] * dinv[dst]
    h = x @ W
    msg = h[src] * norm[:, None]
    out = jax.ops.segment_sum(msg, dst, num_segments=n)
    return out + b


def setup_inputs(seed: int = 0) -> dict:
    key = jax.random.key(seed)
    ks = jax.random.split(key, 16)
    x = jax.random.normal(ks[0], (N_NODES, D_FEAT), dtype=jnp.float32)
    edge_index = jax.random.randint(ks[1], (2, N_EDGES), 0, N_NODES, dtype=jnp.int64)
    def glorot(k, fan_in, fan_out):
        lim = (6.0 / (fan_in + fan_out)) ** 0.5
        return jax.random.uniform(k, (fan_in, fan_out), dtype=jnp.float32, minval=-lim, maxval=lim)
    return {
        "x": x,
        "edge_index": edge_index,
        "W1": glorot(ks[2], D_FEAT, 64), "b1": jnp.zeros((64,), jnp.float32),
        "W2": glorot(ks[3], 64, 32), "b2": jnp.zeros((32,), jnp.float32),
        "W3": glorot(ks[4], 32, 16), "b3": jnp.zeros((16,), jnp.float32),
        "Ws02": glorot(ks[5], D_FEAT, 32), "bs02": jnp.zeros((32,), jnp.float32),
        "Ws03": glorot(ks[6], D_FEAT, 16), "bs03": jnp.zeros((16,), jnp.float32),
        "Ws13": glorot(ks[7], 64, 16), "bs13": jnp.zeros((16,), jnp.float32),
    }


def reference(x, edge_index, W1, b1, W2, b2, W3, b3, Ws02, bs02, Ws03, bs03, Ws13, bs13):
    # dropout is identity in eval mode
    x_conv1 = jax.nn.relu(_gcn_conv(x, edge_index, W1, b1))
    x_conv2 = jax.nn.relu(_gcn_conv(x_conv1, edge_index, W2, b2)) + (x @ Ws02 + bs02)
    x_conv3 = jax.nn.relu(_gcn_conv(x_conv2, edge_index, W3, b3)) + (x @ Ws03 + bs03) + (x_conv1 @ Ws13 + bs13)
    return x_conv3

if __name__ == "__main__":
    import jax
    _d = setup_inputs()
    print(jax.jit(kernel)(*tuple(_d.values())))

</pallas_src>

<mosaic_0001>
#map = affine_map<(d0, d1) -> (0, 0)>
#map1 = affine_map<(d0, d1) -> (0, 0, 0)>
module attributes {stable_mosaic.version = 14 : i64} {
  func.func @body(%arg0: i32, %arg1: i32, %arg2: memref<10000x32xf32, #tpu.memory_space<hbm>>, %arg3: memref<32x125x80xi32, #tpu.memory_space<hbm>>, %arg4: memref<32x125x80xi32, #tpu.memory_space<hbm>>, %arg5: memref<10240x32xf32, #tpu.memory_space<hbm>>, %arg6: memref<2x10240x32xf32, #tpu.memory_space<hbm>>, %arg7: memref<125x80xi32, #tpu.memory_space<vmem>>, %arg8: memref<125x80xi32, #tpu.memory_space<vmem>>, %arg9: memref<5x80x32xf32, #tpu.memory_space<vmem>>, %arg10: memref<10240x32xf32, #tpu.memory_space<vmem_shared>>, %arg11: memref<!tpu.dma_semaphore, #tpu.memory_space<semaphore_mem>>, %arg12: memref<!tpu.dma_semaphore, #tpu.memory_space<semaphore_mem>>, %arg13: memref<!tpu.dma_semaphore, #tpu.memory_space<semaphore_mem>>, %arg14: memref<!tpu.dma_semaphore, #tpu.memory_space<semaphore_mem>>, %arg15: memref<!tpu.dma_semaphore, #tpu.memory_space<semaphore_mem>>) attributes {dimension_semantics = [#tpu.dimension_semantics<core_parallel>, #tpu.dimension_semantics<subcore_parallel>], iteration_bounds = array<i64: 2, 16>, scalar_prefetch = 0 : i64, scratch_operands = 9 : i64, tpu.core_type = #tpu.core_type<sc_vector_subcore>, window_params = [{transform_indices = #map}, {transform_indices = #map1}, {transform_indices = #map1}, {transform_indices = #map}, {transform_indices = #map1}]} {
    %mul3A = arith.constant 16 : i32
    %mul3A_0 = arith.muli %arg0, %mul3A : i32
    %add3A = arith.addi %mul3A_0, %arg1 : i32
    %mul3A_1 = arith.constant 640 : i32
    %mul3A_2 = arith.muli %arg1, %mul3A_1 : i32
    %mul3A_3 = arith.constant 640 : i32
    %mul3A_4 = arith.muli %arg1, %mul3A_3 : i32
    "tpu.region"() ({
      %run_scoped3A = tpu.sem_alloc : memref<!tpu.dma_semaphore, #tpu.memory_space<semaphore_mem>>
      %dma_start3A_74 = arith.constant 0 : i32
      %dma_start3A_75 = tpu.memref_slice %arg10[%mul3A_4, %dma_start3A_74] : memref<10240x32xf32, #tpu.memory_space<vmem_shared>> -> memref<640x32xf32, #tpu.memory_space<vmem_shared>>
      %dma_start3A_76 = arith.constant 0 : i32
      %dma_start3A_77 = tpu.memref_slice %arg5[%mul3A_2, %dma_start3A_76] : memref<10240x32xf32, #tpu.memory_space<hbm>> -> memref<640x32xf32, #tpu.memory_space<hbm>>
      tpu.enqueue_dma source(%dma_start3A_77 : memref<640x32xf32, #tpu.memory_space<hbm>>) target(%dma_start3A_75 : memref<640x32xf32, #tpu.memory_space<vmem_shared>>) target_semaphore(%run_scoped3A : memref<!tpu.dma_semaphore, #tpu.memory_space<semaphore_mem>>)
      %dma_wait3A = arith.constant 0 : i32
      %dma_wait3A_78 = tpu.memref_slice %arg10[%mul3A_4, %dma_wait3A] : memref<10240x32xf32, #tpu.memory_space<vmem_shared>> -> memref<640x32xf32, #tpu.memory_space<vmem_shared>>
      %dma_wait3A_79 = arith.constant 0 : i32
      %dma_wait3A_80 = tpu.memref_slice %arg5[%mul3A_2, %dma_wait3A_79] : memref<10240x32xf32, #tpu.memory_space<hbm>> -> memref<640x32xf32, #tpu.memory_space<hbm>>
      tpu.wait_dma2 semaphore(%run_scoped3A : memref<!tpu.dma_semaphore, #tpu.memory_space<semaphore_mem>>) src(%dma_wait3A_80 : memref<640x32xf32, #tpu.memory_space<hbm>>) dst(%dma_wait3A_78 : memref<640x32xf32, #tpu.memory_space<vmem_shared>>)
      tpu.yield
    }) : () -> ()
    "tpu.region"() ({
      %run_scoped3A = tpu.sem_alloc : memref<!tpu.dma_semaphore, #tpu.memory_space<semaphore_mem>>
      %dma_start3A_74 = arith.constant 0 : i32
      %dma_start3A_75 = arith.constant 0 : i32
      %dma_start3A_76 = tpu.memref_slice %arg3[%add3A, %dma_start3A_74, %dma_start3A_75] : memref<32x125x80xi32, #tpu.memory_space<hbm>> -> memref<1x125x80xi32, #tpu.memory_space<hbm>>
      %dma_start3A_77 = tpu.memref_squeeze %dma_start3A_76 : memref<1x125x80xi32, #tpu.memory_space<hbm>> -> memref<125x80xi32, #tpu.memory_space<hbm>>
      %dma_start3A_78 = arith.constant 0 : i32
      %dma_start3A_79 = arith.constant 0 : i32
      %dma_start3A_80 = tpu.memref_slice %arg3[%add3A, %dma_start3A_78, %dma_start3A_79] : memref<32x125x80xi32, #tpu.memory_space<hbm>> -> memref<1x125x80xi32, #tpu.memory_space<hbm>>
      %dma_start3A_81 = tpu.memref_squeeze %dma_start3A_80 : memref<1x125x80xi32, #tpu.memory_space<hbm>> -> memref<125x80xi32, #tpu.memory_space<hbm>>
      tpu.enqueue_dma source(%dma_start3A_81 : memref<125x80xi32, #tpu.memory_space<hbm>>) target(%arg7 : memref<125x80xi32, #tpu.memory_space<vmem>>) target_semaphore(%run_scoped3A : memref<!tpu.dma_semaphore, #tpu.memory_space<semaphore_mem>>)
      %dma_wait3A = arith.constant 0 : i32
      %dma_wait3A_82 = arith.constant 0 : i32
      %dma_wait3A_83 = tpu.memref_slice %arg3[%add3A, %dma_wait3A, %dma_wait3A_82] : memref<32x125x80xi32, #tpu.memory_space<hbm>> -> memref<1x125x80xi32, #tpu.memory_space<hbm>>
      %dma_wait3A_84 = tpu.memref_squeeze %dma_wait3A_83 : memref<1x125x80xi32, #tpu.memory_space<hbm>> -> memref<125x80xi32, #tpu.memory_space<hbm>>
      %dma_wait3A_85 = arith.constant 0 : i32
      %dma_wait3A_86 = arith.constant 0 : i32
      %dma_wait3A_87 = tpu.memref_slice %arg3[%add3A, %dma_wait3A_85, %dma_wait3A_86] : memref<32x125x80xi32, #tpu.memory_space<hbm>> -> memref<1x125x80xi32, #tpu.memory_space<hbm>>
      %dma_wait3A_88 = tpu.memref_squeeze %dma_wait3A_87 : memref<1x125x80xi32, #tpu.memory_space<hbm>> -> memref<125x80xi32, #tpu.memory_space<hbm>>
      tpu.wait_dma2 semaphore(%run_scoped3A : memref<!tpu.dma_semaphore, #tpu.memory_space<semaphore_mem>>) src(%dma_wait3A_88 : memref<125x80xi32, #tpu.memory_space<hbm>>) dst(%arg7 : memref<125x80xi32, #tpu.memory_space<vmem>>)
      tpu.yield
    }) : () -> ()
    "tpu.region"() ({
      %run_scoped3A = tpu.sem_alloc : memref<!tpu.dma_semaphore, #tpu.memory_space<semaphore_mem>>
      %dma_start3A_74 = arith.constant 0 : i32
      %dma_start3A_75 = arith.constant 0 : i32
      %dma_start3A_76 = tpu.memref_slice %arg4[%add3A, %dma_start3A_74, %dma_start3A_75] : memref<32x125x80xi32, #tpu.memory_space<hbm>> -> memref<1x125x80xi32, #tpu.memory_space<hbm>>
      %dma_start3A_77 = tpu.memref_squeeze %dma_start3A_76 : memref<1x125x80xi32, #tpu.memory_space<hbm>> -> memref<125x80xi32, #tpu.memory_space<hbm>>
      %dma_start3A_78 = arith.constant 0 : i32
      %dma_start3A_79 = arith.constant 0 : i32
      %dma_start3A_80 = tpu.memref_slice %arg4[%add3A, %dma_start3A_78, %dma_start3A_79] : memref<32x125x80xi32, #tpu.memory_space<hbm>> -> memref<1x125x80xi32, #tpu.memory_space<hbm>>
      %dma_start3A_81 = tpu.memref_squeeze %dma_start3A_80 : memref<1x125x80xi32, #tpu.memory_space<hbm>> -> memref<125x80xi32, #tpu.memory_space<hbm>>
      tpu.enqueue_dma source(%dma_start3A_81 : memref<125x80xi32, #tpu.memory_space<hbm>>) target(%arg8 : memref<125x80xi32, #tpu.memory_space<vmem>>) target_semaphore(%run_scoped3A : memref<!tpu.dma_semaphore, #tpu.memory_space<semaphore_mem>>)
      %dma_wait3A = arith.constant 0 : i32
      %dma_wait3A_82 = arith.constant 0 : i32
      %dma_wait3A_83 = tpu.memref_slice %arg4[%add3A, %dma_wait3A, %dma_wait3A_82] : memref<32x125x80xi32, #tpu.memory_space<hbm>> -> memref<1x125x80xi32, #tpu.memory_space<hbm>>
      %dma_wait3A_84 = tpu.memref_squeeze %dma_wait3A_83 : memref<1x125x80xi32, #tpu.memory_space<hbm>> -> memref<125x80xi32, #tpu.memory_space<hbm>>
      %dma_wait3A_85 = arith.constant 0 : i32
      %dma_wait3A_86 = arith.constant 0 : i32
      %dma_wait3A_87 = tpu.memref_slice %arg4[%add3A, %dma_wait3A_85, %dma_wait3A_86] : memref<32x125x80xi32, #tpu.memory_space<hbm>> -> memref<1x125x80xi32, #tpu.memory_space<hbm>>
      %dma_wait3A_88 = tpu.memref_squeeze %dma_wait3A_87 : memref<1x125x80xi32, #tpu.memory_space<hbm>> -> memref<125x80xi32, #tpu.memory_space<hbm>>
      tpu.wait_dma2 semaphore(%run_scoped3A : memref<!tpu.dma_semaphore, #tpu.memory_space<semaphore_mem>>) src(%dma_wait3A_88 : memref<125x80xi32, #tpu.memory_space<hbm>>) dst(%arg8 : memref<125x80xi32, #tpu.memory_space<vmem>>)
      tpu.yield
    }) : () -> ()
    %barrier3A = arith.constant 0 : index
    tpu.barrier barrier_id(%barrier3A)
    %dma_start3A = arith.constant 0 : i32
    %dma_start3A_5 = arith.constant 0 : i32
    %dma_start3A_6 = arith.constant 0 : i32
    %dma_start3A_7 = arith.constant 0 : i32
    %dma_start3A_8 = tpu.memref_slice %arg9[%dma_start3A_5, %dma_start3A_6, %dma_start3A_7] : memref<5x80x32xf32, #tpu.memory_space<vmem>> -> memref<1x80x32xf32, #tpu.memory_space<vmem>>
    %dma_start3A_9 = tpu.memref_squeeze %dma_start3A_8 : memref<1x80x32xf32, #tpu.memory_space<vmem>> -> memref<80x32xf32, #tpu.memory_space<vmem>>
    %dma_start3A_10 = arith.constant 0 : i32
    %dma_start3A_11 = tpu.memref_slice %arg7[%dma_start3A, %dma_start3A_10] : memref<125x80xi32, #tpu.memory_space<vmem>> -> memref<1x80xi32, #tpu.memory_space<vmem>>
    %dma_start3A_12 = tpu.memref_squeeze %dma_start3A_11 : memref<1x80xi32, #tpu.memory_space<vmem>> -> memref<80xi32, #tpu.memory_space<vmem>>
    %dma_start3A_13 = arith.constant 0 : i32
    %dma_start3A_14 = arith.constant 0 : i32
    %dma_start3A_15 = tpu.memref_slice %arg2[%dma_start3A_13, %dma_start3A_14] : memref<10000x32xf32, #tpu.memory_space<hbm>> -> memref<10000x32xf32, #tpu.memory_space<hbm>>
    tpu.enqueue_indirect_dma source(%dma_start3A_15 : memref<10000x32xf32, #tpu.memory_space<hbm>>) target(%dma_start3A_9 : memref<80x32xf32, #tpu.memory_space<vmem>>) offsets(%dma_start3A_12 : memref<80xi32, #tpu.memory_space<vmem>>) semaphore(%arg11 : memref<!tpu.dma_semaphore, #tpu.memory_space<semaphore_mem>>)
    %dma_start3A_16 = arith.constant 1 : i32
    %dma_start3A_17 = arith.constant 1 : i32
    %dma_start3A_18 = arith.constant 0 : i32
    %dma_start3A_19 = arith.constant 0 : i32
    %dma_start3A_20 = tpu.memref_slice %arg9[%dma_start3A_17, %dma_start3A_18, %dma_start3A_19] : memref<5x80x32xf32, #tpu.memory_space<vmem>> -> memref<1x80x32xf32, #tpu.memory_space<vmem>>
    %dma_start3A_21 = tpu.memref_squeeze %dma_start3A_20 : memref<1x80x32xf32, #tpu.memory_space<vmem>> -> memref<80x32xf32, #tpu.memory_space<vmem>>
    %dma_start3A_22 = arith.constant 0 : i32
    %dma_start3A_23 = tpu.memref_slice %arg7[%dma_start3A_16, %dma_start3A_22] : memref<125x80xi32, #tpu.memory_space<vmem>> -> memref<1x80xi32, #tpu.memory_space<vmem>>
    %dma_start3A_24 = tpu.memref_squeeze %dma_start3A_23 : memref<1x80xi32, #tpu.memory_space<vmem>> -> memref<80xi32, #tpu.memory_space<vmem>>
    %dma_start3A_25 = arith.constant 0 : i32
    %dma_start3A_26 = arith.constant 0 : i32
    %dma_start3A_27 = tpu.memref_slice %arg2[%dma_start3A_25, %dma_start3A_26] : memref<10000x32xf32, #tpu.memory_space<hbm>> -> memref<10000x32xf32, #tpu.memory_space<hbm>>
    tpu.enqueue_indirect_dma source(%dma_start3A_27 : memref<10000x32xf32, #tpu.memory_space<hbm>>) target(%dma_start3A_21 : memref<80x32xf32, #tpu.memory_space<vmem>>) offsets(%dma_start3A_24 : memref<80xi32, #tpu.memory_space<vmem>>) semaphore(%arg12 : memref<!tpu.dma_semaphore, #tpu.memory_space<semaphore_mem>>)
    %dma_start3A_28 = arith.constant 2 : i32
    %dma_start3A_29 = arith.constant 2 : i32
    %dma_start3A_30 = arith.constant 0 : i32
    %dma_start3A_31 = arith.constant 0 : i32
    %dma_start3A_32 = tpu.memref_slice %arg9[%dma_start3A_29, %dma_start3A_30, %dma_start3A_31] : memref<5x80x32xf32, #tpu.memory_space<vmem>> -> memref<1x80x32xf32, #tpu.memory_space<vmem>>
    %dma_start3A_33 = tpu.memref_squeeze %dma_start3A_32 : memref<1x80x32xf32, #tpu.memory_space<vmem>> -> memref<80x32xf32, #tpu.memory_space<vmem>>
    %dma_start3A_34 = arith.constant 0 : i32
    %dma_start3A_35 = tpu.memref_slice %arg7[%dma_start3A_28, %dma_start3A_34] : memref<125x80xi32, #tpu.memory_space<vmem>> -> memref<1x80xi32, #tpu.memory_space<vmem>>
    %dma_start3A_36 = tpu.memref_squeeze %dma_start3A_35 : memref<1x80xi32, #tpu.memory_space<vmem>> -> memref<80xi32, #tpu.memory_space<vmem>>
    %dma_start3A_37 = arith.constant 0 : i32
    %dma_start3A_38 = arith.constant 0 : i32
    %dma_start3A_39 = tpu.memref_slice %arg2[%dma_start3A_37, %dma_start3A_38] : memref<10000x32xf32, #tpu.memory_space<hbm>> -> memref<10000x32xf32, #tpu.memory_space<hbm>>
    tpu.enqueue_indirect_dma source(%dma_start3A_39 : memref<10000x32xf32, #tpu.memory_space<hbm>>) target(%dma_start3A_33 : memref<80x32xf32, #tpu.memory_space<vmem>>) offsets(%dma_start3A_36 : memref<80xi32, #tpu.memory_space<vmem>>) semaphore(%arg13 : memref<!tpu.dma_semaphore, #tpu.memory_space<semaphore_mem>>)
    %dma_start3A_40 = arith.constant 3 : i32
    %dma_start3A_41 = arith.constant 3 : i32
    %dma_start3A_42 = arith.constant 0 : i32
    %dma_start3A_43 = arith.constant 0 : i32
    %dma_start3A_44 = tpu.memref_slice %arg9[%dma_start3A_41, %dma_start3A_42, %dma_start3A_43] : memref<5x80x32xf32, #tpu.memory_space<vmem>> -> memref<1x80x32xf32, #tpu.memory_space<vmem>>
    %dma_start3A_45 = tpu.memref_squeeze %dma_start3A_44 : memref<1x80x32xf32, #tpu.memory_space<vmem>> -> memref<80x32xf32, #tpu.memory_space<vmem>>
    %dma_start3A_46 = arith.constant 0 : i32
    %dma_start3A_47 = tpu.memref_slice %arg7[%dma_start3A_40, %dma_start3A_46] : memref<125x80xi32, #tpu.memory_space<vmem>> -> memref<1x80xi32, #tpu.memory_space<vmem>>
    %dma_start3A_48 = tpu.memref_squeeze %dma_start3A_47 : memref<1x80xi32, #tpu.memory_space<vmem>> -> memref<80xi32, #tpu.memory_space<vmem>>
    %dma_start3A_49 = arith.constant 0 : i32
    %dma_start3A_50 = arith.constant 0 : i32
    %dma_start3A_51 = tpu.memref_slice %arg2[%dma_start3A_49, %dma_start3A_50] : memref<10000x32xf32, #tpu.memory_space<hbm>> -> memref<10000x32xf32, #tpu.memory_space<hbm>>
    tpu.enqueue_indirect_dma source(%dma_start3A_51 : memref<10000x32xf32, #tpu.memory_space<hbm>>) target(%dma_start3A_45 : memref<80x32xf32, #tpu.memory_space<vmem>>) offsets(%dma_start3A_48 : memref<80xi32, #tpu.memory_space<vmem>>) semaphore(%arg14 : memref<!tpu.dma_semaphore, #tpu.memory_space<semaphore_mem>>)
    %dma_start3A_52 = arith.constant 4 : i32
    %dma_start3A_53 = arith.constant 4 : i32
    %dma_start3A_54 = arith.constant 0 : i32
    %dma_start3A_55 = arith.constant 0 : i32
    %dma_start3A_56 = tpu.memref_slice %arg9[%dma_start3A_53, %dma_start3A_54, %dma_start3A_55] : memref<5x80x32xf32, #tpu.memory_space<vmem>> -> memref<1x80x32xf32, #tpu.memory_space<vmem>>
    %dma_start3A_57 = tpu.memref_squeeze %dma_start3A_56 : memref<1x80x32xf32, #tpu.memory_space<vmem>> -> memref<80x32xf32, #tpu.memory_space<vmem>>
    %dma_start3A_58 = arith.constant 0 : i32
    %dma_start3A_59 = tpu.memref_slice %arg7[%dma_start3A_52, %dma_start3A_58] : memref<125x80xi32, #tpu.memory_space<vmem>> -> memref<1x80xi32, #tpu.memory_space<vmem>>
    %dma_start3A_60 = tpu.memref_squeeze %dma_start3A_59 : memref<1x80xi32, #tpu.memory_space<vmem>> -> memref<80xi32, #tpu.memory_space<vmem>>
    %dma_start3A_61 = arith.constant 0 : i32
    %dma_start3A_62 = arith.constant 0 : i32
    %dma_start3A_63 = tpu.memref_slice %arg2[%dma_start3A_61, %dma_start3A_62] : memref<10000x32xf32, #tpu.memory_space<hbm>> -> memref<10000x32xf32, #tpu.memory_space<hbm>>
    tpu.enqueue_indirect_dma source(%dma_start3A_63 : memref<10000x32xf32, #tpu.memory_space<hbm>>) target(%dma_start3A_57 : memref<80x32xf32, #tpu.memory_space<vmem>>) offsets(%dma_start3A_60 : memref<80xi32, #tpu.memory_space<vmem>>) semaphore(%arg15 : memref<!tpu.dma_semaphore, #tpu.memory_space<semaphore_mem>>)
    %scan3A = arith.constant 0 : i32
    %scan3A_64 = arith.constant 0 : i32
    %scan3A_65 = arith.constant 25 : i32
    %scan3A_66 = arith.addi %scan3A_64, %scan3A_65 : i32
    %scan3A_67 = arith.constant 1 : i32
    scf.for %scan3A_74 = %scan3A_64 to %scan3A_66 step %scan3A_67  : i32 {
      %mul3A_75 = arith.constant 5 : i32
      %mul3A_76 = arith.muli %scan3A_74, %mul3A_75 : i32
      %add3A_77 = arith.constant 0 : i32
      %add3A_78 = arith.addi %mul3A_76, %add3A_77 : i32
      %dma_wait3A = arith.constant 0 : i32
      %dma_wait3A_79 = arith.constant 0 : i32
      %dma_wait3A_80 = arith.constant 0 : i32
      %dma_wait3A_81 = tpu.memref_slice %arg9[%dma_wait3A, %dma_wait3A_79, %dma_wait3A_80] : memref<5x80x32xf32, #tpu.memory_space<vmem>> -> memref<1x80x32xf32, #tpu.memory_space<vmem>>
      %dma_wait3A_82 = tpu.memref_squeeze %dma_wait3A_81 : memref<1x80x32xf32, #tpu.memory_space<vmem>> -> memref<80x32xf32, #tpu.memory_space<vmem>>
      %dma_wait3A_83 = arith.constant 0 : i32
      %dma_wait3A_84 = tpu.memref_slice %arg7[%add3A_78, %dma_wait3A_83] : memref<125x80xi32, #tpu.memory_space<vmem>> -> memref<1x80xi32, #tpu.memory_space<vmem>>
      %dma_wait3A_85 = tpu.memref_squeeze %dma_wait3A_84 : memref<1x80xi32, #tpu.memory_space<vmem>> -> memref<80xi32, #tpu.memory_space<vmem>>
      %dma_wait3A_86 = arith.constant 0 : i32
      %dma_wait3A_87 = arith.constant 0 : i32
      %dma_wait3A_88 = tpu.memref_slice %arg2[%dma_wait3A_86, %dma_wait3A_87] : memref<10000x32xf32, #tpu.memory_space<hbm>> -> memref<10000x32xf32, #tpu.memory_space<hbm>>
      tpu.wait_indirect_dma semaphore(%arg11 : memref<!tpu.dma_semaphore, #tpu.memory_space<semaphore_mem>>) src(%dma_wait3A_88 : memref<10000x32xf32, #tpu.memory_space<hbm>>) dst(%dma_wait3A_82 : memref<80x32xf32, #tpu.memory_space<vmem>>)
      %run_scoped3A = arith.constant 0 : i32
      "tpu.region"() ({
        %run_scoped3A_185 = tpu.sem_alloc : memref<!tpu.dma_semaphore, #tpu.memory_space<semaphore_mem>>
        %dma_start3A_186 = arith.constant 0 : i32
        %dma_start3A_187 = arith.constant 0 : i32
        %dma_start3A_188 = tpu.memref_slice %arg9[%run_scoped3A, %dma_start3A_186, %dma_start3A_187] : memref<5x80x32xf32, #tpu.memory_space<vmem>> -> memref<1x80x32xf32, #tpu.memory_space<vmem>>
        %dma_start3A_189 = tpu.memref_squeeze %dma_start3A_188 : memref<1x80x32xf32, #tpu.memory_space<vmem>> -> memref<80x32xf32, #tpu.memory_space<vmem>>
        %dma_start3A_190 = arith.constant 0 : i32
        %dma_start3A_191 = tpu.memref_slice %arg8[%add3A_78, %dma_start3A_190] : memref<125x80xi32, #tpu.memory_space<vmem>> -> memref<1x80xi32, #tpu.memory_space<vmem>>
        %dma_start3A_192 = tpu.memref_squeeze %dma_start3A_191 : memref<1x80xi32, #tpu.memory_space<vmem>> -> memref<80xi32, #tpu.memory_space<vmem>>
        %dma_start3A_193 = arith.constant 0 : i32
        %dma_start3A_194 = arith.constant 0 : i32
        %dma_start3A_195 = tpu.memref_slice %arg10[%dma_start3A_193, %dma_start3A_194] : memref<10240x32xf32, #tpu.memory_space<vmem_shared>> -> memref<10240x32xf32, #tpu.memory_space<vmem_shared>>
        tpu.enqueue_indirect_dma source(%dma_start3A_189 : memref<80x32xf32, #tpu.memory_space<vmem>>) target(%dma_start3A_195 : memref<10240x32xf32, #tpu.memory_space<vmem_shared>>) offsets(%dma_start3A_192 : memref<80xi32, #tpu.memory_space<vmem>>) semaphore(%run_scoped3A_185 : memref<!tpu.dma_semaphore, #tpu.memory_space<semaphore_mem>>) {add = true}
        %dma_wait3A_196 = arith.constant 0 : i32
        %dma_wait3A_197 = arith.constant 0 : i32
        %dma_wait3A_198 = tpu.memref_slice %arg9[%run_scoped3A, %dma_wait3A_196, %dma_wait3A_197] : memref<5x80x32xf32, #tpu.memory_space<vmem>> -> memref<1x80x32xf32, #tpu.memory_space<vmem>>
        %dma_wait3A_199 = tpu.memref_squeeze %dma_wait3A_198 : memref<1x80x32xf32, #tpu.memory_space<vmem>> -> memref<80x32xf32, #tpu.memory_space<vmem>>
        %dma_wait3A_200 = arith.constant 0 : i32
        %dma_wait3A_201 = tpu.memref_slice %arg8[%add3A_78, %dma_wait3A_200] : memref<125x80xi32, #tpu.memory_space<vmem>> -> memref<1x80xi32, #tpu.memory_space<vmem>>
        %dma_wait3A_202 = tpu.memref_squeeze %dma_wait3A_201 : memref<1x80xi32, #tpu.memory_space<vmem>> -> memref<80xi32, #tpu.memory_space<vmem>>
        %dma_wait3A_203 = arith.constant 0 : i32
        %dma_wait3A_204 = arith.constant 0 : i32
        %dma_wait3A_205 = tpu.memref_slice %arg10[%dma_wait3A_203, %dma_wait3A_204] : memref<10240x32xf32, #tpu.memory_space<vmem_shared>> -> memref<10240x32xf32, #tpu.memory_space<vmem_shared>>
        tpu.wait_indirect_dma semaphore(%run_scoped3A_185 : memref<!tpu.dma_semaphore, #tpu.memory_space<semaphore_mem>>) src(%dma_wait3A_199 : memref<80x32xf32, #tpu.memory_space<vmem>>) dst(%dma_wait3A_205 : memref<10240x32xf32, #tpu.memory_space<vmem_shared>>)
        tpu.yield
      }) : () -> ()
      %add3A_89 = arith.constant 5 : i32
      %add3A_90 = arith.addi %add3A_78, %add3A_89 : i32
      %lt3A = arith.constant 125 : i32
      %lt3A_91 = arith.cmpi slt, %add3A_90, %lt3A : i32
      %convert_element_type3A = arith.extui %lt3A_91 : i1 to i32
      %cond3A = arith.constant 0 : i32
      %cond3A_92 = arith.cmpi ne, %convert_element_type3A, %cond3A : i32
      scf.if %cond3A_92 {
        %dma_start3A_185 = arith.constant 0 : i32
        %dma_start3A_186 = arith.constant 0 : i32
        %dma_start3A_187 = arith.constant 0 : i32
        %dma_start3A_188 = tpu.memref_slice %arg9[%dma_start3A_185, %dma_start3A_186, %dma_start3A_187] : memref<5x80x32xf32, #tpu.memory_space<vmem>> -> memref<1x80x32xf32, #tpu.memory_space<vmem>>
        %dma_start3A_189 = tpu.memref_squeeze %dma_start3A_188 : memref<1x80x32xf32, #tpu.memory_space<vmem>> -> memref<80x32xf32, #tpu.memory_space<vmem>>
        %dma_start3A_190 = arith.constant 0 : i32
        %dma_start3A_191 = tpu.memref_slice %arg7[%add3A_90, %dma_start3A_190] : memref<125x80xi32, #tpu.memory_space<vmem>> -> memref<1x80xi32, #tpu.memory_space<vmem>>
        %dma_start3A_192 = tpu.memref_squeeze %dma_start3A_191 : memref<1x80xi32, #tpu.memory_space<vmem>> -> memref<80xi32, #tpu.memory_space<vmem>>
        %dma_start3A_193 = arith.constant 0 : i32
        %dma_start3A_194 = arith.constant 0 : i32
        %dma_start3A_195 = tpu.memref_slice %arg2[%dma_start3A_193, %dma_start3A_194] : memref<10000x32xf32, #tpu.memory_space<hbm>> -> memref<10000x32xf32, #tpu.memory_space<hbm>>
        tpu.enqueue_indirect_dma source(%dma_start3A_195 : memref<10000x32xf32, #tpu.memory_space<hbm>>) target(%dma_start3A_189 : memref<80x32xf32, #tpu.memory_space<vmem>>) offsets(%dma_start3A_192 : memref<80xi32, #tpu.memory_space<vmem>>) semaphore(%arg11 : memref<!tpu.dma_semaphore, #tpu.memory_space<semaphore_mem>>)
      } else {
      }
      %mul3A_93 = arith.constant 5 : i32
      %mul3A_94 = arith.muli %scan3A_74, %mul3A_93 : i32
      %add3A_95 = arith.constant 1 : i32
      %add3A_96 = arith.addi %mul3A_94, %add3A_95 : i32
      %dma_wait3A_97 = arith.constant 1 : i32
      %dma_wait3A_98 = arith.constant 0 : i32
      %dma_wait3A_99 = arith.constant 0 : i32
      %dma_wait3A_100 = tpu.memref_slice %arg9[%dma_wait3A_97, %dma_wait3A_98, %dma_wait3A_99] : memref<5x80x32xf32, #tpu.memory_space<vmem>> -> memref<1x80x32xf32, #tpu.memory_space<vmem>>
      %dma_wait3A_101 = tpu.memref_squeeze %dma_wait3A_100 : memref<1x80x32xf32, #tpu.memory_space<vmem>> -> memref<80x32xf32, #tpu.memory_space<vmem>>
      %dma_wait3A_102 = arith.constant 0 : i32
      %dma_wait3A_103 = tpu.memref_slice %arg7[%add3A_96, %dma_wait3A_102] : memref<125x80xi32, #tpu.memory_space<vmem>> -> memref<1x80xi32, #tpu.memory_space<vmem>>
      %dma_wait3A_104 = tpu.memref_squeeze %dma_wait3A_103 : memref<1x80xi32, #tpu.memory_space<vmem>> -> memref<80xi32, #tpu.memory_space<vmem>>
      %dma_wait3A_105 = arith.constant 0 : i32
      %dma_wait3A_106 = arith.constant 0 : i32
      %dma_wait3A_107 = tpu.memref_slice %arg2[%dma_wait3A_105, %dma_wait3A_106] : memref<10000x32xf32, #tpu.memory_space<hbm>> -> memref<10000x32xf32, #tpu.memory_space<hbm>>
      tpu.wait_indirect_dma semaphore(%arg12 : memref<!tpu.dma_semaphore, #tpu.memory_space<semaphore_mem>>) src(%dma_wait3A_107 : memref<10000x32xf32, #tpu.memory_space<hbm>>) dst(%dma_wait3A_101 : memref<80x32xf32, #tpu.memory_space<vmem>>)
      %run_scoped3A_108 = arith.constant 1 : i32
      "tpu.region"() ({
        %run_scoped3A_185 = tpu.sem_alloc : memref<!tpu.dma_semaphore, #tpu.memory_space<semaphore_mem>>
        %dma_start3A_186 = arith.constant 0 : i32
        %dma_start3A_187 = arith.constant 0 : i32
        %dma_start3A_188 = tpu.memref_slice %arg9[%run_scoped3A_108, %dma_start3A_186, %dma_start3A_187] : memref<5x80x32xf32, #tpu.memory_space<vmem>> -> memref<1x80x32xf32, #tpu.memory_space<vmem>>
        %dma_start3A_189 = tpu.memref_squeeze %dma_start3A_188 : memref<1x80x32xf32, #tpu.memory_space<vmem>> -> memref<80x32xf32, #tpu.memory_space<vmem>>
        %dma_start3A_190 = arith.constant 0 : i32
        %dma_start3A_191 = tpu.memref_slice %arg8[%add3A_96, %dma_start3A_190] : memref<125x80xi32, #tpu.memory_space<vmem>> -> memref<1x80xi32, #tpu.memory_space<vmem>>
        %dma_start3A_192 = tpu.memref_squeeze %dma_start3A_191 : memref<1x80xi32, #tpu.memory_space<vmem>> -> memref<80xi32, #tpu.memory_space<vmem>>
        %dma_start3A_193 = arith.constant 0 : i32
        %dma_start3A_194 = arith.constant 0 : i32
        %dma_start3A_195 = tpu.memref_slice %arg10[%dma_start3A_193, %dma_start3A_194] : memref<10240x32xf32, #tpu.memory_space<vmem_shared>> -> memref<10240x32xf32, #tpu.memory_space<vmem_shared>>
        tpu.enqueue_indirect_dma source(%dma_start3A_189 : memref<80x32xf32, #tpu.memory_space<vmem>>) target(%dma_start3A_195 : memref<10240x32xf32, #tpu.memory_space<vmem_shared>>) offsets(%dma_start3A_192 : memref<80xi32, #tpu.memory_space<vmem>>) semaphore(%run_scoped3A_185 : memref<!tpu.dma_semaphore, #tpu.memory_space<semaphore_mem>>) {add = true}
        %dma_wait3A_196 = arith.constant 0 : i32
        %dma_wait3A_197 = arith.constant 0 : i32
        %dma_wait3A_198 = tpu.memref_slice %arg9[%run_scoped3A_108, %dma_wait3A_196, %dma_wait3A_197] : memref<5x80x32xf32, #tpu.memory_space<vmem>> -> memref<1x80x32xf32, #tpu.memory_space<vmem>>
        %dma_wait3A_199 = tpu.memref_squeeze %dma_wait3A_198 : memref<1x80x32xf32, #tpu.memory_space<vmem>> -> memref<80x32xf32, #tpu.memory_space<vmem>>
        %dma_wait3A_200 = arith.constant 0 : i32
        %dma_wait3A_201 = tpu.memref_slice %arg8[%add3A_96, %dma_wait3A_200] : memref<125x80xi32, #tpu.memory_space<vmem>> -> memref<1x80xi32, #tpu.memory_space<vmem>>
        %dma_wait3A_202 = tpu.memref_squeeze %dma_wait3A_201 : memref<1x80xi32, #tpu.memory_space<vmem>> -> memref<80xi32, #tpu.memory_space<vmem>>
        %dma_wait3A_203 = arith.constant 0 : i32
        %dma_wait3A_204 = arith.constant 0 : i32
        %dma_wait3A_205 = tpu.memref_slice %arg10[%dma_wait3A_203, %dma_wait3A_204] : memref<10240x32xf32, #tpu.memory_space<vmem_shared>> -> memref<10240x32xf32, #tpu.memory_space<vmem_shared>>
        tpu.wait_indirect_dma semaphore(%run_scoped3A_185 : memref<!tpu.dma_semaphore, #tpu.memory_space<semaphore_mem>>) src(%dma_wait3A_199 : memref<80x32xf32, #tpu.memory_space<vmem>>) dst(%dma_wait3A_205 : memref<10240x32xf32, #tpu.memory_space<vmem_shared>>)
        tpu.yield
      }) : () -> ()
      %add3A_109 = arith.constant 5 : i32
      %add3A_110 = arith.addi %add3A_96, %add3A_109 : i32
      %lt3A_111 = arith.constant 125 : i32
      %lt3A_112 = arith.cmpi slt, %add3A_110, %lt3A_111 : i32
      %convert_element_type3A_113 = arith.extui %lt3A_112 : i1 to i32
      %cond3A_114 = arith.constant 0 : i32
      %cond3A_115 = arith.cmpi ne, %convert_element_type3A_113, %cond3A_114 : i32
      scf.if %cond3A_115 {
        %dma_start3A_185 = arith.constant 1 : i32
        %dma_start3A_186 = arith.constant 0 : i32
        %dma_start3A_187 = arith.constant 0 : i32
        %dma_start3A_188 = tpu.memref_slice %arg9[%dma_start3A_185, %dma_start3A_186, %dma_start3A_187] : memref<5x80x32xf32, #tpu.memory_space<vmem>> -> memref<1x80x32xf32, #tpu.memory_space<vmem>>
        %dma_start3A_189 = tpu.memref_squeeze %dma_start3A_188 : memref<1x80x32xf32, #tpu.memory_space<vmem>> -> memref<80x32xf32, #tpu.memory_space<vmem>>
        %dma_start3A_190 = arith.constant 0 : i32
        %dma_start3A_191 = tpu.memref_slice %arg7[%add3A_110, %dma_start3A_190] : memref<125x80xi32, #tpu.memory_space<vmem>> -> memref<1x80xi32, #tpu.memory_space<vmem>>
        %dma_start3A_192 = tpu.memref_squeeze %dma_start3A_191 : memref<1x80xi32, #tpu.memory_space<vmem>> -> memref<80xi32, #tpu.memory_space<vmem>>
        %dma_start3A_193 = arith.constant 0 : i32
        %dma_start3A_194 = arith.constant 0 : i32
        %dma_start3A_195 = tpu.memref_slice %arg2[%dma_start3A_193, %dma_start3A_194] : memref<10000x32xf32, #tpu.memory_space<hbm>> -> memref<10000x32xf32, #tpu.memory_space<hbm>>
        tpu.enqueue_indirect_dma source(%dma_start3A_195 : memref<10000x32xf32, #tpu.memory_space<hbm>>) target(%dma_start3A_189 : memref<80x32xf32, #tpu.memory_space<vmem>>) offsets(%dma_start3A_192 : memref<80xi32, #tpu.memory_space<vmem>>) semaphore(%arg12 : memref<!tpu.dma_semaphore, #tpu.memory_space<semaphore_mem>>)
      } else {
      }
      %mul3A_116 = arith.constant 5 : i32
      %mul3A_117 = arith.muli %scan3A_74, %mul3A_116 : i32
      %add3A_118 = arith.constant 2 : i32
      %add3A_119 = arith.addi %mul3A_117, %add3A_118 : i32
      %dma_wait3A_120 = arith.constant 2 : i32
      %dma_wait3A_121 = arith.constant 0 : i32
      %dma_wait3A_122 = arith.constant 0 : i32
      %dma_wait3A_123 = tpu.memref_slice %arg9[%dma_wait3A_120, %dma_wait3A_121, %dma_wait3A_122] : memref<5x80x32xf32, #tpu.memory_space<vmem>> -> memref<1x80x32xf32, #tpu.memory_space<vmem>>
      %dma_wait3A_124 = tpu.memref_squeeze %dma_wait3A_123 : memref<1x80x32xf32, #tpu.memory_space<vmem>> -> memref<80x32xf32, #tpu.memory_space<vmem>>
      %dma_wait3A_125 = arith.constant 0 : i32
      %dma_wait3A_126 = tpu.memref_slice %arg7[%add3A_119, %dma_wait3A_125] : memref<125x80xi32, #tpu.memory_space<vmem>> -> memref<1x80xi32, #tpu.memory_space<vmem>>
      %dma_wait3A_127 = tpu.memref_squeeze %dma_wait3A_126 : memref<1x80xi32, #tpu.memory_space<vmem>> -> memref<80xi32, #tpu.memory_space<vmem>>
      %dma_wait3A_128 = arith.constant 0 : i32
      %dma_wait3A_129 = arith.constant 0 : i32
      %dma_wait3A_130 = tpu.memref_slice %arg2[%dma_wait3A_128, %dma_wait3A_129] : memref<10000x32xf32, #tpu.memory_space<hbm>> -> memref<10000x32xf32, #tpu.memory_space<hbm>>
      tpu.wait_indirect_dma semaphore(%arg13 : memref<!tpu.dma_semaphore, #tpu.memory_space<semaphore_mem>>) src(%dma_wait3A_130 : memref<10000x32xf32, #tpu.memory_space<hbm>>) dst(%dma_wait3A_124 : memref<80x32xf32, #tpu.memory_space<vmem>>)
      %run_scoped3A_131 = arith.constant 2 : i32
      "tpu.region"() ({
        %run_scoped3A_185 = tpu.sem_alloc : memref<!tpu.dma_semaphore, #tpu.memory_space<semaphore_mem>>
        %dma_start3A_186 = arith.constant 0 : i32
        %dma_start3A_187 = arith.constant 0 : i32
        %dma_start3A_188 = tpu.memref_slice %arg9[%run_scoped3A_131, %dma_start3A_186, %dma_start3A_187] : memref<5x80x32xf32, #tpu.memory_space<vmem>> -> memref<1x80x32xf32, #tpu.memory_space<vmem>>
        %dma_start3A_189 = tpu.memref_squeeze %dma_start3A_188 : memref<1x80x32xf32, #tpu.memory_space<vmem>> -> memref<80x32xf32, #tpu.memory_space<vmem>>
        %dma_start3A_190 = arith.constant 0 : i32
        %dma_start3A_191 = tpu.memref_slice %arg8[%add3A_119, %dma_start3A_190] : memref<125x80xi32, #tpu.memory_space<vmem>> -> memref<1x80xi32, #tpu.memory_space<vmem>>
        %dma_start3A_192 = tpu.memref_squeeze %dma_start3A_191 : memref<1x80xi32, #tpu.memory_space<vmem>> -> memref<80xi32, #tpu.memory_space<vmem>>
        %dma_start3A_193 = arith.constant 0 : i32
        %dma_start3A_194 = arith.constant 0 : i32
        %dma_start3A_195 = tpu.memref_slice %arg10[%dma_start3A_193, %dma_start3A_194] : memref<10240x32xf32, #tpu.memory_space<vmem_shared>> -> memref<10240x32xf32, #tpu.memory_space<vmem_shared>>
        tpu.enqueue_indirect_dma source(%dma_start3A_189 : memref<80x32xf32, #tpu.memory_space<vmem>>) target(%dma_start3A_195 : memref<10240x32xf32, #tpu.memory_space<vmem_shared>>) offsets(%dma_start3A_192 : memref<80xi32, #tpu.memory_space<vmem>>) semaphore(%run_scoped3A_185 : memref<!tpu.dma_semaphore, #tpu.memory_space<semaphore_mem>>) {add = true}
        %dma_wait3A_196 = arith.constant 0 : i32
        %dma_wait3A_197 = arith.constant 0 : i32
        %dma_wait3A_198 = tpu.memref_slice %arg9[%run_scoped3A_131, %dma_wait3A_196, %dma_wait3A_197] : memref<5x80x32xf32, #tpu.memory_space<vmem>> -> memref<1x80x32xf32, #tpu.memory_space<vmem>>
        %dma_wait3A_199 = tpu.memref_squeeze %dma_wait3A_198 : memref<1x80x32xf32, #tpu.memory_space<vmem>> -> memref<80x32xf32, #tpu.memory_space<vmem>>
        %dma_wait3A_200 = arith.constant 0 : i32
        %dma_wait3A_201 = tpu.memref_slice %arg8[%add3A_119, %dma_wait3A_200] : memref<125x80xi32, #tpu.memory_space<vmem>> -> memref<1x80xi32, #tpu.memory_space<vmem>>
        %dma_wait3A_202 = tpu.memref_squeeze %dma_wait3A_201 : memref<1x80xi32, #tpu.memory_space<vmem>> -> memref<80xi32, #tpu.memory_space<vmem>>
        %dma_wait3A_203 = arith.constant 0 : i32
        %dma_wait3A_204 = arith.constant 0 : i32
        %dma_wait3A_205 = tpu.memref_slice %arg10[%dma_wait3A_203, %dma_wait3A_204] : memref<10240x32xf32, #tpu.memory_space<vmem_shared>> -> memref<10240x32xf32, #tpu.memory_space<vmem_shared>>
        tpu.wait_indirect_dma semaphore(%run_scoped3A_185 : memref<!tpu.dma_semaphore, #tpu.memory_space<semaphore_mem>>) src(%dma_wait3A_199 : memref<80x32xf32, #tpu.memory_space<vmem>>) dst(%dma_wait3A_205 : memref<10240x32xf32, #tpu.memory_space<vmem_shared>>)
        tpu.yield
      }) : () -> ()
      %add3A_132 = arith.constant 5 : i32
      %add3A_133 = arith.addi %add3A_119, %add3A_132 : i32
      %lt3A_134 = arith.constant 125 : i32
      %lt3A_135 = arith.cmpi slt, %add3A_133, %lt3A_134 : i32
      %convert_element_type3A_136 = arith.extui %lt3A_135 : i1 to i32
      %cond3A_137 = arith.constant 0 : i32
      %cond3A_138 = arith.cmpi ne, %convert_element_type3A_136, %cond3A_137 : i32
      scf.if %cond3A_138 {
        %dma_start3A_185 = arith.constant 2 : i32
        %dma_start3A_186 = arith.constant 0 : i32
        %dma_start3A_187 = arith.constant 0 : i32
        %dma_start3A_188 = tpu.memref_slice %arg9[%dma_start3A_185, %dma_start3A_186, %dma_start3A_187] : memref<5x80x32xf32, #tpu.memory_space<vmem>> -> memref<1x80x32xf32, #tpu.memory_space<vmem>>
        %dma_start3A_189 = tpu.memref_squeeze %dma_start3A_188 : memref<1x80x32xf32, #tpu.memory_space<vmem>> -> memref<80x32xf32, #tpu.memory_space<vmem>>
        %dma_start3A_190 = arith.constant 0 : i32
        %dma_start3A_191 = tpu.memref_slice %arg7[%add3A_133, %dma_start3A_190] : memref<125x80xi32, #tpu.memory_space<vmem>> -> memref<1x80xi32, #tpu.memory_space<vmem>>
        %dma_start3A_192 = tpu.memref_squeeze %dma_start3A_191 : memref<1x80xi32, #tpu.memory_space<vmem>> -> memref<80xi32, #tpu.memory_space<vmem>>
        %dma_start3A_193 = arith.constant 0 : i32
        %dma_start3A_194 = arith.constant 0 : i32
        %dma_start3A_195 = tpu.memref_slice %arg2[%dma_start3A_193, %dma_start3A_194] : memref<10000x32xf32, #tpu.memory_space<hbm>> -> memref<10000x32xf32, #tpu.memory_space<hbm>>
        tpu.enqueue_indirect_dma source(%dma_start3A_195 : memref<10000x32xf32, #tpu.memory_space<hbm>>) target(%dma_start3A_189 : memref<80x32xf32, #tpu.memory_space<vmem>>) offsets(%dma_start3A_192 : memref<80xi32, #tpu.memory_space<vmem>>) semaphore(%arg13 : memref<!tpu.dma_semaphore, #tpu.memory_space<semaphore_mem>>)
      } else {
      }
      %mul3A_139 = arith.constant 5 : i32
      %mul3A_140 = arith.muli %scan3A_74, %mul3A_139 : i32
      %add3A_141 = arith.constant 3 : i32
      %add3A_142 = arith.addi %mul3A_140, %add3A_141 : i32
      %dma_wait3A_143 = arith.constant 3 : i32
      %dma_wait3A_144 = arith.constant 0 : i32
      %dma_wait3A_145 = arith.constant 0 : i32
      %dma_wait3A_146 = tpu.memref_slice %arg9[%dma_wait3A_143, %dma_wait3A_144, %dma_wait3A_145] : memref<5x80x32xf32, #tpu.memory_space<vmem>> -> memref<1x80x32xf32, #tpu.memory_space<vmem>>
      %dma_wait3A_147 = tpu.memref_squeeze %dma_wait3A_146 : memref<1x80x32xf32, #tpu.memory_space<vmem>> -> memref<80x32xf32, #tpu.memory_space<vmem>>
      %dma_wait3A_148 = arith.constant 0 : i32
      %dma_wait3A_149 = tpu.memref_slice %arg7[%add3A_142, %dma_wait3A_148] : memref<125x80xi32, #tpu.memory_space<vmem>> -> memref<1x80xi32, #tpu.memory_space<vmem>>
      %dma_wait3A_150 = tpu.memref_squeeze %dma_wait3A_149 : memref<1x80xi32, #tpu.memory_space<vmem>> -> memref<80xi32, #tpu.memory_space<vmem>>
      %dma_wait3A_151 = arith.constant 0 : i32
      %dma_wait3A_152 = arith.constant 0 : i32
      %dma_wait3A_153 = tpu.memref_slice %arg2[%dma_wait3A_151, %dma_wait3A_152] : memref<10000x32xf32, #tpu.memory_space<hbm>> -> memref<10000x32xf32, #tpu.memory_space<hbm>>
      tpu.wait_indirect_dma semaphore(%arg14 : memref<!tpu.dma_semaphore, #tpu.memory_space<semaphore_mem>>) src(%dma_wait3A_153 : memref<10000x32xf32, #tpu.memory_space<hbm>>) dst(%dma_wait3A_147 : memref<80x32xf32, #tpu.memory_space<vmem>>)
      %run_scoped3A_154 = arith.constant 3 : i32
      "tpu.region"() ({
        %run_scoped3A_185 = tpu.sem_alloc : memref<!tpu.dma_semaphore, #tpu.memory_space<semaphore_mem>>
        %dma_start3A_186 = arith.constant 0 : i32
        %dma_start3A_187 = arith.constant 0 : i32
        %dma_start3A_188 = tpu.memref_slice %arg9[%run_scoped3A_154, %dma_start3A_186, %dma_start3A_187] : memref<5x80x32xf32, #tpu.memory_space<vmem>> -> memref<1x80x32xf32, #tpu.memory_space<vmem>>
        %dma_start3A_189 = tpu.memref_squeeze %dma_start3A_188 : memref<1x80x32xf32, #tpu.memory_space<vmem>> -> memref<80x32xf32, #tpu.memory_space<vmem>>
        %dma_start3A_190 = arith.constant 0 : i32
        %dma_start3A_191 = tpu.memref_slice %arg8[%add3A_142, %dma_start3A_190] : memref<125x80xi32, #tpu.memory_space<vmem>> -> memref<1x80xi32, #tpu.memory_space<vmem>>
        %dma_start3A_192 = tpu.memref_squeeze %dma_start3A_191 : memref<1x80xi32, #tpu.memory_space<vmem>> -> memref<80xi32, #tpu.memory_space<vmem>>
        %dma_start3A_193 = arith.constant 0 : i32
        %dma_start3A_194 = arith.constant 0 : i32
        %dma_start3A_195 = tpu.memref_slice %arg10[%dma_start3A_193, %dma_start3A_194] : memref<10240x32xf32, #tpu.memory_space<vmem_shared>> -> memref<10240x32xf32, #tpu.memory_space<vmem_shared>>
        tpu.enqueue_indirect_dma source(%dma_start3A_189 : memref<80x32xf32, #tpu.memory_space<vmem>>) target(%dma_start3A_195 : memref<10240x32xf32, #tpu.memory_space<vmem_shared>>) offsets(%dma_start3A_192 : memref<80xi32, #tpu.memory_space<vmem>>) semaphore(%run_scoped3A_185 : memref<!tpu.dma_semaphore, #tpu.memory_space<semaphore_mem>>) {add = true}
        %dma_wait3A_196 = arith.constant 0 : i32
        %dma_wait3A_197 = arith.constant 0 : i32
        %dma_wait3A_198 = tpu.memref_slice %arg9[%run_scoped3A_154, %dma_wait3A_196, %dma_wait3A_197] : memref<5x80x32xf32, #tpu.memory_space<vmem>> -> memref<1x80x32xf32, #tpu.memory_space<vmem>>
        %dma_wait3A_199 = tpu.memref_squeeze %dma_wait3A_198 : memref<1x80x32xf32, #tpu.memory_space<vmem>> -> memref<80x32xf32, #tpu.memory_space<vmem>>
        %dma_wait3A_200 = arith.constant 0 : i32
        %dma_wait3A_201 = tpu.memref_slice %arg8[%add3A_142, %dma_wait3A_200] : memref<125x80xi32, #tpu.memory_space<vmem>> -> memref<1x80xi32, #tpu.memory_space<vmem>>
        %dma_wait3A_202 = tpu.memref_squeeze %dma_wait3A_201 : memref<1x80xi32, #tpu.memory_space<vmem>> -> memref<80xi32, #tpu.memory_space<vmem>>
        %dma_wait3A_203 = arith.constant 0 : i32
        %dma_wait3A_204 = arith.constant 0 : i32
        %dma_wait3A_205 = tpu.memref_slice %arg10[%dma_wait3A_203, %dma_wait3A_204] : memref<10240x32xf32, #tpu.memory_space<vmem_shared>> -> memref<10240x32xf32, #tpu.memory_space<vmem_shared>>
        tpu.wait_indirect_dma semaphore(%run_scoped3A_185 : memref<!tpu.dma_semaphore, #tpu.memory_space<semaphore_mem>>) src(%dma_wait3A_199 : memref<80x32xf32, #tpu.memory_space<vmem>>) dst(%dma_wait3A_205 : memref<10240x32xf32, #tpu.memory_space<vmem_shared>>)
        tpu.yield
      }) : () -> ()
      %add3A_155 = arith.constant 5 : i32
      %add3A_156 = arith.addi %add3A_142, %add3A_155 : i32
      %lt3A_157 = arith.constant 125 : i32
      %lt3A_158 = arith.cmpi slt, %add3A_156, %lt3A_157 : i32
      %convert_element_type3A_159 = arith.extui %lt3A_158 : i1 to i32
      %cond3A_160 = arith.constant 0 : i32
      %cond3A_161 = arith.cmpi ne, %convert_element_type3A_159, %cond3A_160 : i32
      scf.if %cond3A_161 {
        %dma_start3A_185 = arith.constant 3 : i32
        %dma_start3A_186 = arith.constant 0 : i32
        %dma_start3A_187 = arith.constant 0 : i32
        %dma_start3A_188 = tpu.memref_slice %arg9[%dma_start3A_185, %dma_start3A_186, %dma_start3A_187] : memref<5x80x32xf32, #tpu.memory_space<vmem>> -> memref<1x80x32xf32, #tpu.memory_space<vmem>>
        %dma_start3A_189 = tpu.memref_squeeze %dma_start3A_188 : memref<1x80x32xf32, #tpu.memory_space<vmem>> -> memref<80x32xf32, #tpu.memory_space<vmem>>
        %dma_start3A_190 = arith.constant 0 : i32
        %dma_start3A_191 = tpu.memref_slice %arg7[%add3A_156, %dma_start3A_190] : memref<125x80xi32, #tpu.memory_space<vmem>> -> memref<1x80xi32, #tpu.memory_space<vmem>>
        %dma_start3A_192 = tpu.memref_squeeze %dma_start3A_191 : memref<1x80xi32, #tpu.memory_space<vmem>> -> memref<80xi32, #tpu.memory_space<vmem>>
        %dma_start3A_193 = arith.constant 0 : i32
        %dma_start3A_194 = arith.constant 0 : i32
        %dma_start3A_195 = tpu.memref_slice %arg2[%dma_start3A_193, %dma_start3A_194] : memref<10000x32xf32, #tpu.memory_space<hbm>> -> memref<10000x32xf32, #tpu.memory_space<hbm>>
        tpu.enqueue_indirect_dma source(%dma_start3A_195 : memref<10000x32xf32, #tpu.memory_space<hbm>>) target(%dma_start3A_189 : memref<80x32xf32, #tpu.memory_space<vmem>>) offsets(%dma_start3A_192 : memref<80xi32, #tpu.memory_space<vmem>>) semaphore(%arg14 : memref<!tpu.dma_semaphore, #tpu.memory_space<semaphore_mem>>)
      } else {
      }
      %mul3A_162 = arith.constant 5 : i32
      %mul3A_163 = arith.muli %scan3A_74, %mul3A_162 : i32
      %add3A_164 = arith.constant 4 : i32
      %add3A_165 = arith.addi %mul3A_163, %add3A_164 : i32
      %dma_wait3A_166 = arith.constant 4 : i32
      %dma_wait3A_167 = arith.constant 0 : i32
      %dma_wait3A_168 = arith.constant 0 : i32
      %dma_wait3A_169 = tpu.memref_slice %arg9[%dma_wait3A_166, %dma_wait3A_167, %dma_wait3A_168] : memref<5x80x32xf32, #tpu.memory_space<vmem>> -> memref<1x80x32xf32, #tpu.memory_space<vmem>>
      %dma_wait3A_170 = tpu.memref_squeeze %dma_wait3A_169 : memref<1x80x32xf32, #tpu.memory_space<vmem>> -> memref<80x32xf32, #tpu.memory_space<vmem>>
      %dma_wait3A_171 = arith.constant 0 : i32
      %dma_wait3A_172 = tpu.memref_slice %arg7[%add3A_165, %dma_wait3A_171] : memref<125x80xi32, #tpu.memory_space<vmem>> -> memref<1x80xi32, #tpu.memory_space<vmem>>
      %dma_wait3A_173 = tpu.memref_squeeze %dma_wait3A_172 : memref<1x80xi32, #tpu.memory_space<vmem>> -> memref<80xi32, #tpu.memory_space<vmem>>
      %dma_wait3A_174 = arith.constant 0 : i32
      %dma_wait3A_175 = arith.constant 0 : i32
      %dma_wait3A_176 = tpu.memref_slice %arg2[%dma_wait3A_174, %dma_wait3A_175] : memref<10000x32xf32, #tpu.memory_space<hbm>> -> memref<10000x32xf32, #tpu.memory_space<hbm>>
      tpu.wait_indirect_dma semaphore(%arg15 : memref<!tpu.dma_semaphore, #tpu.memory_space<semaphore_mem>>) src(%dma_wait3A_176 : memref<10000x32xf32, #tpu.memory_space<hbm>>) dst(%dma_wait3A_170 : memref<80x32xf32, #tpu.memory_space<vmem>>)
      %run_scoped3A_177 = arith.constant 4 : i32
      "tpu.region"() ({
        %run_scoped3A_185 = tpu.sem_alloc : memref<!tpu.dma_semaphore, #tpu.memory_space<semaphore_mem>>
        %dma_start3A_186 = arith.constant 0 : i32
        %dma_start3A_187 = arith.constant 0 : i32
        %dma_start3A_188 = tpu.memref_slice %arg9[%run_scoped3A_177, %dma_start3A_186, %dma_start3A_187] : memref<5x80x32xf32, #tpu.memory_space<vmem>> -> memref<1x80x32xf32, #tpu.memory_space<vmem>>
        %dma_start3A_189 = tpu.memref_squeeze %dma_start3A_188 : memref<1x80x32xf32, #tpu.memory_space<vmem>> -> memref<80x32xf32, #tpu.memory_space<vmem>>
        %dma_start3A_190 = arith.constant 0 : i32
        %dma_start3A_191 = tpu.memref_slice %arg8[%add3A_165, %dma_start3A_190] : memref<125x80xi32, #tpu.memory_space<vmem>> -> memref<1x80xi32, #tpu.memory_space<vmem>>
        %dma_start3A_192 = tpu.memref_squeeze %dma_start3A_191 : memref<1x80xi32, #tpu.memory_space<vmem>> -> memref<80xi32, #tpu.memory_space<vmem>>
        %dma_start3A_193 = arith.constant 0 : i32
        %dma_start3A_194 = arith.constant 0 : i32
        %dma_start3A_195 = tpu.memref_slice %arg10[%dma_start3A_193, %dma_start3A_194] : memref<10240x32xf32, #tpu.memory_space<vmem_shared>> -> memref<10240x32xf32, #tpu.memory_space<vmem_shared>>
        tpu.enqueue_indirect_dma source(%dma_start3A_189 : memref<80x32xf32, #tpu.memory_space<vmem>>) target(%dma_start3A_195 : memref<10240x32xf32, #tpu.memory_space<vmem_shared>>) offsets(%dma_start3A_192 : memref<80xi32, #tpu.memory_space<vmem>>) semaphore(%run_scoped3A_185 : memref<!tpu.dma_semaphore, #tpu.memory_space<semaphore_mem>>) {add = true}
        %dma_wait3A_196 = arith.constant 0 : i32
        %dma_wait3A_197 = arith.constant 0 : i32
        %dma_wait3A_198 = tpu.memref_slice %arg9[%run_scoped3A_177, %dma_wait3A_196, %dma_wait3A_197] : memref<5x80x32xf32, #tpu.memory_space<vmem>> -> memref<1x80x32xf32, #tpu.memory_space<vmem>>
        %dma_wait3A_199 = tpu.memref_squeeze %dma_wait3A_198 : memref<1x80x32xf32, #tpu.memory_space<vmem>> -> memref<80x32xf32, #tpu.memory_space<vmem>>
        %dma_wait3A_200 = arith.constant 0 : i32
        %dma_wait3A_201 = tpu.memref_slice %arg8[%add3A_165, %dma_wait3A_200] : memref<125x80xi32, #tpu.memory_space<vmem>> -> memref<1x80xi32, #tpu.memory_space<vmem>>
        %dma_wait3A_202 = tpu.memref_squeeze %dma_wait3A_201 : memref<1x80xi32, #tpu.memory_space<vmem>> -> memref<80xi32, #tpu.memory_space<vmem>>
        %dma_wait3A_203 = arith.constant 0 : i32
        %dma_wait3A_204 = arith.constant 0 : i32
        %dma_wait3A_205 = tpu.memref_slice %arg10[%dma_wait3A_203, %dma_wait3A_204] : memref<10240x32xf32, #tpu.memory_space<vmem_shared>> -> memref<10240x32xf32, #tpu.memory_space<vmem_shared>>
        tpu.wait_indirect_dma semaphore(%run_scoped3A_185 : memref<!tpu.dma_semaphore, #tpu.memory_space<semaphore_mem>>) src(%dma_wait3A_199 : memref<80x32xf32, #tpu.memory_space<vmem>>) dst(%dma_wait3A_205 : memref<10240x32xf32, #tpu.memory_space<vmem_shared>>)
        tpu.yield
      }) : () -> ()
      %add3A_178 = arith.constant 5 : i32
      %add3A_179 = arith.addi %add3A_165, %add3A_178 : i32
      %lt3A_180 = arith.constant 125 : i32
      %lt3A_181 = arith.cmpi slt, %add3A_179, %lt3A_180 : i32
      %convert_element_type3A_182 = arith.extui %lt3A_181 : i1 to i32
      %cond3A_183 = arith.constant 0 : i32
      %cond3A_184 = arith.cmpi ne, %convert_element_type3A_182, %cond3A_183 : i32
      scf.if %cond3A_184 {
        %dma_start3A_185 = arith.constant 4 : i32
        %dma_start3A_186 = arith.constant 0 : i32
        %dma_start3A_187 = arith.constant 0 : i32
        %dma_start3A_188 = tpu.memref_slice %arg9[%dma_start3A_185, %dma_start3A_186, %dma_start3A_187] : memref<5x80x32xf32, #tpu.memory_space<vmem>> -> memref<1x80x32xf32, #tpu.memory_space<vmem>>
        %dma_start3A_189 = tpu.memref_squeeze %dma_start3A_188 : memref<1x80x32xf32, #tpu.memory_space<vmem>> -> memref<80x32xf32, #tpu.memory_space<vmem>>
        %dma_start3A_190 = arith.constant 0 : i32
        %dma_start3A_191 = tpu.memref_slice %arg7[%add3A_179, %dma_start3A_190] : memref<125x80xi32, #tpu.memory_space<vmem>> -> memref<1x80xi32, #tpu.memory_space<vmem>>
        %dma_start3A_192 = tpu.memref_squeeze %dma_start3A_191 : memref<1x80xi32, #tpu.memory_space<vmem>> -> memref<80xi32, #tpu.memory_space<vmem>>
        %dma_start3A_193 = arith.constant 0 : i32
        %dma_start3A_194 = arith.constant 0 : i32
        %dma_start3A_195 = tpu.memref_slice %arg2[%dma_start3A_193, %dma_start3A_194] : memref<10000x32xf32, #tpu.memory_space<hbm>> -> memref<10000x32xf32, #tpu.memory_space<hbm>>
        tpu.enqueue_indirect_dma source(%dma_start3A_195 : memref<10000x32xf32, #tpu.memory_space<hbm>>) target(%dma_start3A_189 : memref<80x32xf32, #tpu.memory_space<vmem>>) offsets(%dma_start3A_192 : memref<80xi32, #tpu.memory_space<vmem>>) semaphore(%arg15 : memref<!tpu.dma_semaphore, #tpu.memory_space<semaphore_mem>>)
      } else {
      }
    }
    %scan3A_68 = arith.constant 25 : i32
    %barrier3A_69 = arith.constant 0 : index
    tpu.barrier barrier_id(%barrier3A_69)
    %mul3A_70 = arith.constant 640 : i32
    %mul3A_71 = arith.muli %arg1, %mul3A_70 : i32
    %mul3A_72 = arith.constant 640 : i32
    %mul3A_73 = arith.muli %arg1, %mul3A_72 : i32
    "tpu.region"() ({
      %run_scoped3A = tpu.sem_alloc : memref<!tpu.dma_semaphore, #tpu.memory_space<semaphore_mem>>
      %dma_start3A_74 = arith.constant 0 : i32
      %dma_start3A_75 = tpu.memref_slice %arg6[%arg0, %mul3A_73, %dma_start3A_74] : memref<2x10240x32xf32, #tpu.memory_space<hbm>> -> memref<1x640x32xf32, #tpu.memory_space<hbm>>
      %dma_start3A_76 = tpu.memref_squeeze %dma_start3A_75 : memref<1x640x32xf32, #tpu.memory_space<hbm>> -> memref<640x32xf32, #tpu.memory_space<hbm>>
      %dma_start3A_77 = arith.constant 0 : i32
      %dma_start3A_78 = tpu.memref_slice %arg10[%mul3A_71, %dma_start3A_77] : memref<10240x32xf32, #tpu.memory_space<vmem_shared>> -> memref<640x32xf32, #tpu.memory_space<vmem_shared>>
      tpu.enqueue_dma source(%dma_start3A_78 : memref<640x32xf32, #tpu.memory_space<vmem_shared>>) target(%dma_start3A_76 : memref<640x32xf32, #tpu.memory_space<hbm>>) target_semaphore(%run_scoped3A : memref<!tpu.dma_semaphore, #tpu.memory_space<semaphore_mem>>)
      %dma_wait3A = arith.constant 0 : i32
      %dma_wait3A_79 = tpu.memref_slice %arg6[%arg0, %mul3A_73, %dma_wait3A] : memref<2x10240x32xf32, #tpu.memory_space<hbm>> -> memref<1x640x32xf32, #tpu.memory_space<hbm>>
      %dma_wait3A_80 = tpu.memref_squeeze %dma_wait3A_79 : memref<1x640x32xf32, #tpu.memory_space<hbm>> -> memref<640x32xf32, #tpu.memory_space<hbm>>
      %dma_wait3A_81 = arith.constant 0 : i32
      %dma_wait3A_82 = tpu.memref_slice %arg10[%mul3A_71, %dma_wait3A_81] : memref<10240x32xf32, #tpu.memory_space<vmem_shared>> -> memref<640x32xf32, #tpu.memory_space<vmem_shared>>
      tpu.wait_dma2 semaphore(%run_scoped3A : memref<!tpu.dma_semaphore, #tpu.memory_space<semaphore_mem>>) src(%dma_wait3A_82 : memref<640x32xf32, #tpu.memory_space<vmem_shared>>) dst(%dma_wait3A_80 : memref<640x32xf32, #tpu.memory_space<hbm>>)
      tpu.yield
    }) : () -> ()
    return
  }
}

#map = affine_map<(d0, d1) -> (0, 0, 0)>
#map1 = affine_map<(d0, d1) -> (0, 0)>
module attributes {stable_mosaic.version = 14 : i64} {
  func.func @body(%arg0: i32, %arg1: i32, %arg2: memref<32x125x80xi32, #tpu.memory_space<hbm>>, %arg3: memref<10240x16xf32, #tpu.memory_space<hbm>>, %arg4: memref<80x16xf32, #tpu.memory_space<hbm>>, %arg5: memref<2x10240x16xf32, #tpu.memory_space<hbm>>, %arg6: memref<125x80xi32, #tpu.memory_space<vmem>>, %arg7: memref<80x16xf32, #tpu.memory_space<vmem>>, %arg8: memref<10240x16xf32, #tpu.memory_space<vmem_shared>>) attributes {dimension_semantics = [#tpu.dimension_semantics<core_parallel>, #tpu.dimension_semantics<subcore_parallel>], iteration_bounds = array<i64: 2, 16>, scalar_prefetch = 0 : i64, scratch_operands = 3 : i64, tpu.core_type = #tpu.core_type<sc_vector_subcore>, window_params = [{transform_indices = #map}, {transform_indices = #map1}, {transform_indices = #map1}, {transform_indices = #map}]} {
    %mul3A = arith.constant 16 : i32
    %mul3A_0 = arith.muli %arg0, %mul3A : i32
    %add3A = arith.addi %mul3A_0, %arg1 : i32
    %mul3A_1 = arith.constant 640 : i32
    %mul3A_2 = arith.muli %arg1, %mul3A_1 : i32
    %mul3A_3 = arith.constant 640 : i32
    %mul3A_4 = arith.muli %arg1, %mul3A_3 : i32
    "tpu.region"() ({
      %run_scoped3A = tpu.sem_alloc : memref<!tpu.dma_semaphore, #tpu.memory_space<semaphore_mem>>
      %dma_start3A = arith.constant 0 : i32
      %dma_start3A_15 = tpu.memref_slice %arg8[%mul3A_4, %dma_start3A] : memref<10240x16xf32, #tpu.memory_space<vmem_shared>> -> memref<640x16xf32, #tpu.memory_space<vmem_shared>>
      %dma_start3A_16 = arith.constant 0 : i32
      %dma_start3A_17 = tpu.memref_slice %arg3[%mul3A_2, %dma_start3A_16] : memref<10240x16xf32, #tpu.memory_space<hbm>> -> memref<640x16xf32, #tpu.memory_space<hbm>>
      tpu.enqueue_dma source(%dma_start3A_17 : memref<640x16xf32, #tpu.memory_space<hbm>>) target(%dma_start3A_15 : memref<640x16xf32, #tpu.memory_space<vmem_shared>>) target_semaphore(%run_scoped3A : memref<!tpu.dma_semaphore, #tpu.memory_space<semaphore_mem>>)
      %dma_wait3A = arith.constant 0 : i32
      %dma_wait3A_18 = tpu.memref_slice %arg8[%mul3A_4, %dma_wait3A] : memref<10240x16xf32, #tpu.memory_space<vmem_shared>> -> memref<640x16xf32, #tpu.memory_space<vmem_shared>>
      %dma_wait3A_19 = arith.constant 0 : i32
      %dma_wait3A_20 = tpu.memref_slice %arg3[%mul3A_2, %dma_wait3A_19] : memref<10240x16xf32, #tpu.memory_space<hbm>> -> memref<640x16xf32, #tpu.memory_space<hbm>>
      tpu.wait_dma2 semaphore(%run_scoped3A : memref<!tpu.dma_semaphore, #tpu.memory_space<semaphore_mem>>) src(%dma_wait3A_20 : memref<640x16xf32, #tpu.memory_space<hbm>>) dst(%dma_wait3A_18 : memref<640x16xf32, #tpu.memory_space<vmem_shared>>)
      tpu.yield
    }) : () -> ()
    "tpu.region"() ({
      %run_scoped3A = tpu.sem_alloc : memref<!tpu.dma_semaphore, #tpu.memory_space<semaphore_mem>>
      %dma_start3A = arith.constant 0 : i32
      %dma_start3A_15 = arith.constant 0 : i32
      %dma_start3A_16 = tpu.memref_slice %arg2[%add3A, %dma_start3A, %dma_start3A_15] : memref<32x125x80xi32, #tpu.memory_space<hbm>> -> memref<1x125x80xi32, #tpu.memory_space<hbm>>
      %dma_start3A_17 = tpu.memref_squeeze %dma_start3A_16 : memref<1x125x80xi32, #tpu.memory_space<hbm>> -> memref<125x80xi32, #tpu.memory_space<hbm>>
      %dma_start3A_18 = arith.constant 0 : i32
      %dma_start3A_19 = arith.constant 0 : i32
      %dma_start3A_20 = tpu.memref_slice %arg2[%add3A, %dma_start3A_18, %dma_start3A_19] : memref<32x125x80xi32, #tpu.memory_space<hbm>> -> memref<1x125x80xi32, #tpu.memory_space<hbm>>
      %dma_start3A_21 = tpu.memref_squeeze %dma_start3A_20 : memref<1x125x80xi32, #tpu.memory_space<hbm>> -> memref<125x80xi32, #tpu.memory_space<hbm>>
      tpu.enqueue_dma source(%dma_start3A_21 : memref<125x80xi32, #tpu.memory_space<hbm>>) target(%arg6 : memref<125x80xi32, #tpu.memory_space<vmem>>) target_semaphore(%run_scoped3A : memref<!tpu.dma_semaphore, #tpu.memory_space<semaphore_mem>>)
      %dma_wait3A = arith.constant 0 : i32
      %dma_wait3A_22 = arith.constant 0 : i32
      %dma_wait3A_23 = tpu.memref_slice %arg2[%add3A, %dma_wait3A, %dma_wait3A_22] : memref<32x125x80xi32, #tpu.memory_space<hbm>> -> memref<1x125x80xi32, #tpu.memory_space<hbm>>
      %dma_wait3A_24 = tpu.memref_squeeze %dma_wait3A_23 : memref<1x125x80xi32, #tpu.memory_space<hbm>> -> memref<125x80xi32, #tpu.memory_space<hbm>>
      %dma_wait3A_25 = arith.constant 0 : i32
      %dma_wait3A_26 = arith.constant 0 : i32
      %dma_wait3A_27 = tpu.memref_slice %arg2[%add3A, %dma_wait3A_25, %dma_wait3A_26] : memref<32x125x80xi32, #tpu.memory_space<hbm>> -> memref<1x125x80xi32, #tpu.memory_space<hbm>>
      %dma_wait3A_28 = tpu.memref_squeeze %dma_wait3A_27 : memref<1x125x80xi32, #tpu.memory_space<hbm>> -> memref<125x80xi32, #tpu.memory_space<hbm>>
      tpu.wait_dma2 semaphore(%run_scoped3A : memref<!tpu.dma_semaphore, #tpu.memory_space<semaphore_mem>>) src(%dma_wait3A_28 : memref<125x80xi32, #tpu.memory_space<hbm>>) dst(%arg6 : memref<125x80xi32, #tpu.memory_space<vmem>>)
      tpu.yield
    }) : () -> ()
    "tpu.region"() ({
      %run_scoped3A = tpu.sem_alloc : memref<!tpu.dma_semaphore, #tpu.memory_space<semaphore_mem>>
      tpu.enqueue_dma source(%arg4 : memref<80x16xf32, #tpu.memory_space<hbm>>) target(%arg7 : memref<80x16xf32, #tpu.memory_space<vmem>>) target_semaphore(%run_scoped3A : memref<!tpu.dma_semaphore, #tpu.memory_space<semaphore_mem>>)
      tpu.wait_dma2 semaphore(%run_scoped3A : memref<!tpu.dma_semaphore, #tpu.memory_space<semaphore_mem>>) src(%arg4 : memref<80x16xf32, #tpu.memory_space<hbm>>) dst(%arg7 : memref<80x16xf32, #tpu.memory_space<vmem>>)
      tpu.yield
    }) : () -> ()
    %barrier3A = arith.constant 0 : index
    tpu.barrier barrier_id(%barrier3A)
    %scan3A = arith.constant 0 : i32
    %scan3A_5 = arith.constant 0 : i32
    %scan3A_6 = arith.constant 125 : i32
    %scan3A_7 = arith.addi %scan3A_5, %scan3A_6 : i32
    %scan3A_8 = arith.constant 1 : i32
    scf.for %scan3A_15 = %scan3A_5 to %scan3A_7 step %scan3A_8  : i32 {
      "tpu.region"() ({
        %run_scoped3A = tpu.sem_alloc : memref<!tpu.dma_semaphore, #tpu.memory_space<semaphore_mem>>
        %dma_start3A = arith.constant 0 : i32
        %dma_start3A_16 = tpu.memref_slice %arg6[%scan3A_15, %dma_start3A] : memref<125x80xi32, #tpu.memory_space<vmem>> -> memref<1x80xi32, #tpu.memory_space<vmem>>
        %dma_start3A_17 = tpu.memref_squeeze %dma_start3A_16 : memref<1x80xi32, #tpu.memory_space<vmem>> -> memref<80xi32, #tpu.memory_space<vmem>>
        %dma_start3A_18 = arith.constant 0 : i32
        %dma_start3A_19 = arith.constant 0 : i32
        %dma_start3A_20 = tpu.memref_slice %arg8[%dma_start3A_18, %dma_start3A_19] : memref<10240x16xf32, #tpu.memory_space<vmem_shared>> -> memref<10240x16xf32, #tpu.memory_space<vmem_shared>>
        tpu.enqueue_indirect_dma source(%arg7 : memref<80x16xf32, #tpu.memory_space<vmem>>) target(%dma_start3A_20 : memref<10240x16xf32, #tpu.memory_space<vmem_shared>>) offsets(%dma_start3A_17 : memref<80xi32, #tpu.memory_space<vmem>>) semaphore(%run_scoped3A : memref<!tpu.dma_semaphore, #tpu.memory_space<semaphore_mem>>) {add = true}
        %dma_wait3A = arith.constant 0 : i32
        %dma_wait3A_21 = tpu.memref_slice %arg6[%scan3A_15, %dma_wait3A] : memref<125x80xi32, #tpu.memory_space<vmem>> -> memref<1x80xi32, #tpu.memory_space<vmem>>
        %dma_wait3A_22 = tpu.memref_squeeze %dma_wait3A_21 : memref<1x80xi32, #tpu.memory_space<vmem>> -> memref<80xi32, #tpu.memory_space<vmem>>
        %dma_wait3A_23 = arith.constant 0 : i32
        %dma_wait3A_24 = arith.constant 0 : i32
        %dma_wait3A_25 = tpu.memref_slice %arg8[%dma_wait3A_23, %dma_wait3A_24] : memref<10240x16xf32, #tpu.memory_space<vmem_shared>> -> memref<10240x16xf32, #tpu.memory_space<vmem_shared>>
        tpu.wait_indirect_dma semaphore(%run_scoped3A : memref<!tpu.dma_semaphore, #tpu.memory_space<semaphore_mem>>) src(%arg7 : memref<80x16xf32, #tpu.memory_space<vmem>>) dst(%dma_wait3A_25 : memref<10240x16xf32, #tpu.memory_space<vmem_shared>>)
        tpu.yield
      }) : () -> ()
    }
    %scan3A_9 = arith.constant 125 : i32
    %barrier3A_10 = arith.constant 0 : index
    tpu.barrier barrier_id(%barrier3A_10)
    %mul3A_11 = arith.constant 640 : i32
    %mul3A_12 = arith.muli %arg1, %mul3A_11 : i32
    %mul3A_13 = arith.constant 640 : i32
    %mul3A_14 = arith.muli %arg1, %mul3A_13 : i32
    "tpu.region"() ({
      %run_scoped3A = tpu.sem_alloc : memref<!tpu.dma_semaphore, #tpu.memory_space<semaphore_mem>>
      %dma_start3A = arith.constant 0 : i32
      %dma_start3A_15 = tpu.memref_slice %arg5[%arg0, %mul3A_14, %dma_start3A] : memref<2x10240x16xf32, #tpu.memory_space<hbm>> -> memref<1x640x16xf32, #tpu.memory_space<hbm>>
      %dma_start3A_16 = tpu.memref_squeeze %dma_start3A_15 : memref<1x640x16xf32, #tpu.memory_space<hbm>> -> memref<640x16xf32, #tpu.memory_space<hbm>>
      %dma_start3A_17 = arith.constant 0 : i32
      %dma_start3A_18 = tpu.memref_slice %arg8[%mul3A_12, %dma_start3A_17] : memref<10240x16xf32, #tpu.memory_space<vmem_shared>> -> memref<640x16xf32, #tpu.memory_space<vmem_shared>>
      tpu.enqueue_dma source(%dma_start3A_18 : memref<640x16xf32, #tpu.memory_space<vmem_shared>>) target(%dma_start3A_16 : memref<640x16xf32, #tpu.memory_space<hbm>>) target_semaphore(%run_scoped3A : memref<!tpu.dma_semaphore, #tpu.memory_space<semaphore_mem>>)
      %dma_wait3A = arith.constant 0 : i32
      %dma_wait3A_19 = tpu.memref_slice %arg5[%arg0, %mul3A_14, %dma_wait3A] : memref<2x10240x16xf32, #tpu.memory_space<hbm>> -> memref<1x640x16xf32, #tpu.memory_space<hbm>>
      %dma_wait3A_20 = tpu.memref_squeeze %dma_wait3A_19 : memref<1x640x16xf32, #tpu.memory_space<hbm>> -> memref<640x16xf32, #tpu.memory_space<hbm>>
      %dma_wait3A_21 = arith.constant 0 : i32
      %dma_wait3A_22 = tpu.memref_slice %arg8[%mul3A_12, %dma_wait3A_21] : memref<10240x16xf32, #tpu.memory_space<vmem_shared>> -> memref<640x16xf32, #tpu.memory_space<vmem_shared>>
      tpu.wait_dma2 semaphore(%run_scoped3A : memref<!tpu.dma_semaphore, #tpu.memory_space<semaphore_mem>>) src(%dma_wait3A_22 : memref<640x16xf32, #tpu.memory_space<vmem_shared>>) dst(%dma_wait3A_20 : memref<640x16xf32, #tpu.memory_space<hbm>>)
      tpu.yield
    }) : () -> ()
    return
  }
}

#map = affine_map<(d0, d1) -> (0, 0)>
#map1 = affine_map<(d0, d1) -> (0, 0, 0)>
module attributes {stable_mosaic.version = 14 : i64} {
  func.func @body(%arg0: i32, %arg1: i32, %arg2: memref<10000x64xf32, #tpu.memory_space<hbm>>, %arg3: memref<32x125x80xi32, #tpu.memory_space<hbm>>, %arg4: memref<32x125x80xi32, #tpu.memory_space<hbm>>, %arg5: memref<10240x64xf32, #tpu.memory_space<hbm>>, %arg6: memref<2x10240x64xf32, #tpu.memory_space<hbm>>, %arg7: memref<125x80xi32, #tpu.memory_space<vmem>>, %arg8: memref<125x80xi32, #tpu.memory_space<vmem>>, %arg9: memref<5x80x64xf32, #tpu.memory_space<vmem>>, %arg10: memref<10240x64xf32, #tpu.memory_space<vmem_shared>>, %arg11: memref<!tpu.dma_semaphore, #tpu.memory_space<semaphore_mem>>, %arg12: memref<!tpu.dma_semaphore, #tpu.memory_space<semaphore_mem>>, %arg13: memref<!tpu.dma_semaphore, #tpu.memory_space<semaphore_mem>>, %arg14: memref<!tpu.dma_semaphore, #tpu.memory_space<semaphore_mem>>, %arg15: memref<!tpu.dma_semaphore, #tpu.memory_space<semaphore_mem>>) attributes {dimension_semantics = [#tpu.dimension_semantics<core_parallel>, #tpu.dimension_semantics<subcore_parallel>], iteration_bounds = array<i64: 2, 16>, scalar_prefetch = 0 : i64, scratch_operands = 9 : i64, tpu.core_type = #tpu.core_type<sc_vector_subcore>, window_params = [{transform_indices = #map}, {transform_indices = #map1}, {transform_indices = #map1}, {transform_indices = #map}, {transform_indices = #map1}]} {
    %mul3A = arith.constant 16 : i32
    %mul3A_0 = arith.muli %arg0, %mul3A : i32
    %add3A = arith.addi %mul3A_0, %arg1 : i32
    %mul3A_1 = arith.constant 640 : i32
    %mul3A_2 = arith.muli %arg1, %mul3A_1 : i32
    %mul3A_3 = arith.constant 640 : i32
    %mul3A_4 = arith.muli %arg1, %mul3A_3 : i32
    "tpu.region"() ({
      %run_scoped3A = tpu.sem_alloc : memref<!tpu.dma_semaphore, #tpu.memory_space<semaphore_mem>>
      %dma_start3A_74 = arith.constant 0 : i32
      %dma_start3A_75 = tpu.memref_slice %arg10[%mul3A_4, %dma_start3A_74] : memref<10240x64xf32, #tpu.memory_space<vmem_shared>> -> memref<640x64xf32, #tpu.memory_space<vmem_shared>>
      %dma_start3A_76 = arith.constant 0 : i32
      %dma_start3A_77 = tpu.memref_slice %arg5[%mul3A_2, %dma_start3A_76] : memref<10240x64xf32, #tpu.memory_space<hbm>> -> memref<640x64xf32, #tpu.memory_space<hbm>>
      tpu.enqueue_dma source(%dma_start3A_77 : memref<640x64xf32, #tpu.memory_space<hbm>>) target(%dma_start3A_75 : memref<640x64xf32, #tpu.memory_space<vmem_shared>>) target_semaphore(%run_scoped3A : memref<!tpu.dma_semaphore, #tpu.memory_space<semaphore_mem>>)
      %dma_wait3A = arith.constant 0 : i32
      %dma_wait3A_78 = tpu.memref_slice %arg10[%mul3A_4, %dma_wait3A] : memref<10240x64xf32, #tpu.memory_space<vmem_shared>> -> memref<640x64xf32, #tpu.memory_space<vmem_shared>>
      %dma_wait3A_79 = arith.constant 0 : i32
      %dma_wait3A_80 = tpu.memref_slice %arg5[%mul3A_2, %dma_wait3A_79] : memref<10240x64xf32, #tpu.memory_space<hbm>> -> memref<640x64xf32, #tpu.memory_space<hbm>>
      tpu.wait_dma2 semaphore(%run_scoped3A : memref<!tpu.dma_semaphore, #tpu.memory_space<semaphore_mem>>) src(%dma_wait3A_80 : memref<640x64xf32, #tpu.memory_space<hbm>>) dst(%dma_wait3A_78 : memref<640x64xf32, #tpu.memory_space<vmem_shared>>)
      tpu.yield
    }) : () -> ()
    "tpu.region"() ({
      %run_scoped3A = tpu.sem_alloc : memref<!tpu.dma_semaphore, #tpu.memory_space<semaphore_mem>>
      %dma_start3A_74 = arith.constant 0 : i32
      %dma_start3A_75 = arith.constant 0 : i32
      %dma_start3A_76 = tpu.memref_slice %arg3[%add3A, %dma_start3A_74, %dma_start3A_75] : memref<32x125x80xi32, #tpu.memory_space<hbm>> -> memref<1x125x80xi32, #tpu.memory_space<hbm>>
      %dma_start3A_77 = tpu.memref_squeeze %dma_start3A_76 : memref<1x125x80xi32, #tpu.memory_space<hbm>> -> memref<125x80xi32, #tpu.memory_space<hbm>>
      %dma_start3A_78 = arith.constant 0 : i32
      %dma_start3A_79 = arith.constant 0 : i32
      %dma_start3A_80 = tpu.memref_slice %arg3[%add3A, %dma_start3A_78, %dma_start3A_79] : memref<32x125x80xi32, #tpu.memory_space<hbm>> -> memref<1x125x80xi32, #tpu.memory_space<hbm>>
      %dma_start3A_81 = tpu.memref_squeeze %dma_start3A_80 : memref<1x125x80xi32, #tpu.memory_space<hbm>> -> memref<125x80xi32, #tpu.memory_space<hbm>>
      tpu.enqueue_dma source(%dma_start3A_81 : memref<125x80xi32, #tpu.memory_space<hbm>>) target(%arg7 : memref<125x80xi32, #tpu.memory_space<vmem>>) target_semaphore(%run_scoped3A : memref<!tpu.dma_semaphore, #tpu.memory_space<semaphore_mem>>)
      %dma_wait3A = arith.constant 0 : i32
      %dma_wait3A_82 = arith.constant 0 : i32
      %dma_wait3A_83 = tpu.memref_slice %arg3[%add3A, %dma_wait3A, %dma_wait3A_82] : memref<32x125x80xi32, #tpu.memory_space<hbm>> -> memref<1x125x80xi32, #tpu.memory_space<hbm>>
      %dma_wait3A_84 = tpu.memref_squeeze %dma_wait3A_83 : memref<1x125x80xi32, #tpu.memory_space<hbm>> -> memref<125x80xi32, #tpu.memory_space<hbm>>
      %dma_wait3A_85 = arith.constant 0 : i32
      %dma_wait3A_86 = arith.constant 0 : i32
      %dma_wait3A_87 = tpu.memref_slice %arg3[%add3A, %dma_wait3A_85, %dma_wait3A_86] : memref<32x125x80xi32, #tpu.memory_space<hbm>> -> memref<1x125x80xi32, #tpu.memory_space<hbm>>
      %dma_wait3A_88 = tpu.memref_squeeze %dma_wait3A_87 : memref<1x125x80xi32, #tpu.memory_space<hbm>> -> memref<125x80xi32, #tpu.memory_space<hbm>>
      tpu.wait_dma2 semaphore(%run_scoped3A : memref<!tpu.dma_semaphore, #tpu.memory_space<semaphore_mem>>) src(%dma_wait3A_88 : memref<125x80xi32, #tpu.memory_space<hbm>>) dst(%arg7 : memref<125x80xi32, #tpu.memory_space<vmem>>)
      tpu.yield
    }) : () -> ()
    "tpu.region"() ({
      %run_scoped3A = tpu.sem_alloc : memref<!tpu.dma_semaphore, #tpu.memory_space<semaphore_mem>>
      %dma_start3A_74 = arith.constant 0 : i32
      %dma_start3A_75 = arith.constant 0 : i32
      %dma_start3A_76 = tpu.memref_slice %arg4[%add3A, %dma_start3A_74, %dma_start3A_75] : memref<32x125x80xi32, #tpu.memory_space<hbm>> -> memref<1x125x80xi32, #tpu.memory_space<hbm>>
      %dma_start3A_77 = tpu.memref_squeeze %dma_start3A_76 : memref<1x125x80xi32, #tpu.memory_space<hbm>> -> memref<125x80xi32, #tpu.memory_space<hbm>>
      %dma_start3A_78 = arith.constant 0 : i32
      %dma_start3A_79 = arith.constant 0 : i32
      %dma_start3A_80 = tpu.memref_slice %arg4[%add3A, %dma_start3A_78, %dma_start3A_79] : memref<32x125x80xi32, #tpu.memory_space<hbm>> -> memref<1x125x80xi32, #tpu.memory_space<hbm>>
      %dma_start3A_81 = tpu.memref_squeeze %dma_start3A_80 : memref<1x125x80xi32, #tpu.memory_space<hbm>> -> memref<125x80xi32, #tpu.memory_space<hbm>>
      tpu.enqueue_dma source(%dma_start3A_81 : memref<125x80xi32, #tpu.memory_space<hbm>>) target(%arg8 : memref<125x80xi32, #tpu.memory_space<vmem>>) target_semaphore(%run_scoped3A : memref<!tpu.dma_semaphore, #tpu.memory_space<semaphore_mem>>)
      %dma_wait3A = arith.constant 0 : i32
      %dma_wait3A_82 = arith.constant 0 : i32
      %dma_wait3A_83 = tpu.memref_slice %arg4[%add3A, %dma_wait3A, %dma_wait3A_82] : memref<32x125x80xi32, #tpu.memory_space<hbm>> -> memref<1x125x80xi32, #tpu.memory_space<hbm>>
      %dma_wait3A_84 = tpu.memref_squeeze %dma_wait3A_83 : memref<1x125x80xi32, #tpu.memory_space<hbm>> -> memref<125x80xi32, #tpu.memory_space<hbm>>
      %dma_wait3A_85 = arith.constant 0 : i32
      %dma_wait3A_86 = arith.constant 0 : i32
      %dma_wait3A_87 = tpu.memref_slice %arg4[%add3A, %dma_wait3A_85, %dma_wait3A_86] : memref<32x125x80xi32, #tpu.memory_space<hbm>> -> memref<1x125x80xi32, #tpu.memory_space<hbm>>
      %dma_wait3A_88 = tpu.memref_squeeze %dma_wait3A_87 : memref<1x125x80xi32, #tpu.memory_space<hbm>> -> memref<125x80xi32, #tpu.memory_space<hbm>>
      tpu.wait_dma2 semaphore(%run_scoped3A : memref<!tpu.dma_semaphore, #tpu.memory_space<semaphore_mem>>) src(%dma_wait3A_88 : memref<125x80xi32, #tpu.memory_space<hbm>>) dst(%arg8 : memref<125x80xi32, #tpu.memory_space<vmem>>)
      tpu.yield
    }) : () -> ()
    %barrier3A = arith.constant 0 : index
    tpu.barrier barrier_id(%barrier3A)
    %dma_start3A = arith.constant 0 : i32
    %dma_start3A_5 = arith.constant 0 : i32
    %dma_start3A_6 = arith.constant 0 : i32
    %dma_start3A_7 = arith.constant 0 : i32
    %dma_start3A_8 = tpu.memref_slice %arg9[%dma_start3A_5, %dma_start3A_6, %dma_start3A_7] : memref<5x80x64xf32, #tpu.memory_space<vmem>> -> memref<1x80x64xf32, #tpu.memory_space<vmem>>
    %dma_start3A_9 = tpu.memref_squeeze %dma_start3A_8 : memref<1x80x64xf32, #tpu.memory_space<vmem>> -> memref<80x64xf32, #tpu.memory_space<vmem>>
    %dma_start3A_10 = arith.constant 0 : i32
    %dma_start3A_11 = tpu.memref_slice %arg7[%dma_start3A, %dma_start3A_10] : memref<125x80xi32, #tpu.memory_space<vmem>> -> memref<1x80xi32, #tpu.memory_space<vmem>>
    %dma_start3A_12 = tpu.memref_squeeze %dma_start3A_11 : memref<1x80xi32, #tpu.memory_space<vmem>> -> memref<80xi32, #tpu.memory_space<vmem>>
    %dma_start3A_13 = arith.constant 0 : i32
    %dma_start3A_14 = arith.constant 0 : i32
    %dma_start3A_15 = tpu.memref_slice %arg2[%dma_start3A_13, %dma_start3A_14] : memref<10000x64xf32, #tpu.memory_space<hbm>> -> memref<10000x64xf32, #tpu.memory_space<hbm>>
    tpu.enqueue_indirect_dma source(%dma_start3A_15 : memref<10000x64xf32, #tpu.memory_space<hbm>>) target(%dma_start3A_9 : memref<80x64xf32, #tpu.memory_space<vmem>>) offsets(%dma_start3A_12 : memref<80xi32, #tpu.memory_space<vmem>>) semaphore(%arg11 : memref<!tpu.dma_semaphore, #tpu.memory_space<semaphore_mem>>)
    %dma_start3A_16 = arith.constant 1 : i32
    %dma_start3A_17 = arith.constant 1 : i32
    %dma_start3A_18 = arith.constant 0 : i32
    %dma_start3A_19 = arith.constant 0 : i32
    %dma_start3A_20 = tpu.memref_slice %arg9[%dma_start3A_17, %dma_start3A_18, %dma_start3A_19] : memref<5x80x64xf32, #tpu.memory_space<vmem>> -> memref<1x80x64xf32, #tpu.memory_space<vmem>>
    %dma_start3A_21 = tpu.memref_squeeze %dma_start3A_20 : memref<1x80x64xf32, #tpu.memory_space<vmem>> -> memref<80x64xf32, #tpu.memory_space<vmem>>
    %dma_start3A_22 = arith.constant 0 : i32
    %dma_start3A_23 = tpu.memref_slice %arg7[%dma_start3A_16, %dma_start3A_22] : memref<125x80xi32, #tpu.memory_space<vmem>> -> memref<1x80xi32, #tpu.memory_space<vmem>>
    %dma_start3A_24 = tpu.memref_squeeze %dma_start3A_23 : memref<1x80xi32, #tpu.memory_space<vmem>> -> memref<80xi32, #tpu.memory_space<vmem>>
    %dma_start3A_25 = arith.constant 0 : i32
    %dma_start3A_26 = arith.constant 0 : i32
    %dma_start3A_27 = tpu.memref_slice %arg2[%dma_start3A_25, %dma_start3A_26] : memref<10000x64xf32, #tpu.memory_space<hbm>> -> memref<10000x64xf32, #tpu.memory_space<hbm>>
    tpu.enqueue_indirect_dma source(%dma_start3A_27 : memref<10000x64xf32, #tpu.memory_space<hbm>>) target(%dma_start3A_21 : memref<80x64xf32, #tpu.memory_space<vmem>>) offsets(%dma_start3A_24 : memref<80xi32, #tpu.memory_space<vmem>>) semaphore(%arg12 : memref<!tpu.dma_semaphore, #tpu.memory_space<semaphore_mem>>)
    %dma_start3A_28 = arith.constant 2 : i32
    %dma_start3A_29 = arith.constant 2 : i32
    %dma_start3A_30 = arith.constant 0 : i32
    %dma_start3A_31 = arith.constant 0 : i32
    %dma_start3A_32 = tpu.memref_slice %arg9[%dma_start3A_29, %dma_start3A_30, %dma_start3A_31] : memref<5x80x64xf32, #tpu.memory_space<vmem>> -> memref<1x80x64xf32, #tpu.memory_space<vmem>>
    %dma_start3A_33 = tpu.memref_squeeze %dma_start3A_32 : memref<1x80x64xf32, #tpu.memory_space<vmem>> -> memref<80x64xf32, #tpu.memory_space<vmem>>
    %dma_start3A_34 = arith.constant 0 : i32
    %dma_start3A_35 = tpu.memref_slice %arg7[%dma_start3A_28, %dma_start3A_34] : memref<125x80xi32, #tpu.memory_space<vmem>> -> memref<1x80xi32, #tpu.memory_space<vmem>>
    %dma_start3A_36 = tpu.memref_squeeze %dma_start3A_35 : memref<1x80xi32, #tpu.memory_space<vmem>> -> memref<80xi32, #tpu.memory_space<vmem>>
    %dma_start3A_37 = arith.constant 0 : i32
    %dma_start3A_38 = arith.constant 0 : i32
    %dma_start3A_39 = tpu.memref_slice %arg2[%dma_start3A_37, %dma_start3A_38] : memref<10000x64xf32, #tpu.memory_space<hbm>> -> memref<10000x64xf32, #tpu.memory_space<hbm>>
    tpu.enqueue_indirect_dma source(%dma_start3A_39 : memref<10000x64xf32, #tpu.memory_space<hbm>>) target(%dma_start3A_33 : memref<80x64xf32, #tpu.memory_space<vmem>>) offsets(%dma_start3A_36 : memref<80xi32, #tpu.memory_space<vmem>>) semaphore(%arg13 : memref<!tpu.dma_semaphore, #tpu.memory_space<semaphore_mem>>)
    %dma_start3A_40 = arith.constant 3 : i32
    %dma_start3A_41 = arith.constant 3 : i32
    %dma_start3A_42 = arith.constant 0 : i32
    %dma_start3A_43 = arith.constant 0 : i32
    %dma_start3A_44 = tpu.memref_slice %arg9[%dma_start3A_41, %dma_start3A_42, %dma_start3A_43] : memref<5x80x64xf32, #tpu.memory_space<vmem>> -> memref<1x80x64xf32, #tpu.memory_space<vmem>>
    %dma_start3A_45 = tpu.memref_squeeze %dma_start3A_44 : memref<1x80x64xf32, #tpu.memory_space<vmem>> -> memref<80x64xf32, #tpu.memory_space<vmem>>
    %dma_start3A_46 = arith.constant 0 : i32
    %dma_start3A_47 = tpu.memref_slice %arg7[%dma_start3A_40, %dma_start3A_46] : memref<125x80xi32, #tpu.memory_space<vmem>> -> memref<1x80xi32, #tpu.memory_space<vmem>>
    %dma_start3A_48 = tpu.memref_squeeze %dma_start3A_47 : memref<1x80xi32, #tpu.memory_space<vmem>> -> memref<80xi32, #tpu.memory_space<vmem>>
    %dma_start3A_49 = arith.constant 0 : i32
    %dma_start3A_50 = arith.constant 0 : i32
    %dma_start3A_51 = tpu.memref_slice %arg2[%dma_start3A_49, %dma_start3A_50] : memref<10000x64xf32, #tpu.memory_space<hbm>> -> memref<10000x64xf32, #tpu.memory_space<hbm>>
    tpu.enqueue_indirect_dma source(%dma_start3A_51 : memref<10000x64xf32, #tpu.memory_space<hbm>>) target(%dma_start3A_45 : memref<80x64xf32, #tpu.memory_space<vmem>>) offsets(%dma_start3A_48 : memref<80xi32, #tpu.memory_space<vmem>>) semaphore(%arg14 : memref<!tpu.dma_semaphore, #tpu.memory_space<semaphore_mem>>)
    %dma_start3A_52 = arith.constant 4 : i32
    %dma_start3A_53 = arith.constant 4 : i32
    %dma_start3A_54 = arith.constant 0 : i32
    %dma_start3A_55 = arith.constant 0 : i32
    %dma_start3A_56 = tpu.memref_slice %arg9[%dma_start3A_53, %dma_start3A_54, %dma_start3A_55] : memref<5x80x64xf32, #tpu.memory_space<vmem>> -> memref<1x80x64xf32, #tpu.memory_space<vmem>>
    %dma_start3A_57 = tpu.memref_squeeze %dma_start3A_56 : memref<1x80x64xf32, #tpu.memory_space<vmem>> -> memref<80x64xf32, #tpu.memory_space<vmem>>
    %dma_start3A_58 = arith.constant 0 : i32
    %dma_start3A_59 = tpu.memref_slice %arg7[%dma_start3A_52, %dma_start3A_58] : memref<125x80xi32, #tpu.memory_space<vmem>> -> memref<1x80xi32, #tpu.memory_space<vmem>>
    %dma_start3A_60 = tpu.memref_squeeze %dma_start3A_59 : memref<1x80xi32, #tpu.memory_space<vmem>> -> memref<80xi32, #tpu.memory_space<vmem>>
    %dma_start3A_61 = arith.constant 0 : i32
    %dma_start3A_62 = arith.constant 0 : i32
    %dma_start3A_63 = tpu.memref_slice %arg2[%dma_start3A_61, %dma_start3A_62] : memref<10000x64xf32, #tpu.memory_space<hbm>> -> memref<10000x64xf32, #tpu.memory_space<hbm>>
    tpu.enqueue_indirect_dma source(%dma_start3A_63 : memref<10000x64xf32, #tpu.memory_space<hbm>>) target(%dma_start3A_57 : memref<80x64xf32, #tpu.memory_space<vmem>>) offsets(%dma_start3A_60 : memref<80xi32, #tpu.memory_space<vmem>>) semaphore(%arg15 : memref<!tpu.dma_semaphore, #tpu.memory_space<semaphore_mem>>)
    %scan3A = arith.constant 0 : i32
    %scan3A_64 = arith.constant 0 : i32
    %scan3A_65 = arith.constant 25 : i32
    %scan3A_66 = arith.addi %scan3A_64, %scan3A_65 : i32
    %scan3A_67 = arith.constant 1 : i32
    scf.for %scan3A_74 = %scan3A_64 to %scan3A_66 step %scan3A_67  : i32 {
      %mul3A_75 = arith.constant 5 : i32
      %mul3A_76 = arith.muli %scan3A_74, %mul3A_75 : i32
      %add3A_77 = arith.constant 0 : i32
      %add3A_78 = arith.addi %mul3A_76, %add3A_77 : i32
      %dma_wait3A = arith.constant 0 : i32
      %dma_wait3A_79 = arith.constant 0 : i32
      %dma_wait3A_80 = arith.constant 0 : i32
      %dma_wait3A_81 = tpu.memref_slice %arg9[%dma_wait3A, %dma_wait3A_79, %dma_wait3A_80] : memref<5x80x64xf32, #tpu.memory_space<vmem>> -> memref<1x80x64xf32, #tpu.memory_space<vmem>>
      %dma_wait3A_82 = tpu.memref_squeeze %dma_wait3A_81 : memref<1x80x64xf32, #tpu.memory_space<vmem>> -> memref<80x64xf32, #tpu.memory_space<vmem>>
      %dma_wait3A_83 = arith.constant 0 : i32
      %dma_wait3A_84 = tpu.memref_slice %arg7[%add3A_78, %dma_wait3A_83] : memref<125x80xi32, #tpu.memory_space<vmem>> -> memref<1x80xi32, #tpu.memory_space<vmem>>
      %dma_wait3A_85 = tpu.memref_squeeze %dma_wait3A_84 : memref<1x80xi32, #tpu.memory_space<vmem>> -> memref<80xi32, #tpu.memory_space<vmem>>
      %dma_wait3A_86 = arith.constant 0 : i32
      %dma_wait3A_87 = arith.constant 0 : i32
      %dma_wait3A_88 = tpu.memref_slice %arg2[%dma_wait3A_86, %dma_wait3A_87] : memref<10000x64xf32, #tpu.memory_space<hbm>> -> memref<10000x64xf32, #tpu.memory_space<hbm>>
      tpu.wait_indirect_dma semaphore(%arg11 : memref<!tpu.dma_semaphore, #tpu.memory_space<semaphore_mem>>) src(%dma_wait3A_88 : memref<10000x64xf32, #tpu.memory_space<hbm>>) dst(%dma_wait3A_82 : memref<80x64xf32, #tpu.memory_space<vmem>>)
      %run_scoped3A = arith.constant 0 : i32
      "tpu.region"() ({
        %run_scoped3A_185 = tpu.sem_alloc : memref<!tpu.dma_semaphore, #tpu.memory_space<semaphore_mem>>
        %dma_start3A_186 = arith.constant 0 : i32
        %dma_start3A_187 = arith.constant 0 : i32
        %dma_start3A_188 = tpu.memref_slice %arg9[%run_scoped3A, %dma_start3A_186, %dma_start3A_187] : memref<5x80x64xf32, #tpu.memory_space<vmem>> -> memref<1x80x64xf32, #tpu.memory_space<vmem>>
        %dma_start3A_189 = tpu.memref_squeeze %dma_start3A_188 : memref<1x80x64xf32, #tpu.memory_space<vmem>> -> memref<80x64xf32, #tpu.memory_space<vmem>>
        %dma_start3A_190 = arith.constant 0 : i32
        %dma_start3A_191 = tpu.memref_slice %arg8[%add3A_78, %dma_start3A_190] : memref<125x80xi32, #tpu.memory_space<vmem>> -> memref<1x80xi32, #tpu.memory_space<vmem>>
        %dma_start3A_192 = tpu.memref_squeeze %dma_start3A_191 : memref<1x80xi32, #tpu.memory_space<vmem>> -> memref<80xi32, #tpu.memory_space<vmem>>
        %dma_start3A_193 = arith.constant 0 : i32
        %dma_start3A_194 = arith.constant 0 : i32
        %dma_start3A_195 = tpu.memref_slice %arg10[%dma_start3A_193, %dma_start3A_194] : memref<10240x64xf32, #tpu.memory_space<vmem_shared>> -> memref<10240x64xf32, #tpu.memory_space<vmem_shared>>
        tpu.enqueue_indirect_dma source(%dma_start3A_189 : memref<80x64xf32, #tpu.memory_space<vmem>>) target(%dma_start3A_195 : memref<10240x64xf32, #tpu.memory_space<vmem_shared>>) offsets(%dma_start3A_192 : memref<80xi32, #tpu.memory_space<vmem>>) semaphore(%run_scoped3A_185 : memref<!tpu.dma_semaphore, #tpu.memory_space<semaphore_mem>>) {add = true}
        %dma_wait3A_196 = arith.constant 0 : i32
        %dma_wait3A_197 = arith.constant 0 : i32
        %dma_wait3A_198 = tpu.memref_slice %arg9[%run_scoped3A, %dma_wait3A_196, %dma_wait3A_197] : memref<5x80x64xf32, #tpu.memory_space<vmem>> -> memref<1x80x64xf32, #tpu.memory_space<vmem>>
        %dma_wait3A_199 = tpu.memref_squeeze %dma_wait3A_198 : memref<1x80x64xf32, #tpu.memory_space<vmem>> -> memref<80x64xf32, #tpu.memory_space<vmem>>
        %dma_wait3A_200 = arith.constant 0 : i32
        %dma_wait3A_201 = tpu.memref_slice %arg8[%add3A_78, %dma_wait3A_200] : memref<125x80xi32, #tpu.memory_space<vmem>> -> memref<1x80xi32, #tpu.memory_space<vmem>>
        %dma_wait3A_202 = tpu.memref_squeeze %dma_wait3A_201 : memref<1x80xi32, #tpu.memory_space<vmem>> -> memref<80xi32, #tpu.memory_space<vmem>>
        %dma_wait3A_203 = arith.constant 0 : i32
        %dma_wait3A_204 = arith.constant 0 : i32
        %dma_wait3A_205 = tpu.memref_slice %arg10[%dma_wait3A_203, %dma_wait3A_204] : memref<10240x64xf32, #tpu.memory_space<vmem_shared>> -> memref<10240x64xf32, #tpu.memory_space<vmem_shared>>
        tpu.wait_indirect_dma semaphore(%run_scoped3A_185 : memref<!tpu.dma_semaphore, #tpu.memory_space<semaphore_mem>>) src(%dma_wait3A_199 : memref<80x64xf32, #tpu.memory_space<vmem>>) dst(%dma_wait3A_205 : memref<10240x64xf32, #tpu.memory_space<vmem_shared>>)
        tpu.yield
      }) : () -> ()
      %add3A_89 = arith.constant 5 : i32
      %add3A_90 = arith.addi %add3A_78, %add3A_89 : i32
      %lt3A = arith.constant 125 : i32
      %lt3A_91 = arith.cmpi slt, %add3A_90, %lt3A : i32
      %convert_element_type3A = arith.extui %lt3A_91 : i1 to i32
      %cond3A = arith.constant 0 : i32
      %cond3A_92 = arith.cmpi ne, %convert_element_type3A, %cond3A : i32
      scf.if %cond3A_92 {
        %dma_start3A_185 = arith.constant 0 : i32
        %dma_start3A_186 = arith.constant 0 : i32
        %dma_start3A_187 = arith.constant 0 : i32
        %dma_start3A_188 = tpu.memref_slice %arg9[%dma_start3A_185, %dma_start3A_186, %dma_start3A_187] : memref<5x80x64xf32, #tpu.memory_space<vmem>> -> memref<1x80x64xf32, #tpu.memory_space<vmem>>
        %dma_start3A_189 = tpu.memref_squeeze %dma_start3A_188 : memref<1x80x64xf32, #tpu.memory_space<vmem>> -> memref<80x64xf32, #tpu.memory_space<vmem>>
        %dma_start3A_190 = arith.constant 0 : i32
        %dma_start3A_191 = tpu.memref_slice %arg7[%add3A_90, %dma_start3A_190] : memref<125x80xi32, #tpu.memory_space<vmem>> -> memref<1x80xi32, #tpu.memory_space<vmem>>
        %dma_start3A_192 = tpu.memref_squeeze %dma_start3A_191 : memref<1x80xi32, #tpu.memory_space<vmem>> -> memref<80xi32, #tpu.memory_space<vmem>>
        %dma_start3A_193 = arith.constant 0 : i32
        %dma_start3A_194 = arith.constant 0 : i32
        %dma_start3A_195 = tpu.memref_slice %arg2[%dma_start3A_193, %dma_start3A_194] : memref<10000x64xf32, #tpu.memory_space<hbm>> -> memref<10000x64xf32, #tpu.memory_space<hbm>>
        tpu.enqueue_indirect_dma source(%dma_start3A_195 : memref<10000x64xf32, #tpu.memory_space<hbm>>) target(%dma_start3A_189 : memref<80x64xf32, #tpu.memory_space<vmem>>) offsets(%dma_start3A_192 : memref<80xi32, #tpu.memory_space<vmem>>) semaphore(%arg11 : memref<!tpu.dma_semaphore, #tpu.memory_space<semaphore_mem>>)
      } else {
      }
      %mul3A_93 = arith.constant 5 : i32
      %mul3A_94 = arith.muli %scan3A_74, %mul3A_93 : i32
      %add3A_95 = arith.constant 1 : i32
      %add3A_96 = arith.addi %mul3A_94, %add3A_95 : i32
      %dma_wait3A_97 = arith.constant 1 : i32
      %dma_wait3A_98 = arith.constant 0 : i32
      %dma_wait3A_99 = arith.constant 0 : i32
      %dma_wait3A_100 = tpu.memref_slice %arg9[%dma_wait3A_97, %dma_wait3A_98, %dma_wait3A_99] : memref<5x80x64xf32, #tpu.memory_space<vmem>> -> memref<1x80x64xf32, #tpu.memory_space<vmem>>
      %dma_wait3A_101 = tpu.memref_squeeze %dma_wait3A_100 : memref<1x80x64xf32, #tpu.memory_space<vmem>> -> memref<80x64xf32, #tpu.memory_space<vmem>>
      %dma_wait3A_102 = arith.constant 0 : i32
      %dma_wait3A_103 = tpu.memref_slice %arg7[%add3A_96, %dma_wait3A_102] : memref<125x80xi32, #tpu.memory_space<vmem>> -> memref<1x80xi32, #tpu.memory_space<vmem>>
      %dma_wait3A_104 = tpu.memref_squeeze %dma_wait3A_103 : memref<1x80xi32, #tpu.memory_space<vmem>> -> memref<80xi32, #tpu.memory_space<vmem>>
      %dma_wait3A_105 = arith.constant 0 : i32
      %dma_wait3A_106 = arith.constant 0 : i32
      %dma_wait3A_107 = tpu.memref_slice %arg2[%dma_wait3A_105, %dma_wait3A_106] : memref<10000x64xf32, #tpu.memory_space<hbm>> -> memref<10000x64xf32, #tpu.memory_space<hbm>>
      tpu.wait_indirect_dma semaphore(%arg12 : memref<!tpu.dma_semaphore, #tpu.memory_space<semaphore_mem>>) src(%dma_wait3A_107 : memref<10000x64xf32, #tpu.memory_space<hbm>>) dst(%dma_wait3A_101 : memref<80x64xf32, #tpu.memory_space<vmem>>)
      %run_scoped3A_108 = arith.constant 1 : i32
      "tpu.region"() ({
        %run_scoped3A_185 = tpu.sem_alloc : memref<!tpu.dma_semaphore, #tpu.memory_space<semaphore_mem>>
        %dma_start3A_186 = arith.constant 0 : i32
        %dma_start3A_187 = arith.constant 0 : i32
        %dma_start3A_188 = tpu.memref_slice %arg9[%run_scoped3A_108, %dma_start3A_186, %dma_start3A_187] : memref<5x80x64xf32, #tpu.memory_space<vmem>> -> memref<1x80x64xf32, #tpu.memory_space<vmem>>
        %dma_start3A_189 = tpu.memref_squeeze %dma_start3A_188 : memref<1x80x64xf32, #tpu.memory_space<vmem>> -> memref<80x64xf32, #tpu.memory_space<vmem>>
        %dma_start3A_190 = arith.constant 0 : i32
        %dma_start3A_191 = tpu.memref_slice %arg8[%add3A_96, %dma_start3A_190] : memref<125x80xi32, #tpu.memory_space<vmem>> -> memref<1x80xi32, #tpu.memory_space<vmem>>
        %dma_start3A_192 = tpu.memref_squeeze %dma_start3A_191 : memref<1x80xi32, #tpu.memory_space<vmem>> -> memref<80xi32, #tpu.memory_space<vmem>>
        %dma_start3A_193 = arith.constant 0 : i32
        %dma_start3A_194 = arith.constant 0 : i32
        %dma_start3A_195 = tpu.memref_slice %arg10[%dma_start3A_193, %dma_start3A_194] : memref<10240x64xf32, #tpu.memory_space<vmem_shared>> -> memref<10240x64xf32, #tpu.memory_space<vmem_shared>>
        tpu.enqueue_indirect_dma source(%dma_start3A_189 : memref<80x64xf32, #tpu.memory_space<vmem>>) target(%dma_start3A_195 : memref<10240x64xf32, #tpu.memory_space<vmem_shared>>) offsets(%dma_start3A_192 : memref<80xi32, #tpu.memory_space<vmem>>) semaphore(%run_scoped3A_185 : memref<!tpu.dma_semaphore, #tpu.memory_space<semaphore_mem>>) {add = true}
        %dma_wait3A_196 = arith.constant 0 : i32
        %dma_wait3A_197 = arith.constant 0 : i32
        %dma_wait3A_198 = tpu.memref_slice %arg9[%run_scoped3A_108, %dma_wait3A_196, %dma_wait3A_197] : memref<5x80x64xf32, #tpu.memory_space<vmem>> -> memref<1x80x64xf32, #tpu.memory_space<vmem>>
        %dma_wait3A_199 = tpu.memref_squeeze %dma_wait3A_198 : memref<1x80x64xf32, #tpu.memory_space<vmem>> -> memref<80x64xf32, #tpu.memory_space<vmem>>
        %dma_wait3A_200 = arith.constant 0 : i32
        %dma_wait3A_201 = tpu.memref_slice %arg8[%add3A_96, %dma_wait3A_200] : memref<125x80xi32, #tpu.memory_space<vmem>> -> memref<1x80xi32, #tpu.memory_space<vmem>>
        %dma_wait3A_202 = tpu.memref_squeeze %dma_wait3A_201 : memref<1x80xi32, #tpu.memory_space<vmem>> -> memref<80xi32, #tpu.memory_space<vmem>>
        %dma_wait3A_203 = arith.constant 0 : i32
        %dma_wait3A_204 = arith.constant 0 : i32
        %dma_wait3A_205 = tpu.memref_slice %arg10[%dma_wait3A_203, %dma_wait3A_204] : memref<10240x64xf32, #tpu.memory_space<vmem_shared>> -> memref<10240x64xf32, #tpu.memory_space<vmem_shared>>
        tpu.wait_indirect_dma semaphore(%run_scoped3A_185 : memref<!tpu.dma_semaphore, #tpu.memory_space<semaphore_mem>>) src(%dma_wait3A_199 : memref<80x64xf32, #tpu.memory_space<vmem>>) dst(%dma_wait3A_205 : memref<10240x64xf32, #tpu.memory_space<vmem_shared>>)
        tpu.yield
      }) : () -> ()
      %add3A_109 = arith.constant 5 : i32
      %add3A_110 = arith.addi %add3A_96, %add3A_109 : i32
      %lt3A_111 = arith.constant 125 : i32
      %lt3A_112 = arith.cmpi slt, %add3A_110, %lt3A_111 : i32
      %convert_element_type3A_113 = arith.extui %lt3A_112 : i1 to i32
      %cond3A_114 = arith.constant 0 : i32
      %cond3A_115 = arith.cmpi ne, %convert_element_type3A_113, %cond3A_114 : i32
      scf.if %cond3A_115 {
        %dma_start3A_185 = arith.constant 1 : i32
        %dma_start3A_186 = arith.constant 0 : i32
        %dma_start3A_187 = arith.constant 0 : i32
        %dma_start3A_188 = tpu.memref_slice %arg9[%dma_start3A_185, %dma_start3A_186, %dma_start3A_187] : memref<5x80x64xf32, #tpu.memory_space<vmem>> -> memref<1x80x64xf32, #tpu.memory_space<vmem>>
        %dma_start3A_189 = tpu.memref_squeeze %dma_start3A_188 : memref<1x80x64xf32, #tpu.memory_space<vmem>> -> memref<80x64xf32, #tpu.memory_space<vmem>>
        %dma_start3A_190 = arith.constant 0 : i32
        %dma_start3A_191 = tpu.memref_slice %arg7[%add3A_110, %dma_start3A_190] : memref<125x80xi32, #tpu.memory_space<vmem>> -> memref<1x80xi32, #tpu.memory_space<vmem>>
        %dma_start3A_192 = tpu.memref_squeeze %dma_start3A_191 : memref<1x80xi32, #tpu.memory_space<vmem>> -> memref<80xi32, #tpu.memory_space<vmem>>
        %dma_start3A_193 = arith.constant 0 : i32
        %dma_start3A_194 = arith.constant 0 : i32
        %dma_start3A_195 = tpu.memref_slice %arg2[%dma_start3A_193, %dma_start3A_194] : memref<10000x64xf32, #tpu.memory_space<hbm>> -> memref<10000x64xf32, #tpu.memory_space<hbm>>
        tpu.enqueue_indirect_dma source(%dma_start3A_195 : memref<10000x64xf32, #tpu.memory_space<hbm>>) target(%dma_start3A_189 : memref<80x64xf32, #tpu.memory_space<vmem>>) offsets(%dma_start3A_192 : memref<80xi32, #tpu.memory_space<vmem>>) semaphore(%arg12 : memref<!tpu.dma_semaphore, #tpu.memory_space<semaphore_mem>>)
      } else {
      }
      %mul3A_116 = arith.constant 5 : i32
      %mul3A_117 = arith.muli %scan3A_74, %mul3A_116 : i32
      %add3A_118 = arith.constant 2 : i32
      %add3A_119 = arith.addi %mul3A_117, %add3A_118 : i32
      %dma_wait3A_120 = arith.constant 2 : i32
      %dma_wait3A_121 = arith.constant 0 : i32
      %dma_wait3A_122 = arith.constant 0 : i32
      %dma_wait3A_123 = tpu.memref_slice %arg9[%dma_wait3A_120, %dma_wait3A_121, %dma_wait3A_122] : memref<5x80x64xf32, #tpu.memory_space<vmem>> -> memref<1x80x64xf32, #tpu.memory_space<vmem>>
      %dma_wait3A_124 = tpu.memref_squeeze %dma_wait3A_123 : memref<1x80x64xf32, #tpu.memory_space<vmem>> -> memref<80x64xf32, #tpu.memory_space<vmem>>
      %dma_wait3A_125 = arith.constant 0 : i32
      %dma_wait3A_126 = tpu.memref_slice %arg7[%add3A_119, %dma_wait3A_125] : memref<125x80xi32, #tpu.memory_space<vmem>> -> memref<1x80xi32, #tpu.memory_space<vmem>>
      %dma_wait3A_127 = tpu.memref_squeeze %dma_wait3A_126 : memref<1x80xi32, #tpu.memory_space<vmem>> -> memref<80xi32, #tpu.memory_space<vmem>>
      %dma_wait3A_128 = arith.constant 0 : i32
      %dma_wait3A_129 = arith.constant 0 : i32
      %dma_wait3A_130 = tpu.memref_slice %arg2[%dma_wait3A_128, %dma_wait3A_129] : memref<10000x64xf32, #tpu.memory_space<hbm>> -> memref<10000x64xf32, #tpu.memory_space<hbm>>
      tpu.wait_indirect_dma semaphore(%arg13 : memref<!tpu.dma_semaphore, #tpu.memory_space<semaphore_mem>>) src(%dma_wait3A_130 : memref<10000x64xf32, #tpu.memory_space<hbm>>) dst(%dma_wait3A_124 : memref<80x64xf32, #tpu.memory_space<vmem>>)
      %run_scoped3A_131 = arith.constant 2 : i32
      "tpu.region"() ({
        %run_scoped3A_185 = tpu.sem_alloc : memref<!tpu.dma_semaphore, #tpu.memory_space<semaphore_mem>>
        %dma_start3A_186 = arith.constant 0 : i32
        %dma_start3A_187 = arith.constant 0 : i32
        %dma_start3A_188 = tpu.memref_slice %arg9[%run_scoped3A_131, %dma_start3A_186, %dma_start3A_187] : memref<5x80x64xf32, #tpu.memory_space<vmem>> -> memref<1x80x64xf32, #tpu.memory_space<vmem>>
        %dma_start3A_189 = tpu.memref_squeeze %dma_start3A_188 : memref<1x80x64xf32, #tpu.memory_space<vmem>> -> memref<80x64xf32, #tpu.memory_space<vmem>>
        %dma_start3A_190 = arith.constant 0 : i32
        %dma_start3A_191 = tpu.memref_slice %arg8[%add3A_119, %dma_start3A_190] : memref<125x80xi32, #tpu.memory_space<vmem>> -> memref<1x80xi32, #tpu.memory_space<vmem>>
        %dma_start3A_192 = tpu.memref_squeeze %dma_start3A_191 : memref<1x80xi32, #tpu.memory_space<vmem>> -> memref<80xi32, #tpu.memory_space<vmem>>
        %dma_start3A_193 = arith.constant 0 : i32
        %dma_start3A_194 = arith.constant 0 : i32
        %dma_start3A_195 = tpu.memref_slice %arg10[%dma_start3A_193, %dma_start3A_194] : memref<10240x64xf32, #tpu.memory_space<vmem_shared>> -> memref<10240x64xf32, #tpu.memory_space<vmem_shared>>
        tpu.enqueue_indirect_dma source(%dma_start3A_189 : memref<80x64xf32, #tpu.memory_space<vmem>>) target(%dma_start3A_195 : memref<10240x64xf32, #tpu.memory_space<vmem_shared>>) offsets(%dma_start3A_192 : memref<80xi32, #tpu.memory_space<vmem>>) semaphore(%run_scoped3A_185 : memref<!tpu.dma_semaphore, #tpu.memory_space<semaphore_mem>>) {add = true}
        %dma_wait3A_196 = arith.constant 0 : i32
        %dma_wait3A_197 = arith.constant 0 : i32
        %dma_wait3A_198 = tpu.memref_slice %arg9[%run_scoped3A_131, %dma_wait3A_196, %dma_wait3A_197] : memref<5x80x64xf32, #tpu.memory_space<vmem>> -> memref<1x80x64xf32, #tpu.memory_space<vmem>>
        %dma_wait3A_199 = tpu.memref_squeeze %dma_wait3A_198 : memref<1x80x64xf32, #tpu.memory_space<vmem>> -> memref<80x64xf32, #tpu.memory_space<vmem>>
        %dma_wait3A_200 = arith.constant 0 : i32
        %dma_wait3A_201 = tpu.memref_slice %arg8[%add3A_119, %dma_wait3A_200] : memref<125x80xi32, #tpu.memory_space<vmem>> -> memref<1x80xi32, #tpu.memory_space<vmem>>
        %dma_wait3A_202 = tpu.memref_squeeze %dma_wait3A_201 : memref<1x80xi32, #tpu.memory_space<vmem>> -> memref<80xi32, #tpu.memory_space<vmem>>
        %dma_wait3A_203 = arith.constant 0 : i32
        %dma_wait3A_204 = arith.constant 0 : i32
        %dma_wait3A_205 = tpu.memref_slice %arg10[%dma_wait3A_203, %dma_wait3A_204] : memref<10240x64xf32, #tpu.memory_space<vmem_shared>> -> memref<10240x64xf32, #tpu.memory_space<vmem_shared>>
        tpu.wait_indirect_dma semaphore(%run_scoped3A_185 : memref<!tpu.dma_semaphore, #tpu.memory_space<semaphore_mem>>) src(%dma_wait3A_199 : memref<80x64xf32, #tpu.memory_space<vmem>>) dst(%dma_wait3A_205 : memref<10240x64xf32, #tpu.memory_space<vmem_shared>>)
        tpu.yield
      }) : () -> ()
      %add3A_132 = arith.constant 5 : i32
      %add3A_133 = arith.addi %add3A_119, %add3A_132 : i32
      %lt3A_134 = arith.constant 125 : i32
      %lt3A_135 = arith.cmpi slt, %add3A_133, %lt3A_134 : i32
      %convert_element_type3A_136 = arith.extui %lt3A_135 : i1 to i32
      %cond3A_137 = arith.constant 0 : i32
      %cond3A_138 = arith.cmpi ne, %convert_element_type3A_136, %cond3A_137 : i32
      scf.if %cond3A_138 {
        %dma_start3A_185 = arith.constant 2 : i32
        %dma_start3A_186 = arith.constant 0 : i32
        %dma_start3A_187 = arith.constant 0 : i32
        %dma_start3A_188 = tpu.memref_slice %arg9[%dma_start3A_185, %dma_start3A_186, %dma_start3A_187] : memref<5x80x64xf32, #tpu.memory_space<vmem>> -> memref<1x80x64xf32, #tpu.memory_space<vmem>>
        %dma_start3A_189 = tpu.memref_squeeze %dma_start3A_188 : memref<1x80x64xf32, #tpu.memory_space<vmem>> -> memref<80x64xf32, #tpu.memory_space<vmem>>
        %dma_start3A_190 = arith.constant 0 : i32
        %dma_start3A_191 = tpu.memref_slice %arg7[%add3A_133, %dma_start3A_190] : memref<125x80xi32, #tpu.memory_space<vmem>> -> memref<1x80xi32, #tpu.memory_space<vmem>>
        %dma_start3A_192 = tpu.memref_squeeze %dma_start3A_191 : memref<1x80xi32, #tpu.memory_space<vmem>> -> memref<80xi32, #tpu.memory_space<vmem>>
        %dma_start3A_193 = arith.constant 0 : i32
        %dma_start3A_194 = arith.constant 0 : i32
        %dma_start3A_195 = tpu.memref_slice %arg2[%dma_start3A_193, %dma_start3A_194] : memref<10000x64xf32, #tpu.memory_space<hbm>> -> memref<10000x64xf32, #tpu.memory_space<hbm>>
        tpu.enqueue_indirect_dma source(%dma_start3A_195 : memref<10000x64xf32, #tpu.memory_space<hbm>>) target(%dma_start3A_189 : memref<80x64xf32, #tpu.memory_space<vmem>>) offsets(%dma_start3A_192 : memref<80xi32, #tpu.memory_space<vmem>>) semaphore(%arg13 : memref<!tpu.dma_semaphore, #tpu.memory_space<semaphore_mem>>)
      } else {
      }
      %mul3A_139 = arith.constant 5 : i32
      %mul3A_140 = arith.muli %scan3A_74, %mul3A_139 : i32
      %add3A_141 = arith.constant 3 : i32
      %add3A_142 = arith.addi %mul3A_140, %add3A_141 : i32
      %dma_wait3A_143 = arith.constant 3 : i32
      %dma_wait3A_144 = arith.constant 0 : i32
      %dma_wait3A_145 = arith.constant 0 : i32
      %dma_wait3A_146 = tpu.memref_slice %arg9[%dma_wait3A_143, %dma_wait3A_144, %dma_wait3A_145] : memref<5x80x64xf32, #tpu.memory_space<vmem>> -> memref<1x80x64xf32, #tpu.memory_space<vmem>>
      %dma_wait3A_147 = tpu.memref_squeeze %dma_wait3A_146 : memref<1x80x64xf32, #tpu.memory_space<vmem>> -> memref<80x64xf32, #tpu.memory_space<vmem>>
      %dma_wait3A_148 = arith.constant 0 : i32
      %dma_wait3A_149 = tpu.memref_slice %arg7[%add3A_142, %dma_wait3A_148] : memref<125x80xi32, #tpu.memory_space<vmem>> -> memref<1x80xi32, #tpu.memory_space<vmem>>
      %dma_wait3A_150 = tpu.memref_squeeze %dma_wait3A_149 : memref<1x80xi32, #tpu.memory_space<vmem>> -> memref<80xi32, #tpu.memory_space<vmem>>
      %dma_wait3A_151 = arith.constant 0 : i32
      %dma_wait3A_152 = arith.constant 0 : i32
      %dma_wait3A_153 = tpu.memref_slice %arg2[%dma_wait3A_151, %dma_wait3A_152] : memref<10000x64xf32, #tpu.memory_space<hbm>> -> memref<10000x64xf32, #tpu.memory_space<hbm>>
      tpu.wait_indirect_dma semaphore(%arg14 : memref<!tpu.dma_semaphore, #tpu.memory_space<semaphore_mem>>) src(%dma_wait3A_153 : memref<10000x64xf32, #tpu.memory_space<hbm>>) dst(%dma_wait3A_147 : memref<80x64xf32, #tpu.memory_space<vmem>>)
      %run_scoped3A_154 = arith.constant 3 : i32
      "tpu.region"() ({
        %run_scoped3A_185 = tpu.sem_alloc : memref<!tpu.dma_semaphore, #tpu.memory_space<semaphore_mem>>
        %dma_start3A_186 = arith.constant 0 : i32
        %dma_start3A_187 = arith.constant 0 : i32
        %dma_start3A_188 = tpu.memref_slice %arg9[%run_scoped3A_154, %dma_start3A_186, %dma_start3A_187] : memref<5x80x64xf32, #tpu.memory_space<vmem>> -> memref<1x80x64xf32, #tpu.memory_space<vmem>>
        %dma_start3A_189 = tpu.memref_squeeze %dma_start3A_188 : memref<1x80x64xf32, #tpu.memory_space<vmem>> -> memref<80x64xf32, #tpu.memory_space<vmem>>
        %dma_start3A_190 = arith.constant 0 : i32
        %dma_start3A_191 = tpu.memref_slice %arg8[%add3A_142, %dma_start3A_190] : memref<125x80xi32, #tpu.memory_space<vmem>> -> memref<1x80xi32, #tpu.memory_space<vmem>>
        %dma_start3A_192 = tpu.memref_squeeze %dma_start3A_191 : memref<1x80xi32, #tpu.memory_space<vmem>> -> memref<80xi32, #tpu.memory_space<vmem>>
        %dma_start3A_193 = arith.constant 0 : i32
        %dma_start3A_194 = arith.constant 0 : i32
        %dma_start3A_195 = tpu.memref_slice %arg10[%dma_start3A_193, %dma_start3A_194] : memref<10240x64xf32, #tpu.memory_space<vmem_shared>> -> memref<10240x64xf32, #tpu.memory_space<vmem_shared>>
        tpu.enqueue_indirect_dma source(%dma_start3A_189 : memref<80x64xf32, #tpu.memory_space<vmem>>) target(%dma_start3A_195 : memref<10240x64xf32, #tpu.memory_space<vmem_shared>>) offsets(%dma_start3A_192 : memref<80xi32, #tpu.memory_space<vmem>>) semaphore(%run_scoped3A_185 : memref<!tpu.dma_semaphore, #tpu.memory_space<semaphore_mem>>) {add = true}
        %dma_wait3A_196 = arith.constant 0 : i32
        %dma_wait3A_197 = arith.constant 0 : i32
        %dma_wait3A_198 = tpu.memref_slice %arg9[%run_scoped3A_154, %dma_wait3A_196, %dma_wait3A_197] : memref<5x80x64xf32, #tpu.memory_space<vmem>> -> memref<1x80x64xf32, #tpu.memory_space<vmem>>
        %dma_wait3A_199 = tpu.memref_squeeze %dma_wait3A_198 : memref<1x80x64xf32, #tpu.memory_space<vmem>> -> memref<80x64xf32, #tpu.memory_space<vmem>>
        %dma_wait3A_200 = arith.constant 0 : i32
        %dma_wait3A_201 = tpu.memref_slice %arg8[%add3A_142, %dma_wait3A_200] : memref<125x80xi32, #tpu.memory_space<vmem>> -> memref<1x80xi32, #tpu.memory_space<vmem>>
        %dma_wait3A_202 = tpu.memref_squeeze %dma_wait3A_201 : memref<1x80xi32, #tpu.memory_space<vmem>> -> memref<80xi32, #tpu.memory_space<vmem>>
        %dma_wait3A_203 = arith.constant 0 : i32
        %dma_wait3A_204 = arith.constant 0 : i32
        %dma_wait3A_205 = tpu.memref_slice %arg10[%dma_wait3A_203, %dma_wait3A_204] : memref<10240x64xf32, #tpu.memory_space<vmem_shared>> -> memref<10240x64xf32, #tpu.memory_space<vmem_shared>>
        tpu.wait_indirect_dma semaphore(%run_scoped3A_185 : memref<!tpu.dma_semaphore, #tpu.memory_space<semaphore_mem>>) src(%dma_wait3A_199 : memref<80x64xf32, #tpu.memory_space<vmem>>) dst(%dma_wait3A_205 : memref<10240x64xf32, #tpu.memory_space<vmem_shared>>)
        tpu.yield
      }) : () -> ()
      %add3A_155 = arith.constant 5 : i32
      %add3A_156 = arith.addi %add3A_142, %add3A_155 : i32
      %lt3A_157 = arith.constant 125 : i32
      %lt3A_158 = arith.cmpi slt, %add3A_156, %lt3A_157 : i32
      %convert_element_type3A_159 = arith.extui %lt3A_158 : i1 to i32
      %cond3A_160 = arith.constant 0 : i32
      %cond3A_161 = arith.cmpi ne, %convert_element_type3A_159, %cond3A_160 : i32
      scf.if %cond3A_161 {
        %dma_start3A_185 = arith.constant 3 : i32
        %dma_start3A_186 = arith.constant 0 : i32
        %dma_start3A_187 = arith.constant 0 : i32
        %dma_start3A_188 = tpu.memref_slice %arg9[%dma_start3A_185, %dma_start3A_186, %dma_start3A_187] : memref<5x80x64xf32, #tpu.memory_space<vmem>> -> memref<1x80x64xf32, #tpu.memory_space<vmem>>
        %dma_start3A_189 = tpu.memref_squeeze %dma_start3A_188 : memref<1x80x64xf32, #tpu.memory_space<vmem>> -> memref<80x64xf32, #tpu.memory_space<vmem>>
        %dma_start3A_190 = arith.constant 0 : i32
        %dma_start3A_191 = tpu.memref_slice %arg7[%add3A_156, %dma_start3A_190] : memref<125x80xi32, #tpu.memory_space<vmem>> -> memref<1x80xi32, #tpu.memory_space<vmem>>
        %dma_start3A_192 = tpu.memref_squeeze %dma_start3A_191 : memref<1x80xi32, #tpu.memory_space<vmem>> -> memref<80xi32, #tpu.memory_space<vmem>>
        %dma_start3A_193 = arith.constant 0 : i32
        %dma_start3A_194 = arith.constant 0 : i32
        %dma_start3A_195 = tpu.memref_slice %arg2[%dma_start3A_193, %dma_start3A_194] : memref<10000x64xf32, #tpu.memory_space<hbm>> -> memref<10000x64xf32, #tpu.memory_space<hbm>>
        tpu.enqueue_indirect_dma source(%dma_start3A_195 : memref<10000x64xf32, #tpu.memory_space<hbm>>) target(%dma_start3A_189 : memref<80x64xf32, #tpu.memory_space<vmem>>) offsets(%dma_start3A_192 : memref<80xi32, #tpu.memory_space<vmem>>) semaphore(%arg14 : memref<!tpu.dma_semaphore, #tpu.memory_space<semaphore_mem>>)
      } else {
      }
      %mul3A_162 = arith.constant 5 : i32
      %mul3A_163 = arith.muli %scan3A_74, %mul3A_162 : i32
      %add3A_164 = arith.constant 4 : i32
      %add3A_165 = arith.addi %mul3A_163, %add3A_164 : i32
      %dma_wait3A_166 = arith.constant 4 : i32
      %dma_wait3A_167 = arith.constant 0 : i32
      %dma_wait3A_168 = arith.constant 0 : i32
      %dma_wait3A_169 = tpu.memref_slice %arg9[%dma_wait3A_166, %dma_wait3A_167, %dma_wait3A_168] : memref<5x80x64xf32, #tpu.memory_space<vmem>> -> memref<1x80x64xf32, #tpu.memory_space<vmem>>
      %dma_wait3A_170 = tpu.memref_squeeze %dma_wait3A_169 : memref<1x80x64xf32, #tpu.memory_space<vmem>> -> memref<80x64xf32, #tpu.memory_space<vmem>>
      %dma_wait3A_171 = arith.constant 0 : i32
      %dma_wait3A_172 = tpu.memref_slice %arg7[%add3A_165, %dma_wait3A_171] : memref<125x80xi32, #tpu.memory_space<vmem>> -> memref<1x80xi32, #tpu.memory_space<vmem>>
      %dma_wait3A_173 = tpu.memref_squeeze %dma_wait3A_172 : memref<1x80xi32, #tpu.memory_space<vmem>> -> memref<80xi32, #tpu.memory_space<vmem>>
      %dma_wait3A_174 = arith.constant 0 : i32
      %dma_wait3A_175 = arith.constant 0 : i32
      %dma_wait3A_176 = tpu.memref_slice %arg2[%dma_wait3A_174, %dma_wait3A_175] : memref<10000x64xf32, #tpu.memory_space<hbm>> -> memref<10000x64xf32, #tpu.memory_space<hbm>>
      tpu.wait_indirect_dma semaphore(%arg15 : memref<!tpu.dma_semaphore, #tpu.memory_space<semaphore_mem>>) src(%dma_wait3A_176 : memref<10000x64xf32, #tpu.memory_space<hbm>>) dst(%dma_wait3A_170 : memref<80x64xf32, #tpu.memory_space<vmem>>)
      %run_scoped3A_177 = arith.constant 4 : i32
      "tpu.region"() ({
        %run_scoped3A_185 = tpu.sem_alloc : memref<!tpu.dma_semaphore, #tpu.memory_space<semaphore_mem>>
        %dma_start3A_186 = arith.constant 0 : i32
        %dma_start3A_187 = arith.constant 0 : i32
        %dma_start3A_188 = tpu.memref_slice %arg9[%run_scoped3A_177, %dma_start3A_186, %dma_start3A_187] : memref<5x80x64xf32, #tpu.memory_space<vmem>> -> memref<1x80x64xf32, #tpu.memory_space<vmem>>
        %dma_start3A_189 = tpu.memref_squeeze %dma_start3A_188 : memref<1x80x64xf32, #tpu.memory_space<vmem>> -> memref<80x64xf32, #tpu.memory_space<vmem>>
        %dma_start3A_190 = arith.constant 0 : i32
        %dma_start3A_191 = tpu.memref_slice %arg8[%add3A_165, %dma_start3A_190] : memref<125x80xi32, #tpu.memory_space<vmem>> -> memref<1x80xi32, #tpu.memory_space<vmem>>
        %dma_start3A_192 = tpu.memref_squeeze %dma_start3A_191 : memref<1x80xi32, #tpu.memory_space<vmem>> -> memref<80xi32, #tpu.memory_space<vmem>>
        %dma_start3A_193 = arith.constant 0 : i32
        %dma_start3A_194 = arith.constant 0 : i32
        %dma_start3A_195 = tpu.memref_slice %arg10[%dma_start3A_193, %dma_start3A_194] : memref<10240x64xf32, #tpu.memory_space<vmem_shared>> -> memref<10240x64xf32, #tpu.memory_space<vmem_shared>>
        tpu.enqueue_indirect_dma source(%dma_start3A_189 : memref<80x64xf32, #tpu.memory_space<vmem>>) target(%dma_start3A_195 : memref<10240x64xf32, #tpu.memory_space<vmem_shared>>) offsets(%dma_start3A_192 : memref<80xi32, #tpu.memory_space<vmem>>) semaphore(%run_scoped3A_185 : memref<!tpu.dma_semaphore, #tpu.memory_space<semaphore_mem>>) {add = true}
        %dma_wait3A_196 = arith.constant 0 : i32
        %dma_wait3A_197 = arith.constant 0 : i32
        %dma_wait3A_198 = tpu.memref_slice %arg9[%run_scoped3A_177, %dma_wait3A_196, %dma_wait3A_197] : memref<5x80x64xf32, #tpu.memory_space<vmem>> -> memref<1x80x64xf32, #tpu.memory_space<vmem>>
        %dma_wait3A_199 = tpu.memref_squeeze %dma_wait3A_198 : memref<1x80x64xf32, #tpu.memory_space<vmem>> -> memref<80x64xf32, #tpu.memory_space<vmem>>
        %dma_wait3A_200 = arith.constant 0 : i32
        %dma_wait3A_201 = tpu.memref_slice %arg8[%add3A_165, %dma_wait3A_200] : memref<125x80xi32, #tpu.memory_space<vmem>> -> memref<1x80xi32, #tpu.memory_space<vmem>>
        %dma_wait3A_202 = tpu.memref_squeeze %dma_wait3A_201 : memref<1x80xi32, #tpu.memory_space<vmem>> -> memref<80xi32, #tpu.memory_space<vmem>>
        %dma_wait3A_203 = arith.constant 0 : i32
        %dma_wait3A_204 = arith.constant 0 : i32
        %dma_wait3A_205 = tpu.memref_slice %arg10[%dma_wait3A_203, %dma_wait3A_204] : memref<10240x64xf32, #tpu.memory_space<vmem_shared>> -> memref<10240x64xf32, #tpu.memory_space<vmem_shared>>
        tpu.wait_indirect_dma semaphore(%run_scoped3A_185 : memref<!tpu.dma_semaphore, #tpu.memory_space<semaphore_mem>>) src(%dma_wait3A_199 : memref<80x64xf32, #tpu.memory_space<vmem>>) dst(%dma_wait3A_205 : memref<10240x64xf32, #tpu.memory_space<vmem_shared>>)
        tpu.yield
      }) : () -> ()
      %add3A_178 = arith.constant 5 : i32
      %add3A_179 = arith.addi %add3A_165, %add3A_178 : i32
      %lt3A_180 = arith.constant 125 : i32
      %lt3A_181 = arith.cmpi slt, %add3A_179, %lt3A_180 : i32
      %convert_element_type3A_182 = arith.extui %lt3A_181 : i1 to i32
      %cond3A_183 = arith.constant 0 : i32
      %cond3A_184 = arith.cmpi ne, %convert_element_type3A_182, %cond3A_183 : i32
      scf.if %cond3A_184 {
        %dma_start3A_185 = arith.constant 4 : i32
        %dma_start3A_186 = arith.constant 0 : i32
        %dma_start3A_187 = arith.constant 0 : i32
        %dma_start3A_188 = tpu.memref_slice %arg9[%dma_start3A_185, %dma_start3A_186, %dma_start3A_187] : memref<5x80x64xf32, #tpu.memory_space<vmem>> -> memref<1x80x64xf32, #tpu.memory_space<vmem>>
        %dma_start3A_189 = tpu.memref_squeeze %dma_start3A_188 : memref<1x80x64xf32, #tpu.memory_space<vmem>> -> memref<80x64xf32, #tpu.memory_space<vmem>>
        %dma_start3A_190 = arith.constant 0 : i32
        %dma_start3A_191 = tpu.memref_slice %arg7[%add3A_179, %dma_start3A_190] : memref<125x80xi32, #tpu.memory_space<vmem>> -> memref<1x80xi32, #tpu.memory_space<vmem>>
        %dma_start3A_192 = tpu.memref_squeeze %dma_start3A_191 : memref<1x80xi32, #tpu.memory_space<vmem>> -> memref<80xi32, #tpu.memory_space<vmem>>
        %dma_start3A_193 = arith.constant 0 : i32
        %dma_start3A_194 = arith.constant 0 : i32
        %dma_start3A_195 = tpu.memref_slice %arg2[%dma_start3A_193, %dma_start3A_194] : memref<10000x64xf32, #tpu.memory_space<hbm>> -> memref<10000x64xf32, #tpu.memory_space<hbm>>
        tpu.enqueue_indirect_dma source(%dma_start3A_195 : memref<10000x64xf32, #tpu.memory_space<hbm>>) target(%dma_start3A_189 : memref<80x64xf32, #tpu.memory_space<vmem>>) offsets(%dma_start3A_192 : memref<80xi32, #tpu.memory_space<vmem>>) semaphore(%arg15 : memref<!tpu.dma_semaphore, #tpu.memory_space<semaphore_mem>>)
      } else {
      }
    }
    %scan3A_68 = arith.constant 25 : i32
    %barrier3A_69 = arith.constant 0 : index
    tpu.barrier barrier_id(%barrier3A_69)
    %mul3A_70 = arith.constant 640 : i32
    %mul3A_71 = arith.muli %arg1, %mul3A_70 : i32
    %mul3A_72 = arith.constant 640 : i32
    %mul3A_73 = arith.muli %arg1, %mul3A_72 : i32
    "tpu.region"() ({
      %run_scoped3A = tpu.sem_alloc : memref<!tpu.dma_semaphore, #tpu.memory_space<semaphore_mem>>
      %dma_start3A_74 = arith.constant 0 : i32
      %dma_start3A_75 = tpu.memref_slice %arg6[%arg0, %mul3A_73, %dma_start3A_74] : memref<2x10240x64xf32, #tpu.memory_space<hbm>> -> memref<1x640x64xf32, #tpu.memory_space<hbm>>
      %dma_start3A_76 = tpu.memref_squeeze %dma_start3A_75 : memref<1x640x64xf32, #tpu.memory_space<hbm>> -> memref<640x64xf32, #tpu.memory_space<hbm>>
      %dma_start3A_77 = arith.constant 0 : i32
      %dma_start3A_78 = tpu.memref_slice %arg10[%mul3A_71, %dma_start3A_77] : memref<10240x64xf32, #tpu.memory_space<vmem_shared>> -> memref<640x64xf32, #tpu.memory_space<vmem_shared>>
      tpu.enqueue_dma source(%dma_start3A_78 : memref<640x64xf32, #tpu.memory_space<vmem_shared>>) target(%dma_start3A_76 : memref<640x64xf32, #tpu.memory_space<hbm>>) target_semaphore(%run_scoped3A : memref<!tpu.dma_semaphore, #tpu.memory_space<semaphore_mem>>)
      %dma_wait3A = arith.constant 0 : i32
      %dma_wait3A_79 = tpu.memref_slice %arg6[%arg0, %mul3A_73, %dma_wait3A] : memref<2x10240x64xf32, #tpu.memory_space<hbm>> -> memref<1x640x64xf32, #tpu.memory_space<hbm>>
      %dma_wait3A_80 = tpu.memref_squeeze %dma_wait3A_79 : memref<1x640x64xf32, #tpu.memory_space<hbm>> -> memref<640x64xf32, #tpu.memory_space<hbm>>
      %dma_wait3A_81 = arith.constant 0 : i32
      %dma_wait3A_82 = tpu.memref_slice %arg10[%mul3A_71, %dma_wait3A_81] : memref<10240x64xf32, #tpu.memory_space<vmem_shared>> -> memref<640x64xf32, #tpu.memory_space<vmem_shared>>
      tpu.wait_dma2 semaphore(%run_scoped3A : memref<!tpu.dma_semaphore, #tpu.memory_space<semaphore_mem>>) src(%dma_wait3A_82 : memref<640x64xf32, #tpu.memory_space<vmem_shared>>) dst(%dma_wait3A_80 : memref<640x64xf32, #tpu.memory_space<hbm>>)
      tpu.yield
    }) : () -> ()
    return
  }
}

#map = affine_map<(d0, d1) -> (0, 0)>
#map1 = affine_map<(d0, d1) -> (0, 0, 0)>
module attributes {stable_mosaic.version = 14 : i64} {
  func.func @body(%arg0: i32, %arg1: i32, %arg2: memref<10000x16xf32, #tpu.memory_space<hbm>>, %arg3: memref<32x125x80xi32, #tpu.memory_space<hbm>>, %arg4: memref<32x125x80xi32, #tpu.memory_space<hbm>>, %arg5: memref<10240x16xf32, #tpu.memory_space<hbm>>, %arg6: memref<2x10240x16xf32, #tpu.memory_space<hbm>>, %arg7: memref<125x80xi32, #tpu.memory_space<vmem>>, %arg8: memref<125x80xi32, #tpu.memory_space<vmem>>, %arg9: memref<5x80x16xf32, #tpu.memory_space<vmem>>, %arg10: memref<10240x16xf32, #tpu.memory_space<vmem_shared>>, %arg11: memref<!tpu.dma_semaphore, #tpu.memory_space<semaphore_mem>>, %arg12: memref<!tpu.dma_semaphore, #tpu.memory_space<semaphore_mem>>, %arg13: memref<!tpu.dma_semaphore, #tpu.memory_space<semaphore_mem>>, %arg14: memref<!tpu.dma_semaphore, #tpu.memory_space<semaphore_mem>>, %arg15: memref<!tpu.dma_semaphore, #tpu.memory_space<semaphore_mem>>) attributes {dimension_semantics = [#tpu.dimension_semantics<core_parallel>, #tpu.dimension_semantics<subcore_parallel>], iteration_bounds = array<i64: 2, 16>, scalar_prefetch = 0 : i64, scratch_operands = 9 : i64, tpu.core_type = #tpu.core_type<sc_vector_subcore>, window_params = [{transform_indices = #map}, {transform_indices = #map1}, {transform_indices = #map1}, {transform_indices = #map}, {transform_indices = #map1}]} {
    %mul3A = arith.constant 16 : i32
    %mul3A_0 = arith.muli %arg0, %mul3A : i32
    %add3A = arith.addi %mul3A_0, %arg1 : i32
    %mul3A_1 = arith.constant 640 : i32
    %mul3A_2 = arith.muli %arg1, %mul3A_1 : i32
    %mul3A_3 = arith.constant 640 : i32
    %mul3A_4 = arith.muli %arg1, %mul3A_3 : i32
    "tpu.region"() ({
      %run_scoped3A = tpu.sem_alloc : memref<!tpu.dma_semaphore, #tpu.memory_space<semaphore_mem>>
      %dma_start3A_74 = arith.constant 0 : i32
      %dma_start3A_75 = tpu.memref_slice %arg10[%mul3A_4, %dma_start3A_74] : memref<10240x16xf32, #tpu.memory_space<vmem_shared>> -> memref<640x16xf32, #tpu.memory_space<vmem_shared>>
      %dma_start3A_76 = arith.constant 0 : i32
      %dma_start3A_77 = tpu.memref_slice %arg5[%mul3A_2, %dma_start3A_76] : memref<10240x16xf32, #tpu.memory_space<hbm>> -> memref<640x16xf32, #tpu.memory_space<hbm>>
      tpu.enqueue_dma source(%dma_start3A_77 : memref<640x16xf32, #tpu.memory_space<hbm>>) target(%dma_start3A_75 : memref<640x16xf32, #tpu.memory_space<vmem_shared>>) target_semaphore(%run_scoped3A : memref<!tpu.dma_semaphore, #tpu.memory_space<semaphore_mem>>)
      %dma_wait3A = arith.constant 0 : i32
      %dma_wait3A_78 = tpu.memref_slice %arg10[%mul3A_4, %dma_wait3A] : memref<10240x16xf32, #tpu.memory_space<vmem_shared>> -> memref<640x16xf32, #tpu.memory_space<vmem_shared>>
      %dma_wait3A_79 = arith.constant 0 : i32
      %dma_wait3A_80 = tpu.memref_slice %arg5[%mul3A_2, %dma_wait3A_79] : memref<10240x16xf32, #tpu.memory_space<hbm>> -> memref<640x16xf32, #tpu.memory_space<hbm>>
      tpu.wait_dma2 semaphore(%run_scoped3A : memref<!tpu.dma_semaphore, #tpu.memory_space<semaphore_mem>>) src(%dma_wait3A_80 : memref<640x16xf32, #tpu.memory_space<hbm>>) dst(%dma_wait3A_78 : memref<640x16xf32, #tpu.memory_space<vmem_shared>>)
      tpu.yield
    }) : () -> ()
    "tpu.region"() ({
      %run_scoped3A = tpu.sem_alloc : memref<!tpu.dma_semaphore, #tpu.memory_space<semaphore_mem>>
      %dma_start3A_74 = arith.constant 0 : i32
      %dma_start3A_75 = arith.constant 0 : i32
      %dma_start3A_76 = tpu.memref_slice %arg3[%add3A, %dma_start3A_74, %dma_start3A_75] : memref<32x125x80xi32, #tpu.memory_space<hbm>> -> memref<1x125x80xi32, #tpu.memory_space<hbm>>
      %dma_start3A_77 = tpu.memref_squeeze %dma_start3A_76 : memref<1x125x80xi32, #tpu.memory_space<hbm>> -> memref<125x80xi32, #tpu.memory_space<hbm>>
      %dma_start3A_78 = arith.constant 0 : i32
      %dma_start3A_79 = arith.constant 0 : i32
      %dma_start3A_80 = tpu.memref_slice %arg3[%add3A, %dma_start3A_78, %dma_start3A_79] : memref<32x125x80xi32, #tpu.memory_space<hbm>> -> memref<1x125x80xi32, #tpu.memory_space<hbm>>
      %dma_start3A_81 = tpu.memref_squeeze %dma_start3A_80 : memref<1x125x80xi32, #tpu.memory_space<hbm>> -> memref<125x80xi32, #tpu.memory_space<hbm>>
      tpu.enqueue_dma source(%dma_start3A_81 : memref<125x80xi32, #tpu.memory_space<hbm>>) target(%arg7 : memref<125x80xi32, #tpu.memory_space<vmem>>) target_semaphore(%run_scoped3A : memref<!tpu.dma_semaphore, #tpu.memory_space<semaphore_mem>>)
      %dma_wait3A = arith.constant 0 : i32
      %dma_wait3A_82 = arith.constant 0 : i32
      %dma_wait3A_83 = tpu.memref_slice %arg3[%add3A, %dma_wait3A, %dma_wait3A_82] : memref<32x125x80xi32, #tpu.memory_space<hbm>> -> memref<1x125x80xi32, #tpu.memory_space<hbm>>
      %dma_wait3A_84 = tpu.memref_squeeze %dma_wait3A_83 : memref<1x125x80xi32, #tpu.memory_space<hbm>> -> memref<125x80xi32, #tpu.memory_space<hbm>>
      %dma_wait3A_85 = arith.constant 0 : i32
      %dma_wait3A_86 = arith.constant 0 : i32
      %dma_wait3A_87 = tpu.memref_slice %arg3[%add3A, %dma_wait3A_85, %dma_wait3A_86] : memref<32x125x80xi32, #tpu.memory_space<hbm>> -> memref<1x125x80xi32, #tpu.memory_space<hbm>>
      %dma_wait3A_88 = tpu.memref_squeeze %dma_wait3A_87 : memref<1x125x80xi32, #tpu.memory_space<hbm>> -> memref<125x80xi32, #tpu.memory_space<hbm>>
      tpu.wait_dma2 semaphore(%run_scoped3A : memref<!tpu.dma_semaphore, #tpu.memory_space<semaphore_mem>>) src(%dma_wait3A_88 : memref<125x80xi32, #tpu.memory_space<hbm>>) dst(%arg7 : memref<125x80xi32, #tpu.memory_space<vmem>>)
      tpu.yield
    }) : () -> ()
    "tpu.region"() ({
      %run_scoped3A = tpu.sem_alloc : memref<!tpu.dma_semaphore, #tpu.memory_space<semaphore_mem>>
      %dma_start3A_74 = arith.constant 0 : i32
      %dma_start3A_75 = arith.constant 0 : i32
      %dma_start3A_76 = tpu.memref_slice %arg4[%add3A, %dma_start3A_74, %dma_start3A_75] : memref<32x125x80xi32, #tpu.memory_space<hbm>> -> memref<1x125x80xi32, #tpu.memory_space<hbm>>
      %dma_start3A_77 = tpu.memref_squeeze %dma_start3A_76 : memref<1x125x80xi32, #tpu.memory_space<hbm>> -> memref<125x80xi32, #tpu.memory_space<hbm>>
      %dma_start3A_78 = arith.constant 0 : i32
      %dma_start3A_79 = arith.constant 0 : i32
      %dma_start3A_80 = tpu.memref_slice %arg4[%add3A, %dma_start3A_78, %dma_start3A_79] : memref<32x125x80xi32, #tpu.memory_space<hbm>> -> memref<1x125x80xi32, #tpu.memory_space<hbm>>
      %dma_start3A_81 = tpu.memref_squeeze %dma_start3A_80 : memref<1x125x80xi32, #tpu.memory_space<hbm>> -> memref<125x80xi32, #tpu.memory_space<hbm>>
      tpu.enqueue_dma source(%dma_start3A_81 : memref<125x80xi32, #tpu.memory_space<hbm>>) target(%arg8 : memref<125x80xi32, #tpu.memory_space<vmem>>) target_semaphore(%run_scoped3A : memref<!tpu.dma_semaphore, #tpu.memory_space<semaphore_mem>>)
      %dma_wait3A = arith.constant 0 : i32
      %dma_wait3A_82 = arith.constant 0 : i32
      %dma_wait3A_83 = tpu.memref_slice %arg4[%add3A, %dma_wait3A, %dma_wait3A_82] : memref<32x125x80xi32, #tpu.memory_space<hbm>> -> memref<1x125x80xi32, #tpu.memory_space<hbm>>
      %dma_wait3A_84 = tpu.memref_squeeze %dma_wait3A_83 : memref<1x125x80xi32, #tpu.memory_space<hbm>> -> memref<125x80xi32, #tpu.memory_space<hbm>>
      %dma_wait3A_85 = arith.constant 0 : i32
      %dma_wait3A_86 = arith.constant 0 : i32
      %dma_wait3A_87 = tpu.memref_slice %arg4[%add3A, %dma_wait3A_85, %dma_wait3A_86] : memref<32x125x80xi32, #tpu.memory_space<hbm>> -> memref<1x125x80xi32, #tpu.memory_space<hbm>>
      %dma_wait3A_88 = tpu.memref_squeeze %dma_wait3A_87 : memref<1x125x80xi32, #tpu.memory_space<hbm>> -> memref<125x80xi32, #tpu.memory_space<hbm>>
      tpu.wait_dma2 semaphore(%run_scoped3A : memref<!tpu.dma_semaphore, #tpu.memory_space<semaphore_mem>>) src(%dma_wait3A_88 : memref<125x80xi32, #tpu.memory_space<hbm>>) dst(%arg8 : memref<125x80xi32, #tpu.memory_space<vmem>>)
      tpu.yield
    }) : () -> ()
    %barrier3A = arith.constant 0 : index
    tpu.barrier barrier_id(%barrier3A)
    %dma_start3A = arith.constant 0 : i32
    %dma_start3A_5 = arith.constant 0 : i32
    %dma_start3A_6 = arith.constant 0 : i32
    %dma_start3A_7 = arith.constant 0 : i32
    %dma_start3A_8 = tpu.memref_slice %arg9[%dma_start3A_5, %dma_start3A_6, %dma_start3A_7] : memref<5x80x16xf32, #tpu.memory_space<vmem>> -> memref<1x80x16xf32, #tpu.memory_space<vmem>>
    %dma_start3A_9 = tpu.memref_squeeze %dma_start3A_8 : memref<1x80x16xf32, #tpu.memory_space<vmem>> -> memref<80x16xf32, #tpu.memory_space<vmem>>
    %dma_start3A_10 = arith.constant 0 : i32
    %dma_start3A_11 = tpu.memref_slice %arg7[%dma_start3A, %dma_start3A_10] : memref<125x80xi32, #tpu.memory_space<vmem>> -> memref<1x80xi32, #tpu.memory_space<vmem>>
    %dma_start3A_12 = tpu.memref_squeeze %dma_start3A_11 : memref<1x80xi32, #tpu.memory_space<vmem>> -> memref<80xi32, #tpu.memory_space<vmem>>
    %dma_start3A_13 = arith.constant 0 : i32
    %dma_start3A_14 = arith.constant 0 : i32
    %dma_start3A_15 = tpu.memref_slice %arg2[%dma_start3A_13, %dma_start3A_14] : memref<10000x16xf32, #tpu.memory_space<hbm>> -> memref<10000x16xf32, #tpu.memory_space<hbm>>
    tpu.enqueue_indirect_dma source(%dma_start3A_15 : memref<10000x16xf32, #tpu.memory_space<hbm>>) target(%dma_start3A_9 : memref<80x16xf32, #tpu.memory_space<vmem>>) offsets(%dma_start3A_12 : memref<80xi32, #tpu.memory_space<vmem>>) semaphore(%arg11 : memref<!tpu.dma_semaphore, #tpu.memory_space<semaphore_mem>>)
    %dma_start3A_16 = arith.constant 1 : i32
    %dma_start3A_17 = arith.constant 1 : i32
    %dma_start3A_18 = arith.constant 0 : i32
    %dma_start3A_19 = arith.constant 0 : i32
    %dma_start3A_20 = tpu.memref_slice %arg9[%dma_start3A_17, %dma_start3A_18, %dma_start3A_19] : memref<5x80x16xf32, #tpu.memory_space<vmem>> -> memref<1x80x16xf32, #tpu.memory_space<vmem>>
    %dma_start3A_21 = tpu.memref_squeeze %dma_start3A_20 : memref<1x80x16xf32, #tpu.memory_space<vmem>> -> memref<80x16xf32, #tpu.memory_space<vmem>>
    %dma_start3A_22 = arith.constant 0 : i32
    %dma_start3A_23 = tpu.memref_slice %arg7[%dma_start3A_16, %dma_start3A_22] : memref<125x80xi32, #tpu.memory_space<vmem>> -> memref<1x80xi32, #tpu.memory_space<vmem>>
    %dma_start3A_24 = tpu.memref_squeeze %dma_start3A_23 : memref<1x80xi32, #tpu.memory_space<vmem>> -> memref<80xi32, #tpu.memory_space<vmem>>
    %dma_start3A_25 = arith.constant 0 : i32
    %dma_start3A_26 = arith.constant 0 : i32
    %dma_start3A_27 = tpu.memref_slice %arg2[%dma_start3A_25, %dma_start3A_26] : memref<10000x16xf32, #tpu.memory_space<hbm>> -> memref<10000x16xf32, #tpu.memory_space<hbm>>
    tpu.enqueue_indirect_dma source(%dma_start3A_27 : memref<10000x16xf32, #tpu.memory_space<hbm>>) target(%dma_start3A_21 : memref<80x16xf32, #tpu.memory_space<vmem>>) offsets(%dma_start3A_24 : memref<80xi32, #tpu.memory_space<vmem>>) semaphore(%arg12 : memref<!tpu.dma_semaphore, #tpu.memory_space<semaphore_mem>>)
    %dma_start3A_28 = arith.constant 2 : i32
    %dma_start3A_29 = arith.constant 2 : i32
    %dma_start3A_30 = arith.constant 0 : i32
    %dma_start3A_31 = arith.constant 0 : i32
    %dma_start3A_32 = tpu.memref_slice %arg9[%dma_start3A_29, %dma_start3A_30, %dma_start3A_31] : memref<5x80x16xf32, #tpu.memory_space<vmem>> -> memref<1x80x16xf32, #tpu.memory_space<vmem>>
    %dma_start3A_33 = tpu.memref_squeeze %dma_start3A_32 : memref<1x80x16xf32, #tpu.memory_space<vmem>> -> memref<80x16xf32, #tpu.memory_space<vmem>>
    %dma_start3A_34 = arith.constant 0 : i32
    %dma_start3A_35 = tpu.memref_slice %arg7[%dma_start3A_28, %dma_start3A_34] : memref<125x80xi32, #tpu.memory_space<vmem>> -> memref<1x80xi32, #tpu.memory_space<vmem>>
    %dma_start3A_36 = tpu.memref_squeeze %dma_start3A_35 : memref<1x80xi32, #tpu.memory_space<vmem>> -> memref<80xi32, #tpu.memory_space<vmem>>
    %dma_start3A_37 = arith.constant 0 : i32
    %dma_start3A_38 = arith.constant 0 : i32
    %dma_start3A_39 = tpu.memref_slice %arg2[%dma_start3A_37, %dma_start3A_38] : memref<10000x16xf32, #tpu.memory_space<hbm>> -> memref<10000x16xf32, #tpu.memory_space<hbm>>
    tpu.enqueue_indirect_dma source(%dma_start3A_39 : memref<10000x16xf32, #tpu.memory_space<hbm>>) target(%dma_start3A_33 : memref<80x16xf32, #tpu.memory_space<vmem>>) offsets(%dma_start3A_36 : memref<80xi32, #tpu.memory_space<vmem>>) semaphore(%arg13 : memref<!tpu.dma_semaphore, #tpu.memory_space<semaphore_mem>>)
    %dma_start3A_40 = arith.constant 3 : i32
    %dma_start3A_41 = arith.constant 3 : i32
    %dma_start3A_42 = arith.constant 0 : i32
    %dma_start3A_43 = arith.constant 0 : i32
    %dma_start3A_44 = tpu.memref_slice %arg9[%dma_start3A_41, %dma_start3A_42, %dma_start3A_43] : memref<5x80x16xf32, #tpu.memory_space<vmem>> -> memref<1x80x16xf32, #tpu.memory_space<vmem>>
    %dma_start3A_45 = tpu.memref_squeeze %dma_start3A_44 : memref<1x80x16xf32, #tpu.memory_space<vmem>> -> memref<80x16xf32, #tpu.memory_space<vmem>>
    %dma_start3A_46 = arith.constant 0 : i32
    %dma_start3A_47 = tpu.memref_slice %arg7[%dma_start3A_40, %dma_start3A_46] : memref<125x80xi32, #tpu.memory_space<vmem>> -> memref<1x80xi32, #tpu.memory_space<vmem>>
    %dma_start3A_48 = tpu.memref_squeeze %dma_start3A_47 : memref<1x80xi32, #tpu.memory_space<vmem>> -> memref<80xi32, #tpu.memory_space<vmem>>
    %dma_start3A_49 = arith.constant 0 : i32
    %dma_start3A_50 = arith.constant 0 : i32
    %dma_start3A_51 = tpu.memref_slice %arg2[%dma_start3A_49, %dma_start3A_50] : memref<10000x16xf32, #tpu.memory_space<hbm>> -> memref<10000x16xf32, #tpu.memory_space<hbm>>
    tpu.enqueue_indirect_dma source(%dma_start3A_51 : memref<10000x16xf32, #tpu.memory_space<hbm>>) target(%dma_start3A_45 : memref<80x16xf32, #tpu.memory_space<vmem>>) offsets(%dma_start3A_48 : memref<80xi32, #tpu.memory_space<vmem>>) semaphore(%arg14 : memref<!tpu.dma_semaphore, #tpu.memory_space<semaphore_mem>>)
    %dma_start3A_52 = arith.constant 4 : i32
    %dma_start3A_53 = arith.constant 4 : i32
    %dma_start3A_54 = arith.constant 0 : i32
    %dma_start3A_55 = arith.constant 0 : i32
    %dma_start3A_56 = tpu.memref_slice %arg9[%dma_start3A_53, %dma_start3A_54, %dma_start3A_55] : memref<5x80x16xf32, #tpu.memory_space<vmem>> -> memref<1x80x16xf32, #tpu.memory_space<vmem>>
    %dma_start3A_57 = tpu.memref_squeeze %dma_start3A_56 : memref<1x80x16xf32, #tpu.memory_space<vmem>> -> memref<80x16xf32, #tpu.memory_space<vmem>>
    %dma_start3A_58 = arith.constant 0 : i32
    %dma_start3A_59 = tpu.memref_slice %arg7[%dma_start3A_52, %dma_start3A_58] : memref<125x80xi32, #tpu.memory_space<vmem>> -> memref<1x80xi32, #tpu.memory_space<vmem>>
    %dma_start3A_60 = tpu.memref_squeeze %dma_start3A_59 : memref<1x80xi32, #tpu.memory_space<vmem>> -> memref<80xi32, #tpu.memory_space<vmem>>
    %dma_start3A_61 = arith.constant 0 : i32
    %dma_start3A_62 = arith.constant 0 : i32
    %dma_start3A_63 = tpu.memref_slice %arg2[%dma_start3A_61, %dma_start3A_62] : memref<10000x16xf32, #tpu.memory_space<hbm>> -> memref<10000x16xf32, #tpu.memory_space<hbm>>
    tpu.enqueue_indirect_dma source(%dma_start3A_63 : memref<10000x16xf32, #tpu.memory_space<hbm>>) target(%dma_start3A_57 : memref<80x16xf32, #tpu.memory_space<vmem>>) offsets(%dma_start3A_60 : memref<80xi32, #tpu.memory_space<vmem>>) semaphore(%arg15 : memref<!tpu.dma_semaphore, #tpu.memory_space<semaphore_mem>>)
    %scan3A = arith.constant 0 : i32
    %scan3A_64 = arith.constant 0 : i32
    %scan3A_65 = arith.constant 25 : i32
    %scan3A_66 = arith.addi %scan3A_64, %scan3A_65 : i32
    %scan3A_67 = arith.constant 1 : i32
    scf.for %scan3A_74 = %scan3A_64 to %scan3A_66 step %scan3A_67  : i32 {
      %mul3A_75 = arith.constant 5 : i32
      %mul3A_76 = arith.muli %scan3A_74, %mul3A_75 : i32
      %add3A_77 = arith.constant 0 : i32
      %add3A_78 = arith.addi %mul3A_76, %add3A_77 : i32
      %dma_wait3A = arith.constant 0 : i32
      %dma_wait3A_79 = arith.constant 0 : i32
      %dma_wait3A_80 = arith.constant 0 : i32
      %dma_wait3A_81 = tpu.memref_slice %arg9[%dma_wait3A, %dma_wait3A_79, %dma_wait3A_80] : memref<5x80x16xf32, #tpu.memory_space<vmem>> -> memref<1x80x16xf32, #tpu.memory_space<vmem>>
      %dma_wait3A_82 = tpu.memref_squeeze %dma_wait3A_81 : memref<1x80x16xf32, #tpu.memory_space<vmem>> -> memref<80x16xf32, #tpu.memory_space<vmem>>
      %dma_wait3A_83 = arith.constant 0 : i32
      %dma_wait3A_84 = tpu.memref_slice %arg7[%add3A_78, %dma_wait3A_83] : memref<125x80xi32, #tpu.memory_space<vmem>> -> memref<1x80xi32, #tpu.memory_space<vmem>>
      %dma_wait3A_85 = tpu.memref_squeeze %dma_wait3A_84 : memref<1x80xi32, #tpu.memory_space<vmem>> -> memref<80xi32, #tpu.memory_space<vmem>>
      %dma_wait3A_86 = arith.constant 0 : i32
      %dma_wait3A_87 = arith.constant 0 : i32
      %dma_wait3A_88 = tpu.memref_slice %arg2[%dma_wait3A_86, %dma_wait3A_87] : memref<10000x16xf32, #tpu.memory_space<hbm>> -> memref<10000x16xf32, #tpu.memory_space<hbm>>
      tpu.wait_indirect_dma semaphore(%arg11 : memref<!tpu.dma_semaphore, #tpu.memory_space<semaphore_mem>>) src(%dma_wait3A_88 : memref<10000x16xf32, #tpu.memory_space<hbm>>) dst(%dma_wait3A_82 : memref<80x16xf32, #tpu.memory_space<vmem>>)
      %run_scoped3A = arith.constant 0 : i32
      "tpu.region"() ({
        %run_scoped3A_185 = tpu.sem_alloc : memref<!tpu.dma_semaphore, #tpu.memory_space<semaphore_mem>>
        %dma_start3A_186 = arith.constant 0 : i32
        %dma_start3A_187 = arith.constant 0 : i32
        %dma_start3A_188 = tpu.memref_slice %arg9[%run_scoped3A, %dma_start3A_186, %dma_start3A_187] : memref<5x80x16xf32, #tpu.memory_space<vmem>> -> memref<1x80x16xf32, #tpu.memory_space<vmem>>
        %dma_start3A_189 = tpu.memref_squeeze %dma_start3A_188 : memref<1x80x16xf32, #tpu.memory_space<vmem>> -> memref<80x16xf32, #tpu.memory_space<vmem>>
        %dma_start3A_190 = arith.constant 0 : i32
        %dma_start3A_191 = tpu.memref_slice %arg8[%add3A_78, %dma_start3A_190] : memref<125x80xi32, #tpu.memory_space<vmem>> -> memref<1x80xi32, #tpu.memory_space<vmem>>
        %dma_start3A_192 = tpu.memref_squeeze %dma_start3A_191 : memref<1x80xi32, #tpu.memory_space<vmem>> -> memref<80xi32, #tpu.memory_space<vmem>>
        %dma_start3A_193 = arith.constant 0 : i32
        %dma_start3A_194 = arith.constant 0 : i32
        %dma_start3A_195 = tpu.memref_slice %arg10[%dma_start3A_193, %dma_start3A_194] : memref<10240x16xf32, #tpu.memory_space<vmem_shared>> -> memref<10240x16xf32, #tpu.memory_space<vmem_shared>>
        tpu.enqueue_indirect_dma source(%dma_start3A_189 : memref<80x16xf32, #tpu.memory_space<vmem>>) target(%dma_start3A_195 : memref<10240x16xf32, #tpu.memory_space<vmem_shared>>) offsets(%dma_start3A_192 : memref<80xi32, #tpu.memory_space<vmem>>) semaphore(%run_scoped3A_185 : memref<!tpu.dma_semaphore, #tpu.memory_space<semaphore_mem>>) {add = true}
        %dma_wait3A_196 = arith.constant 0 : i32
        %dma_wait3A_197 = arith.constant 0 : i32
        %dma_wait3A_198 = tpu.memref_slice %arg9[%run_scoped3A, %dma_wait3A_196, %dma_wait3A_197] : memref<5x80x16xf32, #tpu.memory_space<vmem>> -> memref<1x80x16xf32, #tpu.memory_space<vmem>>
        %dma_wait3A_199 = tpu.memref_squeeze %dma_wait3A_198 : memref<1x80x16xf32, #tpu.memory_space<vmem>> -> memref<80x16xf32, #tpu.memory_space<vmem>>
        %dma_wait3A_200 = arith.constant 0 : i32
        %dma_wait3A_201 = tpu.memref_slice %arg8[%add3A_78, %dma_wait3A_200] : memref<125x80xi32, #tpu.memory_space<vmem>> -> memref<1x80xi32, #tpu.memory_space<vmem>>
        %dma_wait3A_202 = tpu.memref_squeeze %dma_wait3A_201 : memref<1x80xi32, #tpu.memory_space<vmem>> -> memref<80xi32, #tpu.memory_space<vmem>>
        %dma_wait3A_203 = arith.constant 0 : i32
        %dma_wait3A_204 = arith.constant 0 : i32
        %dma_wait3A_205 = tpu.memref_slice %arg10[%dma_wait3A_203, %dma_wait3A_204] : memref<10240x16xf32, #tpu.memory_space<vmem_shared>> -> memref<10240x16xf32, #tpu.memory_space<vmem_shared>>
        tpu.wait_indirect_dma semaphore(%run_scoped3A_185 : memref<!tpu.dma_semaphore, #tpu.memory_space<semaphore_mem>>) src(%dma_wait3A_199 : memref<80x16xf32, #tpu.memory_space<vmem>>) dst(%dma_wait3A_205 : memref<10240x16xf32, #tpu.memory_space<vmem_shared>>)
        tpu.yield
      }) : () -> ()
      %add3A_89 = arith.constant 5 : i32
      %add3A_90 = arith.addi %add3A_78, %add3A_89 : i32
      %lt3A = arith.constant 125 : i32
      %lt3A_91 = arith.cmpi slt, %add3A_90, %lt3A : i32
      %convert_element_type3A = arith.extui %lt3A_91 : i1 to i32
      %cond3A = arith.constant 0 : i32
      %cond3A_92 = arith.cmpi ne, %convert_element_type3A, %cond3A : i32
      scf.if %cond3A_92 {
        %dma_start3A_185 = arith.constant 0 : i32
        %dma_start3A_186 = arith.constant 0 : i32
        %dma_start3A_187 = arith.constant 0 : i32
        %dma_start3A_188 = tpu.memref_slice %arg9[%dma_start3A_185, %dma_start3A_186, %dma_start3A_187] : memref<5x80x16xf32, #tpu.memory_space<vmem>> -> memref<1x80x16xf32, #tpu.memory_space<vmem>>
        %dma_start3A_189 = tpu.memref_squeeze %dma_start3A_188 : memref<1x80x16xf32, #tpu.memory_space<vmem>> -> memref<80x16xf32, #tpu.memory_space<vmem>>
        %dma_start3A_190 = arith.constant 0 : i32
        %dma_start3A_191 = tpu.memref_slice %arg7[%add3A_90, %dma_start3A_190] : memref<125x80xi32, #tpu.memory_space<vmem>> -> memref<1x80xi32, #tpu.memory_space<vmem>>
        %dma_start3A_192 = tpu.memref_squeeze %dma_start3A_191 : memref<1x80xi32, #tpu.memory_space<vmem>> -> memref<80xi32, #tpu.memory_space<vmem>>
        %dma_start3A_193 = arith.constant 0 : i32
        %dma_start3A_194 = arith.constant 0 : i32
        %dma_start3A_195 = tpu.memref_slice %arg2[%dma_start3A_193, %dma_start3A_194] : memref<10000x16xf32, #tpu.memory_space<hbm>> -> memref<10000x16xf32, #tpu.memory_space<hbm>>
        tpu.enqueue_indirect_dma source(%dma_start3A_195 : memref<10000x16xf32, #tpu.memory_space<hbm>>) target(%dma_start3A_189 : memref<80x16xf32, #tpu.memory_space<vmem>>) offsets(%dma_start3A_192 : memref<80xi32, #tpu.memory_space<vmem>>) semaphore(%arg11 : memref<!tpu.dma_semaphore, #tpu.memory_space<semaphore_mem>>)
      } else {
      }
      %mul3A_93 = arith.constant 5 : i32
      %mul3A_94 = arith.muli %scan3A_74, %mul3A_93 : i32
      %add3A_95 = arith.constant 1 : i32
      %add3A_96 = arith.addi %mul3A_94, %add3A_95 : i32
      %dma_wait3A_97 = arith.constant 1 : i32
      %dma_wait3A_98 = arith.constant 0 : i32
      %dma_wait3A_99 = arith.constant 0 : i32
      %dma_wait3A_100 = tpu.memref_slice %arg9[%dma_wait3A_97, %dma_wait3A_98, %dma_wait3A_99] : memref<5x80x16xf32, #tpu.memory_space<vmem>> -> memref<1x80x16xf32, #tpu.memory_space<vmem>>
      %dma_wait3A_101 = tpu.memref_squeeze %dma_wait3A_100 : memref<1x80x16xf32, #tpu.memory_space<vmem>> -> memref<80x16xf32, #tpu.memory_space<vmem>>
      %dma_wait3A_102 = arith.constant 0 : i32
      %dma_wait3A_103 = tpu.memref_slice %arg7[%add3A_96, %dma_wait3A_102] : memref<125x80xi32, #tpu.memory_space<vmem>> -> memref<1x80xi32, #tpu.memory_space<vmem>>
      %dma_wait3A_104 = tpu.memref_squeeze %dma_wait3A_103 : memref<1x80xi32, #tpu.memory_space<vmem>> -> memref<80xi32, #tpu.memory_space<vmem>>
      %dma_wait3A_105 = arith.constant 0 : i32
      %dma_wait3A_106 = arith.constant 0 : i32
      %dma_wait3A_107 = tpu.memref_slice %arg2[%dma_wait3A_105, %dma_wait3A_106] : memref<10000x16xf32, #tpu.memory_space<hbm>> -> memref<10000x16xf32, #tpu.memory_space<hbm>>
      tpu.wait_indirect_dma semaphore(%arg12 : memref<!tpu.dma_semaphore, #tpu.memory_space<semaphore_mem>>) src(%dma_wait3A_107 : memref<10000x16xf32, #tpu.memory_space<hbm>>) dst(%dma_wait3A_101 : memref<80x16xf32, #tpu.memory_space<vmem>>)
      %run_scoped3A_108 = arith.constant 1 : i32
      "tpu.region"() ({
        %run_scoped3A_185 = tpu.sem_alloc : memref<!tpu.dma_semaphore, #tpu.memory_space<semaphore_mem>>
        %dma_start3A_186 = arith.constant 0 : i32
        %dma_start3A_187 = arith.constant 0 : i32
        %dma_start3A_188 = tpu.memref_slice %arg9[%run_scoped3A_108, %dma_start3A_186, %dma_start3A_187] : memref<5x80x16xf32, #tpu.memory_space<vmem>> -> memref<1x80x16xf32, #tpu.memory_space<vmem>>
        %dma_start3A_189 = tpu.memref_squeeze %dma_start3A_188 : memref<1x80x16xf32, #tpu.memory_space<vmem>> -> memref<80x16xf32, #tpu.memory_space<vmem>>
        %dma_start3A_190 = arith.constant 0 : i32
        %dma_start3A_191 = tpu.memref_slice %arg8[%add3A_96, %dma_start3A_190] : memref<125x80xi32, #tpu.memory_space<vmem>> -> memref<1x80xi32, #tpu.memory_space<vmem>>
        %dma_start3A_192 = tpu.memref_squeeze %dma_start3A_191 : memref<1x80xi32, #tpu.memory_space<vmem>> -> memref<80xi32, #tpu.memory_space<vmem>>
        %dma_start3A_193 = arith.constant 0 : i32
        %dma_start3A_194 = arith.constant 0 : i32
        %dma_start3A_195 = tpu.memref_slice %arg10[%dma_start3A_193, %dma_start3A_194] : memref<10240x16xf32, #tpu.memory_space<vmem_shared>> -> memref<10240x16xf32, #tpu.memory_space<vmem_shared>>
        tpu.enqueue_indirect_dma source(%dma_start3A_189 : memref<80x16xf32, #tpu.memory_space<vmem>>) target(%dma_start3A_195 : memref<10240x16xf32, #tpu.memory_space<vmem_shared>>) offsets(%dma_start3A_192 : memref<80xi32, #tpu.memory_space<vmem>>) semaphore(%run_scoped3A_185 : memref<!tpu.dma_semaphore, #tpu.memory_space<semaphore_mem>>) {add = true}
        %dma_wait3A_196 = arith.constant 0 : i32
        %dma_wait3A_197 = arith.constant 0 : i32
        %dma_wait3A_198 = tpu.memref_slice %arg9[%run_scoped3A_108, %dma_wait3A_196, %dma_wait3A_197] : memref<5x80x16xf32, #tpu.memory_space<vmem>> -> memref<1x80x16xf32, #tpu.memory_space<vmem>>
        %dma_wait3A_199 = tpu.memref_squeeze %dma_wait3A_198 : memref<1x80x16xf32, #tpu.memory_space<vmem>> -> memref<80x16xf32, #tpu.memory_space<vmem>>
        %dma_wait3A_200 = arith.constant 0 : i32
        %dma_wait3A_201 = tpu.memref_slice %arg8[%add3A_96, %dma_wait3A_200] : memref<125x80xi32, #tpu.memory_space<vmem>> -> memref<1x80xi32, #tpu.memory_space<vmem>>
        %dma_wait3A_202 = tpu.memref_squeeze %dma_wait3A_201 : memref<1x80xi32, #tpu.memory_space<vmem>> -> memref<80xi32, #tpu.memory_space<vmem>>
        %dma_wait3A_203 = arith.constant 0 : i32
        %dma_wait3A_204 = arith.constant 0 : i32
        %dma_wait3A_205 = tpu.memref_slice %arg10[%dma_wait3A_203, %dma_wait3A_204] : memref<10240x16xf32, #tpu.memory_space<vmem_shared>> -> memref<10240x16xf32, #tpu.memory_space<vmem_shared>>
        tpu.wait_indirect_dma semaphore(%run_scoped3A_185 : memref<!tpu.dma_semaphore, #tpu.memory_space<semaphore_mem>>) src(%dma_wait3A_199 : memref<80x16xf32, #tpu.memory_space<vmem>>) dst(%dma_wait3A_205 : memref<10240x16xf32, #tpu.memory_space<vmem_shared>>)
        tpu.yield
      }) : () -> ()
      %add3A_109 = arith.constant 5 : i32
      %add3A_110 = arith.addi %add3A_96, %add3A_109 : i32
      %lt3A_111 = arith.constant 125 : i32
      %lt3A_112 = arith.cmpi slt, %add3A_110, %lt3A_111 : i32
      %convert_element_type3A_113 = arith.extui %lt3A_112 : i1 to i32
      %cond3A_114 = arith.constant 0 : i32
      %cond3A_115 = arith.cmpi ne, %convert_element_type3A_113, %cond3A_114 : i32
      scf.if %cond3A_115 {
        %dma_start3A_185 = arith.constant 1 : i32
        %dma_start3A_186 = arith.constant 0 : i32
        %dma_start3A_187 = arith.constant 0 : i32
        %dma_start3A_188 = tpu.memref_slice %arg9[%dma_start3A_185, %dma_start3A_186, %dma_start3A_187] : memref<5x80x16xf32, #tpu.memory_space<vmem>> -> memref<1x80x16xf32, #tpu.memory_space<vmem>>
        %dma_start3A_189 = tpu.memref_squeeze %dma_start3A_188 : memref<1x80x16xf32, #tpu.memory_space<vmem>> -> memref<80x16xf32, #tpu.memory_space<vmem>>
        %dma_start3A_190 = arith.constant 0 : i32
        %dma_start3A_191 = tpu.memref_slice %arg7[%add3A_110, %dma_start3A_190] : memref<125x80xi32, #tpu.memory_space<vmem>> -> memref<1x80xi32, #tpu.memory_space<vmem>>
        %dma_start3A_192 = tpu.memref_squeeze %dma_start3A_191 : memref<1x80xi32, #tpu.memory_space<vmem>> -> memref<80xi32, #tpu.memory_space<vmem>>
        %dma_start3A_193 = arith.constant 0 : i32
        %dma_start3A_194 = arith.constant 0 : i32
        %dma_start3A_195 = tpu.memref_slice %arg2[%dma_start3A_193, %dma_start3A_194] : memref<10000x16xf32, #tpu.memory_space<hbm>> -> memref<10000x16xf32, #tpu.memory_space<hbm>>
        tpu.enqueue_indirect_dma source(%dma_start3A_195 : memref<10000x16xf32, #tpu.memory_space<hbm>>) target(%dma_start3A_189 : memref<80x16xf32, #tpu.memory_space<vmem>>) offsets(%dma_start3A_192 : memref<80xi32, #tpu.memory_space<vmem>>) semaphore(%arg12 : memref<!tpu.dma_semaphore, #tpu.memory_space<semaphore_mem>>)
      } else {
      }
      %mul3A_116 = arith.constant 5 : i32
      %mul3A_117 = arith.muli %scan3A_74, %mul3A_116 : i32
      %add3A_118 = arith.constant 2 : i32
      %add3A_119 = arith.addi %mul3A_117, %add3A_118 : i32
      %dma_wait3A_120 = arith.constant 2 : i32
      %dma_wait3A_121 = arith.constant 0 : i32
      %dma_wait3A_122 = arith.constant 0 : i32
      %dma_wait3A_123 = tpu.memref_slice %arg9[%dma_wait3A_120, %dma_wait3A_121, %dma_wait3A_122] : memref<5x80x16xf32, #tpu.memory_space<vmem>> -> memref<1x80x16xf32, #tpu.memory_space<vmem>>
      %dma_wait3A_124 = tpu.memref_squeeze %dma_wait3A_123 : memref<1x80x16xf32, #tpu.memory_space<vmem>> -> memref<80x16xf32, #tpu.memory_space<vmem>>
      %dma_wait3A_125 = arith.constant 0 : i32
      %dma_wait3A_126 = tpu.memref_slice %arg7[%add3A_119, %dma_wait3A_125] : memref<125x80xi32, #tpu.memory_space<vmem>> -> memref<1x80xi32, #tpu.memory_space<vmem>>
      %dma_wait3A_127 = tpu.memref_squeeze %dma_wait3A_126 : memref<1x80xi32, #tpu.memory_space<vmem>> -> memref<80xi32, #tpu.memory_space<vmem>>
      %dma_wait3A_128 = arith.constant 0 : i32
      %dma_wait3A_129 = arith.constant 0 : i32
      %dma_wait3A_130 = tpu.memref_slice %arg2[%dma_wait3A_128, %dma_wait3A_129] : memref<10000x16xf32, #tpu.memory_space<hbm>> -> memref<10000x16xf32, #tpu.memory_space<hbm>>
      tpu.wait_indirect_dma semaphore(%arg13 : memref<!tpu.dma_semaphore, #tpu.memory_space<semaphore_mem>>) src(%dma_wait3A_130 : memref<10000x16xf32, #tpu.memory_space<hbm>>) dst(%dma_wait3A_124 : memref<80x16xf32, #tpu.memory_space<vmem>>)
      %run_scoped3A_131 = arith.constant 2 : i32
      "tpu.region"() ({
        %run_scoped3A_185 = tpu.sem_alloc : memref<!tpu.dma_semaphore, #tpu.memory_space<semaphore_mem>>
        %dma_start3A_186 = arith.constant 0 : i32
        %dma_start3A_187 = arith.constant 0 : i32
        %dma_start3A_188 = tpu.memref_slice %arg9[%run_scoped3A_131, %dma_start3A_186, %dma_start3A_187] : memref<5x80x16xf32, #tpu.memory_space<vmem>> -> memref<1x80x16xf32, #tpu.memory_space<vmem>>
        %dma_start3A_189 = tpu.memref_squeeze %dma_start3A_188 : memref<1x80x16xf32, #tpu.memory_space<vmem>> -> memref<80x16xf32, #tpu.memory_space<vmem>>
        %dma_start3A_190 = arith.constant 0 : i32
        %dma_start3A_191 = tpu.memref_slice %arg8[%add3A_119, %dma_start3A_190] : memref<125x80xi32, #tpu.memory_space<vmem>> -> memref<1x80xi32, #tpu.memory_space<vmem>>
        %dma_start3A_192 = tpu.memref_squeeze %dma_start3A_191 : memref<1x80xi32, #tpu.memory_space<vmem>> -> memref<80xi32, #tpu.memory_space<vmem>>
        %dma_start3A_193 = arith.constant 0 : i32
        %dma_start3A_194 = arith.constant 0 : i32
        %dma_start3A_195 = tpu.memref_slice %arg10[%dma_start3A_193, %dma_start3A_194] : memref<10240x16xf32, #tpu.memory_space<vmem_shared>> -> memref<10240x16xf32, #tpu.memory_space<vmem_shared>>
        tpu.enqueue_indirect_dma source(%dma_start3A_189 : memref<80x16xf32, #tpu.memory_space<vmem>>) target(%dma_start3A_195 : memref<10240x16xf32, #tpu.memory_space<vmem_shared>>) offsets(%dma_start3A_192 : memref<80xi32, #tpu.memory_space<vmem>>) semaphore(%run_scoped3A_185 : memref<!tpu.dma_semaphore, #tpu.memory_space<semaphore_mem>>) {add = true}
        %dma_wait3A_196 = arith.constant 0 : i32
        %dma_wait3A_197 = arith.constant 0 : i32
        %dma_wait3A_198 = tpu.memref_slice %arg9[%run_scoped3A_131, %dma_wait3A_196, %dma_wait3A_197] : memref<5x80x16xf32, #tpu.memory_space<vmem>> -> memref<1x80x16xf32, #tpu.memory_space<vmem>>
        %dma_wait3A_199 = tpu.memref_squeeze %dma_wait3A_198 : memref<1x80x16xf32, #tpu.memory_space<vmem>> -> memref<80x16xf32, #tpu.memory_space<vmem>>
        %dma_wait3A_200 = arith.constant 0 : i32
        %dma_wait3A_201 = tpu.memref_slice %arg8[%add3A_119, %dma_wait3A_200] : memref<125x80xi32, #tpu.memory_space<vmem>> -> memref<1x80xi32, #tpu.memory_space<vmem>>
        %dma_wait3A_202 = tpu.memref_squeeze %dma_wait3A_201 : memref<1x80xi32, #tpu.memory_space<vmem>> -> memref<80xi32, #tpu.memory_space<vmem>>
        %dma_wait3A_203 = arith.constant 0 : i32
        %dma_wait3A_204 = arith.constant 0 : i32
        %dma_wait3A_205 = tpu.memref_slice %arg10[%dma_wait3A_203, %dma_wait3A_204] : memref<10240x16xf32, #tpu.memory_space<vmem_shared>> -> memref<10240x16xf32, #tpu.memory_space<vmem_shared>>
        tpu.wait_indirect_dma semaphore(%run_scoped3A_185 : memref<!tpu.dma_semaphore, #tpu.memory_space<semaphore_mem>>) src(%dma_wait3A_199 : memref<80x16xf32, #tpu.memory_space<vmem>>) dst(%dma_wait3A_205 : memref<10240x16xf32, #tpu.memory_space<vmem_shared>>)
        tpu.yield
      }) : () -> ()
      %add3A_132 = arith.constant 5 : i32
      %add3A_133 = arith.addi %add3A_119, %add3A_132 : i32
      %lt3A_134 = arith.constant 125 : i32
      %lt3A_135 = arith.cmpi slt, %add3A_133, %lt3A_134 : i32
      %convert_element_type3A_136 = arith.extui %lt3A_135 : i1 to i32
      %cond3A_137 = arith.constant 0 : i32
      %cond3A_138 = arith.cmpi ne, %convert_element_type3A_136, %cond3A_137 : i32
      scf.if %cond3A_138 {
        %dma_start3A_185 = arith.constant 2 : i32
        %dma_start3A_186 = arith.constant 0 : i32
        %dma_start3A_187 = arith.constant 0 : i32
        %dma_start3A_188 = tpu.memref_slice %arg9[%dma_start3A_185, %dma_start3A_186, %dma_start3A_187] : memref<5x80x16xf32, #tpu.memory_space<vmem>> -> memref<1x80x16xf32, #tpu.memory_space<vmem>>
        %dma_start3A_189 = tpu.memref_squeeze %dma_start3A_188 : memref<1x80x16xf32, #tpu.memory_space<vmem>> -> memref<80x16xf32, #tpu.memory_space<vmem>>
        %dma_start3A_190 = arith.constant 0 : i32
        %dma_start3A_191 = tpu.memref_slice %arg7[%add3A_133, %dma_start3A_190] : memref<125x80xi32, #tpu.memory_space<vmem>> -> memref<1x80xi32, #tpu.memory_space<vmem>>
        %dma_start3A_192 = tpu.memref_squeeze %dma_start3A_191 : memref<1x80xi32, #tpu.memory_space<vmem>> -> memref<80xi32, #tpu.memory_space<vmem>>
        %dma_start3A_193 = arith.constant 0 : i32
        %dma_start3A_194 = arith.constant 0 : i32
        %dma_start3A_195 = tpu.memref_slice %arg2[%dma_start3A_193, %dma_start3A_194] : memref<10000x16xf32, #tpu.memory_space<hbm>> -> memref<10000x16xf32, #tpu.memory_space<hbm>>
        tpu.enqueue_indirect_dma source(%dma_start3A_195 : memref<10000x16xf32, #tpu.memory_space<hbm>>) target(%dma_start3A_189 : memref<80x16xf32, #tpu.memory_space<vmem>>) offsets(%dma_start3A_192 : memref<80xi32, #tpu.memory_space<vmem>>) semaphore(%arg13 : memref<!tpu.dma_semaphore, #tpu.memory_space<semaphore_mem>>)
      } else {
      }
      %mul3A_139 = arith.constant 5 : i32
      %mul3A_140 = arith.muli %scan3A_74, %mul3A_139 : i32
      %add3A_141 = arith.constant 3 : i32
      %add3A_142 = arith.addi %mul3A_140, %add3A_141 : i32
      %dma_wait3A_143 = arith.constant 3 : i32
      %dma_wait3A_144 = arith.constant 0 : i32
      %dma_wait3A_145 = arith.constant 0 : i32
      %dma_wait3A_146 = tpu.memref_slice %arg9[%dma_wait3A_143, %dma_wait3A_144, %dma_wait3A_145] : memref<5x80x16xf32, #tpu.memory_space<vmem>> -> memref<1x80x16xf32, #tpu.memory_space<vmem>>
      %dma_wait3A_147 = tpu.memref_squeeze %dma_wait3A_146 : memref<1x80x16xf32, #tpu.memory_space<vmem>> -> memref<80x16xf32, #tpu.memory_space<vmem>>
      %dma_wait3A_148 = arith.constant 0 : i32
      %dma_wait3A_149 = tpu.memref_slice %arg7[%add3A_142, %dma_wait3A_148] : memref<125x80xi32, #tpu.memory_space<vmem>> -> memref<1x80xi32, #tpu.memory_space<vmem>>
      %dma_wait3A_150 = tpu.memref_squeeze %dma_wait3A_149 : memref<1x80xi32, #tpu.memory_space<vmem>> -> memref<80xi32, #tpu.memory_space<vmem>>
      %dma_wait3A_151 = arith.constant 0 : i32
      %dma_wait3A_152 = arith.constant 0 : i32
      %dma_wait3A_153 = tpu.memref_slice %arg2[%dma_wait3A_151, %dma_wait3A_152] : memref<10000x16xf32, #tpu.memory_space<hbm>> -> memref<10000x16xf32, #tpu.memory_space<hbm>>
      tpu.wait_indirect_dma semaphore(%arg14 : memref<!tpu.dma_semaphore, #tpu.memory_space<semaphore_mem>>) src(%dma_wait3A_153 : memref<10000x16xf32, #tpu.memory_space<hbm>>) dst(%dma_wait3A_147 : memref<80x16xf32, #tpu.memory_space<vmem>>)
      %run_scoped3A_154 = arith.constant 3 : i32
      "tpu.region"() ({
        %run_scoped3A_185 = tpu.sem_alloc : memref<!tpu.dma_semaphore, #tpu.memory_space<semaphore_mem>>
        %dma_start3A_186 = arith.constant 0 : i32
        %dma_start3A_187 = arith.constant 0 : i32
        %dma_start3A_188 = tpu.memref_slice %arg9[%run_scoped3A_154, %dma_start3A_186, %dma_start3A_187] : memref<5x80x16xf32, #tpu.memory_space<vmem>> -> memref<1x80x16xf32, #tpu.memory_space<vmem>>
        %dma_start3A_189 = tpu.memref_squeeze %dma_start3A_188 : memref<1x80x16xf32, #tpu.memory_space<vmem>> -> memref<80x16xf32, #tpu.memory_space<vmem>>
        %dma_start3A_190 = arith.constant 0 : i32
        %dma_start3A_191 = tpu.memref_slice %arg8[%add3A_142, %dma_start3A_190] : memref<125x80xi32, #tpu.memory_space<vmem>> -> memref<1x80xi32, #tpu.memory_space<vmem>>
        %dma_start3A_192 = tpu.memref_squeeze %dma_start3A_191 : memref<1x80xi32, #tpu.memory_space<vmem>> -> memref<80xi32, #tpu.memory_space<vmem>>
        %dma_start3A_193 = arith.constant 0 : i32
        %dma_start3A_194 = arith.constant 0 : i32
        %dma_start3A_195 = tpu.memref_slice %arg10[%dma_start3A_193, %dma_start3A_194] : memref<10240x16xf32, #tpu.memory_space<vmem_shared>> -> memref<10240x16xf32, #tpu.memory_space<vmem_shared>>
        tpu.enqueue_indirect_dma source(%dma_start3A_189 : memref<80x16xf32, #tpu.memory_space<vmem>>) target(%dma_start3A_195 : memref<10240x16xf32, #tpu.memory_space<vmem_shared>>) offsets(%dma_start3A_192 : memref<80xi32, #tpu.memory_space<vmem>>) semaphore(%run_scoped3A_185 : memref<!tpu.dma_semaphore, #tpu.memory_space<semaphore_mem>>) {add = true}
        %dma_wait3A_196 = arith.constant 0 : i32
        %dma_wait3A_197 = arith.constant 0 : i32
        %dma_wait3A_198 = tpu.memref_slice %arg9[%run_scoped3A_154, %dma_wait3A_196, %dma_wait3A_197] : memref<5x80x16xf32, #tpu.memory_space<vmem>> -> memref<1x80x16xf32, #tpu.memory_space<vmem>>
        %dma_wait3A_199 = tpu.memref_squeeze %dma_wait3A_198 : memref<1x80x16xf32, #tpu.memory_space<vmem>> -> memref<80x16xf32, #tpu.memory_space<vmem>>
        %dma_wait3A_200 = arith.constant 0 : i32
        %dma_wait3A_201 = tpu.memref_slice %arg8[%add3A_142, %dma_wait3A_200] : memref<125x80xi32, #tpu.memory_space<vmem>> -> memref<1x80xi32, #tpu.memory_space<vmem>>
        %dma_wait3A_202 = tpu.memref_squeeze %dma_wait3A_201 : memref<1x80xi32, #tpu.memory_space<vmem>> -> memref<80xi32, #tpu.memory_space<vmem>>
        %dma_wait3A_203 = arith.constant 0 : i32
        %dma_wait3A_204 = arith.constant 0 : i32
        %dma_wait3A_205 = tpu.memref_slice %arg10[%dma_wait3A_203, %dma_wait3A_204] : memref<10240x16xf32, #tpu.memory_space<vmem_shared>> -> memref<10240x16xf32, #tpu.memory_space<vmem_shared>>
        tpu.wait_indirect_dma semaphore(%run_scoped3A_185 : memref<!tpu.dma_semaphore, #tpu.memory_space<semaphore_mem>>) src(%dma_wait3A_199 : memref<80x16xf32, #tpu.memory_space<vmem>>) dst(%dma_wait3A_205 : memref<10240x16xf32, #tpu.memory_space<vmem_shared>>)
        tpu.yield
      }) : () -> ()
      %add3A_155 = arith.constant 5 : i32
      %add3A_156 = arith.addi %add3A_142, %add3A_155 : i32
      %lt3A_157 = arith.constant 125 : i32
      %lt3A_158 = arith.cmpi slt, %add3A_156, %lt3A_157 : i32
      %convert_element_type3A_159 = arith.extui %lt3A_158 : i1 to i32
      %cond3A_160 = arith.constant 0 : i32
      %cond3A_161 = arith.cmpi ne, %convert_element_type3A_159, %cond3A_160 : i32
      scf.if %cond3A_161 {
        %dma_start3A_185 = arith.constant 3 : i32
        %dma_start3A_186 = arith.constant 0 : i32
        %dma_start3A_187 = arith.constant 0 : i32
        %dma_start3A_188 = tpu.memref_slice %arg9[%dma_start3A_185, %dma_start3A_186, %dma_start3A_187] : memref<5x80x16xf32, #tpu.memory_space<vmem>> -> memref<1x80x16xf32, #tpu.memory_space<vmem>>
        %dma_start3A_189 = tpu.memref_squeeze %dma_start3A_188 : memref<1x80x16xf32, #tpu.memory_space<vmem>> -> memref<80x16xf32, #tpu.memory_space<vmem>>
        %dma_start3A_190 = arith.constant 0 : i32
        %dma_start3A_191 = tpu.memref_slice %arg7[%add3A_156, %dma_start3A_190] : memref<125x80xi32, #tpu.memory_space<vmem>> -> memref<1x80xi32, #tpu.memory_space<vmem>>
        %dma_start3A_192 = tpu.memref_squeeze %dma_start3A_191 : memref<1x80xi32, #tpu.memory_space<vmem>> -> memref<80xi32, #tpu.memory_space<vmem>>
        %dma_start3A_193 = arith.constant 0 : i32
        %dma_start3A_194 = arith.constant 0 : i32
        %dma_start3A_195 = tpu.memref_slice %arg2[%dma_start3A_193, %dma_start3A_194] : memref<10000x16xf32, #tpu.memory_space<hbm>> -> memref<10000x16xf32, #tpu.memory_space<hbm>>
        tpu.enqueue_indirect_dma source(%dma_start3A_195 : memref<10000x16xf32, #tpu.memory_space<hbm>>) target(%dma_start3A_189 : memref<80x16xf32, #tpu.memory_space<vmem>>) offsets(%dma_start3A_192 : memref<80xi32, #tpu.memory_space<vmem>>) semaphore(%arg14 : memref<!tpu.dma_semaphore, #tpu.memory_space<semaphore_mem>>)
      } else {
      }
      %mul3A_162 = arith.constant 5 : i32
      %mul3A_163 = arith.muli %scan3A_74, %mul3A_162 : i32
      %add3A_164 = arith.constant 4 : i32
      %add3A_165 = arith.addi %mul3A_163, %add3A_164 : i32
      %dma_wait3A_166 = arith.constant 4 : i32
      %dma_wait3A_167 = arith.constant 0 : i32
      %dma_wait3A_168 = arith.constant 0 : i32
      %dma_wait3A_169 = tpu.memref_slice %arg9[%dma_wait3A_166, %dma_wait3A_167, %dma_wait3A_168] : memref<5x80x16xf32, #tpu.memory_space<vmem>> -> memref<1x80x16xf32, #tpu.memory_space<vmem>>
      %dma_wait3A_170 = tpu.memref_squeeze %dma_wait3A_169 : memref<1x80x16xf32, #tpu.memory_space<vmem>> -> memref<80x16xf32, #tpu.memory_space<vmem>>
      %dma_wait3A_171 = arith.constant 0 : i32
      %dma_wait3A_172 = tpu.memref_slice %arg7[%add3A_165, %dma_wait3A_171] : memref<125x80xi32, #tpu.memory_space<vmem>> -> memref<1x80xi32, #tpu.memory_space<vmem>>
      %dma_wait3A_173 = tpu.memref_squeeze %dma_wait3A_172 : memref<1x80xi32, #tpu.memory_space<vmem>> -> memref<80xi32, #tpu.memory_space<vmem>>
      %dma_wait3A_174 = arith.constant 0 : i32
      %dma_wait3A_175 = arith.constant 0 : i32
      %dma_wait3A_176 = tpu.memref_slice %arg2[%dma_wait3A_174, %dma_wait3A_175] : memref<10000x16xf32, #tpu.memory_space<hbm>> -> memref<10000x16xf32, #tpu.memory_space<hbm>>
      tpu.wait_indirect_dma semaphore(%arg15 : memref<!tpu.dma_semaphore, #tpu.memory_space<semaphore_mem>>) src(%dma_wait3A_176 : memref<10000x16xf32, #tpu.memory_space<hbm>>) dst(%dma_wait3A_170 : memref<80x16xf32, #tpu.memory_space<vmem>>)
      %run_scoped3A_177 = arith.constant 4 : i32
      "tpu.region"() ({
        %run_scoped3A_185 = tpu.sem_alloc : memref<!tpu.dma_semaphore, #tpu.memory_space<semaphore_mem>>
        %dma_start3A_186 = arith.constant 0 : i32
        %dma_start3A_187 = arith.constant 0 : i32
        %dma_start3A_188 = tpu.memref_slice %arg9[%run_scoped3A_177, %dma_start3A_186, %dma_start3A_187] : memref<5x80x16xf32, #tpu.memory_space<vmem>> -> memref<1x80x16xf32, #tpu.memory_space<vmem>>
        %dma_start3A_189 = tpu.memref_squeeze %dma_start3A_188 : memref<1x80x16xf32, #tpu.memory_space<vmem>> -> memref<80x16xf32, #tpu.memory_space<vmem>>
        %dma_start3A_190 = arith.constant 0 : i32
        %dma_start3A_191 = tpu.memref_slice %arg8[%add3A_165, %dma_start3A_190] : memref<125x80xi32, #tpu.memory_space<vmem>> -> memref<1x80xi32, #tpu.memory_space<vmem>>
        %dma_start3A_192 = tpu.memref_squeeze %dma_start3A_191 : memref<1x80xi32, #tpu.memory_space<vmem>> -> memref<80xi32, #tpu.memory_space<vmem>>
        %dma_start3A_193 = arith.constant 0 : i32
        %dma_start3A_194 = arith.constant 0 : i32
        %dma_start3A_195 = tpu.memref_slice %arg10[%dma_start3A_193, %dma_start3A_194] : memref<10240x16xf32, #tpu.memory_space<vmem_shared>> -> memref<10240x16xf32, #tpu.memory_space<vmem_shared>>
        tpu.enqueue_indirect_dma source(%dma_start3A_189 : memref<80x16xf32, #tpu.memory_space<vmem>>) target(%dma_start3A_195 : memref<10240x16xf32, #tpu.memory_space<vmem_shared>>) offsets(%dma_start3A_192 : memref<80xi32, #tpu.memory_space<vmem>>) semaphore(%run_scoped3A_185 : memref<!tpu.dma_semaphore, #tpu.memory_space<semaphore_mem>>) {add = true}
        %dma_wait3A_196 = arith.constant 0 : i32
        %dma_wait3A_197 = arith.constant 0 : i32
        %dma_wait3A_198 = tpu.memref_slice %arg9[%run_scoped3A_177, %dma_wait3A_196, %dma_wait3A_197] : memref<5x80x16xf32, #tpu.memory_space<vmem>> -> memref<1x80x16xf32, #tpu.memory_space<vmem>>
        %dma_wait3A_199 = tpu.memref_squeeze %dma_wait3A_198 : memref<1x80x16xf32, #tpu.memory_space<vmem>> -> memref<80x16xf32, #tpu.memory_space<vmem>>
        %dma_wait3A_200 = arith.constant 0 : i32
        %dma_wait3A_201 = tpu.memref_slice %arg8[%add3A_165, %dma_wait3A_200] : memref<125x80xi32, #tpu.memory_space<vmem>> -> memref<1x80xi32, #tpu.memory_space<vmem>>
        %dma_wait3A_202 = tpu.memref_squeeze %dma_wait3A_201 : memref<1x80xi32, #tpu.memory_space<vmem>> -> memref<80xi32, #tpu.memory_space<vmem>>
        %dma_wait3A_203 = arith.constant 0 : i32
        %dma_wait3A_204 = arith.constant 0 : i32
        %dma_wait3A_205 = tpu.memref_slice %arg10[%dma_wait3A_203, %dma_wait3A_204] : memref<10240x16xf32, #tpu.memory_space<vmem_shared>> -> memref<10240x16xf32, #tpu.memory_space<vmem_shared>>
        tpu.wait_indirect_dma semaphore(%run_scoped3A_185 : memref<!tpu.dma_semaphore, #tpu.memory_space<semaphore_mem>>) src(%dma_wait3A_199 : memref<80x16xf32, #tpu.memory_space<vmem>>) dst(%dma_wait3A_205 : memref<10240x16xf32, #tpu.memory_space<vmem_shared>>)
        tpu.yield
      }) : () -> ()
      %add3A_178 = arith.constant 5 : i32
      %add3A_179 = arith.addi %add3A_165, %add3A_178 : i32
      %lt3A_180 = arith.constant 125 : i32
      %lt3A_181 = arith.cmpi slt, %add3A_179, %lt3A_180 : i32
      %convert_element_type3A_182 = arith.extui %lt3A_181 : i1 to i32
      %cond3A_183 = arith.constant 0 : i32
      %cond3A_184 = arith.cmpi ne, %convert_element_type3A_182, %cond3A_183 : i32
      scf.if %cond3A_184 {
        %dma_start3A_185 = arith.constant 4 : i32
        %dma_start3A_186 = arith.constant 0 : i32
        %dma_start3A_187 = arith.constant 0 : i32
        %dma_start3A_188 = tpu.memref_slice %arg9[%dma_start3A_185, %dma_start3A_186, %dma_start3A_187] : memref<5x80x16xf32, #tpu.memory_space<vmem>> -> memref<1x80x16xf32, #tpu.memory_space<vmem>>
        %dma_start3A_189 = tpu.memref_squeeze %dma_start3A_188 : memref<1x80x16xf32, #tpu.memory_space<vmem>> -> memref<80x16xf32, #tpu.memory_space<vmem>>
        %dma_start3A_190 = arith.constant 0 : i32
        %dma_start3A_191 = tpu.memref_slice %arg7[%add3A_179, %dma_start3A_190] : memref<125x80xi32, #tpu.memory_space<vmem>> -> memref<1x80xi32, #tpu.memory_space<vmem>>
        %dma_start3A_192 = tpu.memref_squeeze %dma_start3A_191 : memref<1x80xi32, #tpu.memory_space<vmem>> -> memref<80xi32, #tpu.memory_space<vmem>>
        %dma_start3A_193 = arith.constant 0 : i32
        %dma_start3A_194 = arith.constant 0 : i32
        %dma_start3A_195 = tpu.memref_slice %arg2[%dma_start3A_193, %dma_start3A_194] : memref<10000x16xf32, #tpu.memory_space<hbm>> -> memref<10000x16xf32, #tpu.memory_space<hbm>>
        tpu.enqueue_indirect_dma source(%dma_start3A_195 : memref<10000x16xf32, #tpu.memory_space<hbm>>) target(%dma_start3A_189 : memref<80x16xf32, #tpu.memory_space<vmem>>) offsets(%dma_start3A_192 : memref<80xi32, #tpu.memory_space<vmem>>) semaphore(%arg15 : memref<!tpu.dma_semaphore, #tpu.memory_space<semaphore_mem>>)
      } else {
      }
    }
    %scan3A_68 = arith.constant 25 : i32
    %barrier3A_69 = arith.constant 0 : index
    tpu.barrier barrier_id(%barrier3A_69)
    %mul3A_70 = arith.constant 640 : i32
    %mul3A_71 = arith.muli %arg1, %mul3A_70 : i32
    %mul3A_72 = arith.constant 640 : i32
    %mul3A_73 = arith.muli %arg1, %mul3A_72 : i32
    "tpu.region"() ({
      %run_scoped3A = tpu.sem_alloc : memref<!tpu.dma_semaphore, #tpu.memory_space<semaphore_mem>>
      %dma_start3A_74 = arith.constant 0 : i32
      %dma_start3A_75 = tpu.memref_slice %arg6[%arg0, %mul3A_73, %dma_start3A_74] : memref<2x10240x16xf32, #tpu.memory_space<hbm>> -> memref<1x640x16xf32, #tpu.memory_space<hbm>>
      %dma_start3A_76 = tpu.memref_squeeze %dma_start3A_75 : memref<1x640x16xf32, #tpu.memory_space<hbm>> -> memref<640x16xf32, #tpu.memory_space<hbm>>
      %dma_start3A_77 = arith.constant 0 : i32
      %dma_start3A_78 = tpu.memref_slice %arg10[%mul3A_71, %dma_start3A_77] : memref<10240x16xf32, #tpu.memory_space<vmem_shared>> -> memref<640x16xf32, #tpu.memory_space<vmem_shared>>
      tpu.enqueue_dma source(%dma_start3A_78 : memref<640x16xf32, #tpu.memory_space<vmem_shared>>) target(%dma_start3A_76 : memref<640x16xf32, #tpu.memory_space<hbm>>) target_semaphore(%run_scoped3A : memref<!tpu.dma_semaphore, #tpu.memory_space<semaphore_mem>>)
      %dma_wait3A = arith.constant 0 : i32
      %dma_wait3A_79 = tpu.memref_slice %arg6[%arg0, %mul3A_73, %dma_wait3A] : memref<2x10240x16xf32, #tpu.memory_space<hbm>> -> memref<1x640x16xf32, #tpu.memory_space<hbm>>
      %dma_wait3A_80 = tpu.memref_squeeze %dma_wait3A_79 : memref<1x640x16xf32, #tpu.memory_space<hbm>> -> memref<640x16xf32, #tpu.memory_space<hbm>>
      %dma_wait3A_81 = arith.constant 0 : i32
      %dma_wait3A_82 = tpu.memref_slice %arg10[%mul3A_71, %dma_wait3A_81] : memref<10240x16xf32, #tpu.memory_space<vmem_shared>> -> memref<640x16xf32, #tpu.memory_space<vmem_shared>>
      tpu.wait_dma2 semaphore(%run_scoped3A : memref<!tpu.dma_semaphore, #tpu.memory_space<semaphore_mem>>) src(%dma_wait3A_82 : memref<640x16xf32, #tpu.memory_space<vmem_shared>>) dst(%dma_wait3A_80 : memref<640x16xf32, #tpu.memory_space<hbm>>)
      tpu.yield
    }) : () -> ()
    return
  }
}

module attributes {stable_mosaic.version = 14 : i64} {
  func.func @_tc1_body(%arg0: i32, %arg1: memref<2x2000x16xf32, #tpu.memory_space<vmem>>, %arg2: memref<2000x128xf32, #tpu.memory_space<vmem>>, %arg3: memref<128x64xf32, #tpu.memory_space<vmem>>, %arg4: memref<2000x1xf32, #tpu.memory_space<vmem>>, %arg5: memref<2000x64xf32, #tpu.memory_space<vmem>>) attributes {dimension_semantics = [#tpu.dimension_semantics<arbitrary>], iteration_bounds = array<i64: 5>, scalar_prefetch = 0 : i64, scratch_operands = 0 : i64, tpu.core_type = #tpu.core_type<tc>, window_params = [{transform_indices = @transform_0, window_bounds = array<i64: 2, 2000, 16>}, {transform_indices = @transform_1, window_bounds = array<i64: 2000, 128>}, {pipeline_mode = #tpu.pipeline_mode<synchronous>, transform_indices = @transform_2, window_bounds = array<i64: 128, 64>}, {transform_indices = @transform_3, window_bounds = array<i64: 2000, 1>}, {transform_indices = @transform_4, window_bounds = array<i64: 2000, 64>}]} {
    %get3A = arith.constant 0 : index
    %get3A_0 = arith.constant 0 : index
    %get3A_1 = arith.constant 0 : index
    %get3A_2 = vector.load %arg1[%get3A, %get3A_0, %get3A_1] : memref<2x2000x16xf32, #tpu.memory_space<vmem>>, vector<1x2000x1xf32>
    %get3A_3 = vector.shape_cast %get3A_2 : vector<1x2000x1xf32> to vector<2000x1xf32>
    %get3A_4 = arith.constant 1 : index
    %get3A_5 = arith.constant 0 : index
    %get3A_6 = arith.constant 0 : index
    %get3A_7 = vector.load %arg1[%get3A_4, %get3A_5, %get3A_6] : memref<2x2000x16xf32, #tpu.memory_space<vmem>>, vector<1x2000x1xf32>
    %get3A_8 = vector.shape_cast %get3A_7 : vector<1x2000x1xf32> to vector<2000x1xf32>
    %add3A = arith.addf %get3A_3, %get3A_8 : vector<2000x1xf32>
    %add3A_9 = arith.constant 1.000000e+00 : f32
    %add3A_10 = vector.broadcast %add3A_9 : f32 to vector<2000x1xf32>
    %add3A_11 = arith.addf %add3A, %add3A_10 : vector<2000x1xf32>
    %rsqrt3A = math.rsqrt %add3A_11 : vector<2000x1xf32>
    %swap3A = arith.constant 0 : index
    %swap3A_12 = arith.constant 0 : index
    %swap3A_13 = vector.load %arg4[%swap3A, %swap3A_12] : memref<2000x1xf32, #tpu.memory_space<vmem>>, vector<2000x1xf32>
    tpu.vector_store %arg4[%swap3A, %swap3A_12], %rsqrt3A {strides = array<i32>} : memref<2000x1xf32, #tpu.memory_space<vmem>>, vector<2000x1xf32>,
    %get3A_14 = arith.constant 0 : index
    %get3A_15 = arith.constant 0 : index
    %get3A_16 = vector.load %arg2[%get3A_14, %get3A_15] : memref<2000x128xf32, #tpu.memory_space<vmem>>, vector<2000x128xf32>
    %get3A_17 = arith.constant 0 : index
    %get3A_18 = arith.constant 0 : index
    %get3A_19 = vector.load %arg3[%get3A_17, %get3A_18] : memref<128x64xf32, #tpu.memory_space<vmem>>, vector<128x64xf32>
    %dot_general3A = arith.constant dense<0.000000e+00> : vector<2000x64xf32>
    %dot_general3A_20 = tpu.matmul %get3A_16, %get3A_19, %dot_general3A {dimension_numbers = #tpu.dot_dimension_numbers<[1], [0], [0], [1], [0, 0, 1, 1], [], []>, transpose_lhs_hint = false} : vector<2000x128xf32>, vector<128x64xf32>, vector<2000x64xf32> -> vector<2000x64xf32>
    %mul3A = vector.broadcast %rsqrt3A : vector<2000x1xf32> to vector<2000x64xf32>
    %mul3A_21 = arith.mulf %mul3A, %dot_general3A_20 : vector<2000x64xf32>
    %swap3A_22 = arith.constant 0 : index
    %swap3A_23 = arith.constant 0 : index
    %swap3A_24 = vector.load %arg5[%swap3A_22, %swap3A_23] : memref<2000x64xf32, #tpu.memory_space<vmem>>, vector<2000x64xf32>
    tpu.vector_store %arg5[%swap3A_22, %swap3A_23], %mul3A_21 {strides = array<i32>} : memref<2000x64xf32, #tpu.memory_space<vmem>>, vector<2000x64xf32>,
    return
  }
  func.func @transform_0(%arg0: i32) -> (i32, i32, i32) {
    %c0_i32 = arith.constant 0 : i32
    %c0_i32_0 = arith.constant 0 : i32
    %c0_i32_1 = arith.constant 0 : i32
    return %c0_i32, %arg0, %c0_i32_0 : i32, i32, i32
  }
  func.func @transform_1(%arg0: i32) -> (i32, i32) {
    %c0_i32 = arith.constant 0 : i32
    %c0_i32_0 = arith.constant 0 : i32
    return %arg0, %c0_i32 : i32, i32
  }
  func.func @transform_2(%arg0: i32) -> (i32, i32) {
    %c0_i32 = arith.constant 0 : i32
    %c0_i32_0 = arith.constant 0 : i32
    %c0_i32_1 = arith.constant 0 : i32
    return %c0_i32, %c0_i32_0 : i32, i32
  }
  func.func @transform_3(%arg0: i32) -> (i32, i32) {
    %c0_i32 = arith.constant 0 : i32
    %c0_i32_0 = arith.constant 0 : i32
    return %arg0, %c0_i32 : i32, i32
  }
  func.func @transform_4(%arg0: i32) -> (i32, i32) {
    %c0_i32 = arith.constant 0 : i32
    %c0_i32_0 = arith.constant 0 : i32
    return %arg0, %c0_i32 : i32, i32
  }
}

module attributes {stable_mosaic.version = 14 : i64} {
  func.func @_tc2_body(%arg0: i32, %arg1: memref<2x2000x64xf32, #tpu.memory_space<vmem>>, %arg2: memref<2000x64xf32, #tpu.memory_space<vmem>>, %arg3: memref<2000x1xf32, #tpu.memory_space<vmem>>, %arg4: memref<1x64xf32, #tpu.memory_space<vmem>>, %arg5: memref<64x32xf32, #tpu.memory_space<vmem>>, %arg6: memref<2000x64xf32, #tpu.memory_space<vmem>>, %arg7: memref<2000x32xf32, #tpu.memory_space<vmem>>) attributes {dimension_semantics = [#tpu.dimension_semantics<arbitrary>], iteration_bounds = array<i64: 5>, scalar_prefetch = 0 : i64, scratch_operands = 0 : i64, tpu.core_type = #tpu.core_type<tc>, window_params = [{transform_indices = @transform_0, window_bounds = array<i64: 2, 2000, 64>}, {transform_indices = @transform_1, window_bounds = array<i64: 2000, 64>}, {transform_indices = @transform_2, window_bounds = array<i64: 2000, 1>}, {pipeline_mode = #tpu.pipeline_mode<synchronous>, transform_indices = @transform_3, window_bounds = array<i64: 1, 64>}, {pipeline_mode = #tpu.pipeline_mode<synchronous>, transform_indices = @transform_4, window_bounds = array<i64: 64, 32>}, {transform_indices = @transform_5, window_bounds = array<i64: 2000, 64>}, {transform_indices = @transform_6, window_bounds = array<i64: 2000, 32>}]} {
    %get3A = arith.constant 0 : index
    %get3A_0 = arith.constant 0 : index
    %get3A_1 = vector.load %arg3[%get3A, %get3A_0] : memref<2000x1xf32, #tpu.memory_space<vmem>>, vector<2000x1xf32>
    %get3A_2 = arith.constant 0 : index
    %get3A_3 = arith.constant 0 : index
    %get3A_4 = arith.constant 0 : index
    %get3A_5 = vector.load %arg1[%get3A_2, %get3A_3, %get3A_4] : memref<2x2000x64xf32, #tpu.memory_space<vmem>>, vector<1x2000x64xf32>
    %get3A_6 = vector.shape_cast %get3A_5 : vector<1x2000x64xf32> to vector<2000x64xf32>
    %get3A_7 = arith.constant 1 : index
    %get3A_8 = arith.constant 0 : index
    %get3A_9 = arith.constant 0 : index
    %get3A_10 = vector.load %arg1[%get3A_7, %get3A_8, %get3A_9] : memref<2x2000x64xf32, #tpu.memory_space<vmem>>, vector<1x2000x64xf32>
    %get3A_11 = vector.shape_cast %get3A_10 : vector<1x2000x64xf32> to vector<2000x64xf32>
    %add3A = arith.addf %get3A_6, %get3A_11 : vector<2000x64xf32>
    %get3A_12 = arith.constant 0 : index
    %get3A_13 = arith.constant 0 : index
    %get3A_14 = vector.load %arg2[%get3A_12, %get3A_13] : memref<2000x64xf32, #tpu.memory_space<vmem>>, vector<2000x64xf32>
    %add3A_15 = arith.addf %add3A, %get3A_14 : vector<2000x64xf32>
    %mul3A = vector.broadcast %get3A_1 : vector<2000x1xf32> to vector<2000x64xf32>
    %mul3A_16 = arith.mulf %mul3A, %add3A_15 : vector<2000x64xf32>
    %get3A_17 = arith.constant 0 : index
    %get3A_18 = arith.constant 0 : index
    %get3A_19 = vector.load %arg4[%get3A_17, %get3A_18] : memref<1x64xf32, #tpu.memory_space<vmem>>, vector<1x64xf32>
    %add3A_20 = vector.broadcast %get3A_19 : vector<1x64xf32> to vector<2000x64xf32>
    %add3A_21 = arith.addf %mul3A_16, %add3A_20 : vector<2000x64xf32>
    %max3A = arith.constant 0.000000e+00 : f32
    %max3A_22 = vector.broadcast %max3A : f32 to vector<2000x64xf32>
    %max3A_23 = arith.maximumf %add3A_21, %max3A_22 : vector<2000x64xf32>
    %swap3A = arith.constant 0 : index
    %swap3A_24 = arith.constant 0 : index
    %swap3A_25 = vector.load %arg6[%swap3A, %swap3A_24] : memref<2000x64xf32, #tpu.memory_space<vmem>>, vector<2000x64xf32>
    tpu.vector_store %arg6[%swap3A, %swap3A_24], %max3A_23 {strides = array<i32>} : memref<2000x64xf32, #tpu.memory_space<vmem>>, vector<2000x64xf32>,
    %get3A_26 = arith.constant 0 : index
    %get3A_27 = arith.constant 0 : index
    %get3A_28 = vector.load %arg5[%get3A_26, %get3A_27] : memref<64x32xf32, #tpu.memory_space<vmem>>, vector<64x32xf32>
    %dot_general3A = arith.constant dense<0.000000e+00> : vector<2000x32xf32>
    %dot_general3A_29 = tpu.matmul %max3A_23, %get3A_28, %dot_general3A {dimension_numbers = #tpu.dot_dimension_numbers<[1], [0], [0], [1], [0, 0, 1, 1], [], []>, transpose_lhs_hint = false} : vector<2000x64xf32>, vector<64x32xf32>, vector<2000x32xf32> -> vector<2000x32xf32>
    %mul3A_30 = vector.broadcast %get3A_1 : vector<2000x1xf32> to vector<2000x32xf32>
    %mul3A_31 = arith.mulf %mul3A_30, %dot_general3A_29 : vector<2000x32xf32>
    %swap3A_32 = arith.constant 0 : index
    %swap3A_33 = arith.constant 0 : index
    %swap3A_34 = vector.load %arg7[%swap3A_32, %swap3A_33] : memref<2000x32xf32, #tpu.memory_space<vmem>>, vector<2000x32xf32>
    tpu.vector_store %arg7[%swap3A_32, %swap3A_33], %mul3A_31 {strides = array<i32>} : memref<2000x32xf32, #tpu.memory_space<vmem>>, vector<2000x32xf32>,
    return
  }
  func.func @transform_0(%arg0: i32) -> (i32, i32, i32) {
    %c0_i32 = arith.constant 0 : i32
    %c0_i32_0 = arith.constant 0 : i32
    %c0_i32_1 = arith.constant 0 : i32
    return %c0_i32, %arg0, %c0_i32_0 : i32, i32, i32
  }
  func.func @transform_1(%arg0: i32) -> (i32, i32) {
    %c0_i32 = arith.constant 0 : i32
    %c0_i32_0 = arith.constant 0 : i32
    return %arg0, %c0_i32 : i32, i32
  }
  func.func @transform_2(%arg0: i32) -> (i32, i32) {
    %c0_i32 = arith.constant 0 : i32
    %c0_i32_0 = arith.constant 0 : i32
    return %arg0, %c0_i32 : i32, i32
  }
  func.func @transform_3(%arg0: i32) -> (i32, i32) {
    %c0_i32 = arith.constant 0 : i32
    %c0_i32_0 = arith.constant 0 : i32
    %c0_i32_1 = arith.constant 0 : i32
    return %c0_i32, %c0_i32_0 : i32, i32
  }
  func.func @transform_4(%arg0: i32) -> (i32, i32) {
    %c0_i32 = arith.constant 0 : i32
    %c0_i32_0 = arith.constant 0 : i32
    %c0_i32_1 = arith.constant 0 : i32
    return %c0_i32, %c0_i32_0 : i32, i32
  }
  func.func @transform_5(%arg0: i32) -> (i32, i32) {
    %c0_i32 = arith.constant 0 : i32
    %c0_i32_0 = arith.constant 0 : i32
    return %arg0, %c0_i32 : i32, i32
  }
  func.func @transform_6(%arg0: i32) -> (i32, i32) {
    %c0_i32 = arith.constant 0 : i32
    %c0_i32_0 = arith.constant 0 : i32
    return %arg0, %c0_i32 : i32, i32
  }
}

module attributes {stable_mosaic.version = 14 : i64} {
  func.func @_tc3_body(%arg0: i32, %arg1: memref<2x2000x32xf32, #tpu.memory_space<vmem>>, %arg2: memref<2000x32xf32, #tpu.memory_space<vmem>>, %arg3: memref<2000x1xf32, #tpu.memory_space<vmem>>, %arg4: memref<1x32xf32, #tpu.memory_space<vmem>>, %arg5: memref<2000x128xf32, #tpu.memory_space<vmem>>, %arg6: memref<128x32xf32, #tpu.memory_space<vmem>>, %arg7: memref<1x32xf32, #tpu.memory_space<vmem>>, %arg8: memref<32x16xf32, #tpu.memory_space<vmem>>, %arg9: memref<2000x16xf32, #tpu.memory_space<vmem>>) attributes {dimension_semantics = [#tpu.dimension_semantics<arbitrary>], iteration_bounds = array<i64: 5>, scalar_prefetch = 0 : i64, scratch_operands = 0 : i64, tpu.core_type = #tpu.core_type<tc>, window_params = [{transform_indices = @transform_0, window_bounds = array<i64: 2, 2000, 32>}, {transform_indices = @transform_1, window_bounds = array<i64: 2000, 32>}, {transform_indices = @transform_2, window_bounds = array<i64: 2000, 1>}, {pipeline_mode = #tpu.pipeline_mode<synchronous>, transform_indices = @transform_3, window_bounds = array<i64: 1, 32>}, {transform_indices = @transform_4, window_bounds = array<i64: 2000, 128>}, {pipeline_mode = #tpu.pipeline_mode<synchronous>, transform_indices = @transform_5, window_bounds = array<i64: 128, 32>}, {pipeline_mode = #tpu.pipeline_mode<synchronous>, transform_indices = @transform_6, window_bounds = array<i64: 1, 32>}, {pipeline_mode = #tpu.pipeline_mode<synchronous>, transform_indices = @transform_7, window_bounds = array<i64: 32, 16>}, {transform_indices = @transform_8, window_bounds = array<i64: 2000, 16>}]} {
    %get3A = arith.constant 0 : index
    %get3A_0 = arith.constant 0 : index
    %get3A_1 = vector.load %arg3[%get3A, %get3A_0] : memref<2000x1xf32, #tpu.memory_space<vmem>>, vector<2000x1xf32>
    %get3A_2 = arith.constant 0 : index
    %get3A_3 = arith.constant 0 : index
    %get3A_4 = arith.constant 0 : index
    %get3A_5 = vector.load %arg1[%get3A_2, %get3A_3, %get3A_4] : memref<2x2000x32xf32, #tpu.memory_space<vmem>>, vector<1x2000x32xf32>
    %get3A_6 = vector.shape_cast %get3A_5 : vector<1x2000x32xf32> to vector<2000x32xf32>
    %get3A_7 = arith.constant 1 : index
    %get3A_8 = arith.constant 0 : index
    %get3A_9 = arith.constant 0 : index
    %get3A_10 = vector.load %arg1[%get3A_7, %get3A_8, %get3A_9] : memref<2x2000x32xf32, #tpu.memory_space<vmem>>, vector<1x2000x32xf32>
    %get3A_11 = vector.shape_cast %get3A_10 : vector<1x2000x32xf32> to vector<2000x32xf32>
    %add3A = arith.addf %get3A_6, %get3A_11 : vector<2000x32xf32>
    %get3A_12 = arith.constant 0 : index
    %get3A_13 = arith.constant 0 : index
    %get3A_14 = vector.load %arg2[%get3A_12, %get3A_13] : memref<2000x32xf32, #tpu.memory_space<vmem>>, vector<2000x32xf32>
    %add3A_15 = arith.addf %add3A, %get3A_14 : vector<2000x32xf32>
    %mul3A = vector.broadcast %get3A_1 : vector<2000x1xf32> to vector<2000x32xf32>
    %mul3A_16 = arith.mulf %mul3A, %add3A_15 : vector<2000x32xf32>
    %get3A_17 = arith.constant 0 : index
    %get3A_18 = arith.constant 0 : index
    %get3A_19 = vector.load %arg4[%get3A_17, %get3A_18] : memref<1x32xf32, #tpu.memory_space<vmem>>, vector<1x32xf32>
    %add3A_20 = vector.broadcast %get3A_19 : vector<1x32xf32> to vector<2000x32xf32>
    %add3A_21 = arith.addf %mul3A_16, %add3A_20 : vector<2000x32xf32>
    %max3A = arith.constant 0.000000e+00 : f32
    %max3A_22 = vector.broadcast %max3A : f32 to vector<2000x32xf32>
    %max3A_23 = arith.maximumf %add3A_21, %max3A_22 : vector<2000x32xf32>
    %get3A_24 = arith.constant 0 : index
    %get3A_25 = arith.constant 0 : index
    %get3A_26 = vector.load %arg5[%get3A_24, %get3A_25] : memref<2000x128xf32, #tpu.memory_space<vmem>>, vector<2000x128xf32>
    %get3A_27 = arith.constant 0 : index
    %get3A_28 = arith.constant 0 : index
    %get3A_29 = vector.load %arg6[%get3A_27, %get3A_28] : memref<128x32xf32, #tpu.memory_space<vmem>>, vector<128x32xf32>
    %dot_general3A = arith.constant dense<0.000000e+00> : vector<2000x32xf32>
    %dot_general3A_30 = tpu.matmul %get3A_26, %get3A_29, %dot_general3A {dimension_numbers = #tpu.dot_dimension_numbers<[1], [0], [0], [1], [0, 0, 1, 1], [], []>, transpose_lhs_hint = false} : vector<2000x128xf32>, vector<128x32xf32>, vector<2000x32xf32> -> vector<2000x32xf32>
    %add3A_31 = arith.addf %max3A_23, %dot_general3A_30 : vector<2000x32xf32>
    %get3A_32 = arith.constant 0 : index
    %get3A_33 = arith.constant 0 : index
    %get3A_34 = vector.load %arg7[%get3A_32, %get3A_33] : memref<1x32xf32, #tpu.memory_space<vmem>>, vector<1x32xf32>
    %add3A_35 = vector.broadcast %get3A_34 : vector<1x32xf32> to vector<2000x32xf32>
    %add3A_36 = arith.addf %add3A_31, %add3A_35 : vector<2000x32xf32>
    %get3A_37 = arith.constant 0 : index
    %get3A_38 = arith.constant 0 : index
    %get3A_39 = vector.load %arg8[%get3A_37, %get3A_38] : memref<32x16xf32, #tpu.memory_space<vmem>>, vector<32x16xf32>
    %dot_general3A_40 = arith.constant dense<0.000000e+00> : vector<2000x16xf32>
    %dot_general3A_41 = tpu.matmul %add3A_36, %get3A_39, %dot_general3A_40 {dimension_numbers = #tpu.dot_dimension_numbers<[1], [0], [0], [1], [0, 0, 1, 1], [], []>, transpose_lhs_hint = false} : vector<2000x32xf32>, vector<32x16xf32>, vector<2000x16xf32> -> vector<2000x16xf32>
    %mul3A_42 = vector.broadcast %get3A_1 : vector<2000x1xf32> to vector<2000x16xf32>
    %mul3A_43 = arith.mulf %mul3A_42, %dot_general3A_41 : vector<2000x16xf32>
    %swap3A = arith.constant 0 : index
    %swap3A_44 = arith.constant 0 : index
    %swap3A_45 = vector.load %arg9[%swap3A, %swap3A_44] : memref<2000x16xf32, #tpu.memory_space<vmem>>, vector<2000x16xf32>
    tpu.vector_store %arg9[%swap3A, %swap3A_44], %mul3A_43 {strides = array<i32>} : memref<2000x16xf32, #tpu.memory_space<vmem>>, vector<2000x16xf32>,
    return
  }
  func.func @transform_0(%arg0: i32) -> (i32, i32, i32) {
    %c0_i32 = arith.constant 0 : i32
    %c0_i32_0 = arith.constant 0 : i32
    %c0_i32_1 = arith.constant 0 : i32
    return %c0_i32, %arg0, %c0_i32_0 : i32, i32, i32
  }
  func.func @transform_1(%arg0: i32) -> (i32, i32) {
    %c0_i32 = arith.constant 0 : i32
    %c0_i32_0 = arith.constant 0 : i32
    return %arg0, %c0_i32 : i32, i32
  }
  func.func @transform_2(%arg0: i32) -> (i32, i32) {
    %c0_i32 = arith.constant 0 : i32
    %c0_i32_0 = arith.constant 0 : i32
    return %arg0, %c0_i32 : i32, i32
  }
  func.func @transform_3(%arg0: i32) -> (i32, i32) {
    %c0_i32 = arith.constant 0 : i32
    %c0_i32_0 = arith.constant 0 : i32
    %c0_i32_1 = arith.constant 0 : i32
    return %c0_i32, %c0_i32_0 : i32, i32
  }
  func.func @transform_4(%arg0: i32) -> (i32, i32) {
    %c0_i32 = arith.constant 0 : i32
    %c0_i32_0 = arith.constant 0 : i32
    return %arg0, %c0_i32 : i32, i32
  }
  func.func @transform_5(%arg0: i32) -> (i32, i32) {
    %c0_i32 = arith.constant 0 : i32
    %c0_i32_0 = arith.constant 0 : i32
    %c0_i32_1 = arith.constant 0 : i32
    return %c0_i32, %c0_i32_0 : i32, i32
  }
  func.func @transform_6(%arg0: i32) -> (i32, i32) {
    %c0_i32 = arith.constant 0 : i32
    %c0_i32_0 = arith.constant 0 : i32
    %c0_i32_1 = arith.constant 0 : i32
    return %c0_i32, %c0_i32_0 : i32, i32
  }
  func.func @transform_7(%arg0: i32) -> (i32, i32) {
    %c0_i32 = arith.constant 0 : i32
    %c0_i32_0 = arith.constant 0 : i32
    %c0_i32_1 = arith.constant 0 : i32
    return %c0_i32, %c0_i32_0 : i32, i32
  }
  func.func @transform_8(%arg0: i32) -> (i32, i32) {
    %c0_i32 = arith.constant 0 : i32
    %c0_i32_0 = arith.constant 0 : i32
    return %arg0, %c0_i32 : i32, i32
  }
}

module attributes {stable_mosaic.version = 14 : i64} {
  func.func @_tc4_body(%arg0: i32, %arg1: memref<2x2000x16xf32, #tpu.memory_space<vmem>>, %arg2: memref<2000x16xf32, #tpu.memory_space<vmem>>, %arg3: memref<2000x1xf32, #tpu.memory_space<vmem>>, %arg4: memref<1x16xf32, #tpu.memory_space<vmem>>, %arg5: memref<2000x128xf32, #tpu.memory_space<vmem>>, %arg6: memref<128x16xf32, #tpu.memory_space<vmem>>, %arg7: memref<1x16xf32, #tpu.memory_space<vmem>>, %arg8: memref<2000x64xf32, #tpu.memory_space<vmem>>, %arg9: memref<64x16xf32, #tpu.memory_space<vmem>>, %arg10: memref<1x16xf32, #tpu.memory_space<vmem>>, %arg11: memref<2000x16xf32, #tpu.memory_space<vmem>>) attributes {dimension_semantics = [#tpu.dimension_semantics<arbitrary>], iteration_bounds = array<i64: 5>, scalar_prefetch = 0 : i64, scratch_operands = 0 : i64, tpu.core_type = #tpu.core_type<tc>, window_params = [{transform_indices = @transform_0, window_bounds = array<i64: 2, 2000, 16>}, {transform_indices = @transform_1, window_bounds = array<i64: 2000, 16>}, {transform_indices = @transform_2, window_bounds = array<i64: 2000, 1>}, {pipeline_mode = #tpu.pipeline_mode<synchronous>, transform_indices = @transform_3, window_bounds = array<i64: 1, 16>}, {transform_indices = @transform_4, window_bounds = array<i64: 2000, 128>}, {pipeline_mode = #tpu.pipeline_mode<synchronous>, transform_indices = @transform_5, window_bounds = array<i64: 128, 16>}, {pipeline_mode = #tpu.pipeline_mode<synchronous>, transform_indices = @transform_6, window_bounds = array<i64: 1, 16>}, {transform_indices = @transform_7, window_bounds = array<i64: 2000, 64>}, {pipeline_mode = #tpu.pipeline_mode<synchronous>, transform_indices = @transform_8, window_bounds = array<i64: 64, 16>}, {pipeline_mode = #tpu.pipeline_mode<synchronous>, transform_indices = @transform_9, window_bounds = array<i64: 1, 16>}, {transform_indices = @transform_10, window_bounds = array<i64: 2000, 16>}]} {
    %get3A = arith.constant 0 : index
    %get3A_0 = arith.constant 0 : index
    %get3A_1 = vector.load %arg3[%get3A, %get3A_0] : memref<2000x1xf32, #tpu.memory_space<vmem>>, vector<2000x1xf32>
    %get3A_2 = arith.constant 0 : index
    %get3A_3 = arith.constant 0 : index
    %get3A_4 = arith.constant 0 : index
    %get3A_5 = vector.load %arg1[%get3A_2, %get3A_3, %get3A_4] : memref<2x2000x16xf32, #tpu.memory_space<vmem>>, vector<1x2000x16xf32>
    %get3A_6 = vector.shape_cast %get3A_5 : vector<1x2000x16xf32> to vector<2000x16xf32>
    %get3A_7 = arith.constant 1 : index
    %get3A_8 = arith.constant 0 : index
    %get3A_9 = arith.constant 0 : index
    %get3A_10 = vector.load %arg1[%get3A_7, %get3A_8, %get3A_9] : memref<2x2000x16xf32, #tpu.memory_space<vmem>>, vector<1x2000x16xf32>
    %get3A_11 = vector.shape_cast %get3A_10 : vector<1x2000x16xf32> to vector<2000x16xf32>
    %add3A = arith.addf %get3A_6, %get3A_11 : vector<2000x16xf32>
    %get3A_12 = arith.constant 0 : index
    %get3A_13 = arith.constant 0 : index
    %get3A_14 = vector.load %arg2[%get3A_12, %get3A_13] : memref<2000x16xf32, #tpu.memory_space<vmem>>, vector<2000x16xf32>
    %add3A_15 = arith.addf %add3A, %get3A_14 : vector<2000x16xf32>
    %mul3A = vector.broadcast %get3A_1 : vector<2000x1xf32> to vector<2000x16xf32>
    %mul3A_16 = arith.mulf %mul3A, %add3A_15 : vector<2000x16xf32>
    %get3A_17 = arith.constant 0 : index
    %get3A_18 = arith.constant 0 : index
    %get3A_19 = vector.load %arg4[%get3A_17, %get3A_18] : memref<1x16xf32, #tpu.memory_space<vmem>>, vector<1x16xf32>
    %add3A_20 = vector.broadcast %get3A_19 : vector<1x16xf32> to vector<2000x16xf32>
    %add3A_21 = arith.addf %mul3A_16, %add3A_20 : vector<2000x16xf32>
    %max3A = arith.constant 0.000000e+00 : f32
    %max3A_22 = vector.broadcast %max3A : f32 to vector<2000x16xf32>
    %max3A_23 = arith.maximumf %add3A_21, %max3A_22 : vector<2000x16xf32>
    %get3A_24 = arith.constant 0 : index
    %get3A_25 = arith.constant 0 : index
    %get3A_26 = vector.load %arg5[%get3A_24, %get3A_25] : memref<2000x128xf32, #tpu.memory_space<vmem>>, vector<2000x128xf32>
    %get3A_27 = arith.constant 0 : index
    %get3A_28 = arith.constant 0 : index
    %get3A_29 = vector.load %arg6[%get3A_27, %get3A_28] : memref<128x16xf32, #tpu.memory_space<vmem>>, vector<128x16xf32>
    %dot_general3A = arith.constant dense<0.000000e+00> : vector<2000x16xf32>
    %dot_general3A_30 = tpu.matmul %get3A_26, %get3A_29, %dot_general3A {dimension_numbers = #tpu.dot_dimension_numbers<[1], [0], [0], [1], [0, 0, 1, 1], [], []>, transpose_lhs_hint = false} : vector<2000x128xf32>, vector<128x16xf32>, vector<2000x16xf32> -> vector<2000x16xf32>
    %add3A_31 = arith.addf %max3A_23, %dot_general3A_30 : vector<2000x16xf32>
    %get3A_32 = arith.constant 0 : index
    %get3A_33 = arith.constant 0 : index
    %get3A_34 = vector.load %arg7[%get3A_32, %get3A_33] : memref<1x16xf32, #tpu.memory_space<vmem>>, vector<1x16xf32>
    %add3A_35 = vector.broadcast %get3A_34 : vector<1x16xf32> to vector<2000x16xf32>
    %add3A_36 = arith.addf %add3A_31, %add3A_35 : vector<2000x16xf32>
    %get3A_37 = arith.constant 0 : index
    %get3A_38 = arith.constant 0 : index
    %get3A_39 = vector.load %arg8[%get3A_37, %get3A_38] : memref<2000x64xf32, #tpu.memory_space<vmem>>, vector<2000x64xf32>
    %get3A_40 = arith.constant 0 : index
    %get3A_41 = arith.constant 0 : index
    %get3A_42 = vector.load %arg9[%get3A_40, %get3A_41] : memref<64x16xf32, #tpu.memory_space<vmem>>, vector<64x16xf32>
    %dot_general3A_43 = arith.constant dense<0.000000e+00> : vector<2000x16xf32>
    %dot_general3A_44 = tpu.matmul %get3A_39, %get3A_42, %dot_general3A_43 {dimension_numbers = #tpu.dot_dimension_numbers<[1], [0], [0], [1], [0, 0, 1, 1], [], []>, transpose_lhs_hint = false} : vector<2000x64xf32>, vector<64x16xf32>, vector<2000x16xf32> -> vector<2000x16xf32>
    %add3A_45 = arith.addf %add3A_36, %dot_general3A_44 : vector<2000x16xf32>
    %get3A_46 = arith.constant 0 : index
    %get3A_47 = arith.constant 0 : index
    %get3A_48 = vector.load %arg10[%get3A_46, %get3A_47] : memref<1x16xf32, #tpu.memory_space<vmem>>, vector<1x16xf32>
    %add3A_49 = vector.broadcast %get3A_48 : vector<1x16xf32> to vector<2000x16xf32>
    %add3A_50 = arith.addf %add3A_45, %add3A_49 : vector<2000x16xf32>
    %swap3A = arith.constant 0 : index
    %swap3A_51 = arith.constant 0 : index
    %swap3A_52 = vector.load %arg11[%swap3A, %swap3A_51] : memref<2000x16xf32, #tpu.memory_space<vmem>>, vector<2000x16xf32>
    tpu.vector_store %arg11[%swap3A, %swap3A_51], %add3A_50 {strides = array<i32>} : memref<2000x16xf32, #tpu.memory_space<vmem>>, vector<2000x16xf32>,
    return
  }
  func.func @transform_0(%arg0: i32) -> (i32, i32, i32) {
    %c0_i32 = arith.constant 0 : i32
    %c0_i32_0 = arith.constant 0 : i32
    %c0_i32_1 = arith.constant 0 : i32
    return %c0_i32, %arg0, %c0_i32_0 : i32, i32, i32
  }
  func.func @transform_1(%arg0: i32) -> (i32, i32) {
    %c0_i32 = arith.constant 0 : i32
    %c0_i32_0 = arith.constant 0 : i32
    return %arg0, %c0_i32 : i32, i32
  }
  func.func @transform_2(%arg0: i32) -> (i32, i32) {
    %c0_i32 = arith.constant 0 : i32
    %c0_i32_0 = arith.constant 0 : i32
    return %arg0, %c0_i32 : i32, i32
  }
  func.func @transform_3(%arg0: i32) -> (i32, i32) {
    %c0_i32 = arith.constant 0 : i32
    %c0_i32_0 = arith.constant 0 : i32
    %c0_i32_1 = arith.constant 0 : i32
    return %c0_i32, %c0_i32_0 : i32, i32
  }
  func.func @transform_4(%arg0: i32) -> (i32, i32) {
    %c0_i32 = arith.constant 0 : i32
    %c0_i32_0 = arith.constant 0 : i32
    return %arg0, %c0_i32 : i32, i32
  }
  func.func @transform_5(%arg0: i32) -> (i32, i32) {
    %c0_i32 = arith.constant 0 : i32
    %c0_i32_0 = arith.constant 0 : i32
    %c0_i32_1 = arith.constant 0 : i32
    return %c0_i32, %c0_i32_0 : i32, i32
  }
  func.func @transform_6(%arg0: i32) -> (i32, i32) {
    %c0_i32 = arith.constant 0 : i32
    %c0_i32_0 = arith.constant 0 : i32
    %c0_i32_1 = arith.constant 0 : i32
    return %c0_i32, %c0_i32_0 : i32, i32
  }
  func.func @transform_7(%arg0: i32) -> (i32, i32) {
    %c0_i32 = arith.constant 0 : i32
    %c0_i32_0 = arith.constant 0 : i32
    return %arg0, %c0_i32 : i32, i32
  }
  func.func @transform_8(%arg0: i32) -> (i32, i32) {
    %c0_i32 = arith.constant 0 : i32
    %c0_i32_0 = arith.constant 0 : i32
    %c0_i32_1 = arith.constant 0 : i32
    return %c0_i32, %c0_i32_0 : i32, i32
  }
  func.func @transform_9(%arg0: i32) -> (i32, i32) {
    %c0_i32 = arith.constant 0 : i32
    %c0_i32_0 = arith.constant 0 : i32
    %c0_i32_1 = arith.constant 0 : i32
    return %c0_i32, %c0_i32_0 : i32, i32
  }
  func.func @transform_10(%arg0: i32) -> (i32, i32) {
    %c0_i32 = arith.constant 0 : i32
    %c0_i32_0 = arith.constant 0 : i32
    return %arg0, %c0_i32 : i32, i32
  }
}

</mosaic_0001>

<sc_bundles>
// kernel: kernel.10.cloned.1.call-start
scs
__scs_entry_jumppad:
0x0: {  	(pc) =	sbr.rel $0x88, $3  }
0x1: {  	(tag) =	ssettag $0x0;
	lr =	simm.s32 $0x1  }
0x2: {  	[smem:$0x3F93] =	sst lr;
	_ =	strace $0xD0000000  }
0x3: {  	_ = 	snop  }
0x4: {  	_ = 	snop  }
0x5: {  	_ = 	snop  }
0x6: {  	_ = 	snop  }
0x7: {  	_ = 	snop  }
__scs_overlays_trampoline_lowered:
0x8: {  	[smem:$0x3FA2] =	sst s0  }
0x9: {  	[smem:$0x3FA3] =	sst s1  }
0xa: {  	[smem:$0x3FA4] =	sst s2  }
0xb: {  	[smem:$0x3FA5] =	sst s3  }
0xc: {  	[smem:$0x3FA6] =	sst s4  }
0xd: {  	[smem:$0x3FA7] =	sst s5  }
0xe: {  	[smem:$0x3FA8] =	sst s6  }
0xf: {  	[smem:$0x3FA9] =	sst s7  }
0x10: {  	[smem:$0x3FAA] =	sst s8  }
0x11: {  	[smem:$0x3FAB] =	sst s9;
	s0 =	simm.s32 @!p0 $0x0  }
0x12: {  	s1 =	sld [smem:$0x3F91];
	s0 =	simm.s32 @p0 $0x1  }
0x13: {  	[smem:$0x3FAC] =	sst s0;
	s0 =	simm.s32 @!p1 $0x0  }
0x14: {  	s2 =	sld [smem:$0x3F90];
	s0 =	simm.s32 @p1 $0x1  }
0x15: {  	[smem:$0x3FAD] =	sst s0;
	s0 =	simm.s32 @!p2 $0x0  }
0x16: {  	s3 =	sld [smem:$0x3FDB];
	s0 =	simm.s32 @p2 $0x1  }
0x17: {  	s4 =	simm.s32 $0x1BF5;
	[smem:$0x3FAF] =	sst s0  }
0x18: {  	s0 =	sld [smem:$0x3F92];
	_ =	swait.ge [sflag:s4], $0x0  }
0x19: {  	s7 =	sld [smem:$0x3F93]  }
0x1a: {  	s8 =	sadd.s32 $0xFFFFE003, lr  }
0x1b: {  	s9 =	sadd.s32 $0xFFFFFEF7, lr;
	s5 =	simm.s32 $0xFFFFFFFF;
	p2 =	slt.u32 s8, $0xFFFFF086  }
0x1c: {  	p1 =	slt.u32 s9, $0xF7A;
	s5 =	simm.s32 @!p2 $0x0  }
0x1d: {  	s5 =	simm.s32 @p1 $0x1;
	p0 =	seq.s32 s7, s2  }
0x1e: {  	s7 =	smul.u32 @!p0 $0xF7A, s2;
	p2 =	seq.s32 @!p0 s5, $0x0  }
0x1f: {  	s9 =	smul.u32 $0xF7A, s1;
	s8 =	simm.s32 @!p0 $0x1BF5;
	p2 =	por !p2, p0  }
0x20: {  	[sflag:s8] =	ssyncset.s32 @!p0 $0xFFFFF086;
	s6 =	sadd.s32 @!p0 s3, s7;
	s7 =	simm.s32 @!p0 $0x108  }
0x21: {  	s3 =	sadd.s32 s3, s9;
	s6 =	sadd.s32 @!p0 $0x88, s6;
	s7 =	simm.s32 @p2 $0x1082  }
0x22: {  	[simem:s7], [sflag:s8] =	dma.local @!p0 [hbm:s6], $0xF7A  }
0x23: {  	s9 =	sor.u32 $0xD0000000, s2;
	s6 =	simm.s32 $0x108;
	_ =	swait.ge @!p0 [sflag:s8], $0x0  }
0x24: {  	s3 =	sadd.s32 $0x88, s3;
	s6 =	simm.s32 @!p1 $0x1082;
	[sflag:s4] =	ssyncset.s32 $0xFFFFF086  }
0x25: {  	[simem:s6], [sflag:s4] =	dma.local [hbm:s3], $0xF7A  }
0x26: {  	[smem:$0x3F93] =	sst s1;
	(tag) =	ssettag s2;
	_ =	strace s9  }
0x27: {  	s1 =	sld [smem:$0x3FA3]  }
0x28: {  	s2 =	sld [smem:$0x3FA4]  }
0x29: {  	s4 =	sld [smem:$0x3FA6]  }
0x2a: {  	p0 =	seq.s32 s5, $0x0;
	s5 =	sld [smem:$0x3FA7]  }
0x2b: {  	s6 =	sld [smem:$0x3FA8]  }
0x2c: {  	s7 =	sld [smem:$0x3FA9]  }
0x2d: {  	s3 =	simm.s32 $0x108;
	s8 =	sld [smem:$0x3FAA]  }
0x2e: {  	s3 =	simm.s32 @!p0 $0x1082;
	s9 =	sld [smem:$0x3FAB]  }
0x2f: {  	lr =	sadd.s32 s0, s3;
	s0 =	sld [smem:$0x3FA2]  }
0x30: {  	s3 =	sld [smem:$0x3FA5]  }
0x31: {  	[smem:$0x3FAE] =	sst s10  }
0x32: {  	s10 =	sld [smem:$0x3FAC];
	_ =	sdelay $0x3  }
0x33: {  	p0 =	seq.s32 s10, $0x1;
	s10 =	sld [smem:$0x3FAE];
	_ =	sdelay $0x3  }
0x34: {  	[smem:$0x3FAE] =	sst s10  }
0x35: {  	s10 =	sld [smem:$0x3FAD];
	_ =	sdelay $0x3  }
0x36: {  	p1 =	seq.s32 s10, $0x1;
	s10 =	sld [smem:$0x3FAE];
	_ =	sdelay $0x3  }
0x37: {  	[smem:$0x3FAE] =	sst s10  }
0x38: {  	s10 =	sld [smem:$0x3FAF]  }
0x39: {  	_ = 	snop;
	(pc) =	sbr.ind lr, $3  }
0x3a: {  	_ = 	snop  }
0x3b: {  	_ = 	snop  }
0x3c: {  	p2 =	seq.s32 s10, $0x1;
	s10 =	sld [smem:$0x3FAE]  }
0x3d: {  	_ =	shalt  }
0x3e: {  	_ =	shalt  }
0x3f: {  	_ =	shalt  }
0x40: {  	_ =	shalt  }
0x41: {  	_ =	shalt  }
0x42: {  	_ =	shalt  }
0x43: {  	_ =	shalt  }
0x44: {  	_ =	shalt  }
0x45: {  	_ =	shalt  }
0x46: {  	_ =	shalt  }
0x47: {  	_ =	shalt  }
0x48: {  	_ =	shalt  }
0x49: {  	_ =	shalt  }
0x4a: {  	_ =	shalt  }
0x4b: {  	_ =	shalt  }
0x4c: {  	_ =	shalt  }
0x4d: {  	_ =	shalt  }
0x4e: {  	_ =	shalt  }
0x4f: {  	_ =	shalt  }
0x50: {  	_ =	shalt  }
0x51: {  	_ =	shalt  }
0x52: {  	_ =	shalt  }
0x53: {  	_ =	shalt  }
0x54: {  	_ =	shalt  }
0x55: {  	_ =	shalt  }
0x56: {  	_ =	shalt  }
0x57: {  	_ =	shalt  }
0x58: {  	_ =	shalt  }
0x59: {  	_ =	shalt  }
0x5a: {  	_ =	shalt  }
0x5b: {  	_ =	shalt  }
0x5c: {  	_ =	shalt  }
0x5d: {  	_ =	shalt  }
0x5e: {  	_ =	shalt  }
0x5f: {  	_ =	shalt  }
0x60: {  	_ =	shalt  }
0x61: {  	_ =	shalt  }
0x62: {  	_ =	shalt  }
0x63: {  	_ =	shalt  }
0x64: {  	_ =	shalt  }
0x65: {  	_ =	shalt  }
0x66: {  	_ =	shalt  }
0x67: {  	_ =	shalt  }
0x68: {  	_ =	shalt  }
0x69: {  	_ =	shalt  }
0x6a: {  	_ =	shalt  }
0x6b: {  	_ =	shalt  }
0x6c: {  	_ =	shalt  }
0x6d: {  	_ =	shalt  }
0x6e: {  	_ =	shalt  }
0x6f: {  	_ =	shalt  }
0x70: {  	_ =	shalt  }
0x71: {  	_ =	shalt  }
0x72: {  	_ =	shalt  }
0x73: {  	_ =	shalt  }
0x74: {  	_ =	shalt  }
0x75: {  	_ =	shalt  }
0x76: {  	_ =	shalt  }
0x77: {  	_ =	shalt  }
0x78: {  	_ =	shalt  }
0x79: {  	_ =	shalt  }
0x7a: {  	_ =	shalt  }
0x7b: {  	_ =	shalt  }
0x7c: {  	_ =	shalt  }
0x7d: {  	_ =	shalt  }
0x7e: {  	_ =	shalt  }
0x7f: {  	_ =	shalt  }
0x80: {  	_ =	shalt  }
0x81: {  	_ =	shalt  }
0x82: {  	_ =	shalt  }
0x83: {  	_ =	shalt  }
0x84: {  	_ =	shalt  }
0x85: {  	_ =	shalt  }
0x86: {  	_ =	shalt  }
0x87: {  	_ =	shalt  }
.Lfunc_end0:
.L_simem_size_0:
called_computation_lowered:
.L_overlay_start_0:
0x88: {  	s2 =	sld [smem:$0x3FD9]  }
0x89: {  	s3 =	sld [smem:$0x3FFE];
	_ =	sdelay $0x1  }
0x8a: {  	s1 =	srdreg.scid  }
0x8b: {  	s0 =	sand.u32 $0x1, s1  }
0x8c: {  	s17 =	sshll.u32 s0, $0xA;
	s2 =	sadd.s32 s3, s2  }
0x8d: {  	s2 =	sadd.s32 s2, s17  }
0x8e: {  	[smem:$0x3FBA] =	sst s2  }
0x8f: {  	_ = 	snop  }
0x90: {  	s2 =	sld [smem:$0x3FD0];
	(tm) =	ssettm $0x1  }
0x91: {  	s18 =	sld [smem:$0x3FFB];
	_ =	sdelay $0x3  }
0x92: {  	_ =	strace s18  }
0x93: {  	s3 =	sld [smem:$0x3FFC];
	_ =	sdelay $0x3  }
0x94: {  	_ =	strace s3  }
0x95: {  	s3 =	sld [smem:$0x3FFD];
	_ =	sdelay $0x3  }
0x96: {  	_ =	strace s3  }
0x97: {  	_ =	strace $0x8FFFFFFF  }
0x98: {  	s19 =	sld [smem:$0x3FDB];
	_ =	sdelay $0x1  }
0x99: {  	s4 =	simm.s32 $_scs_section_size  }
0x9a: {  	s5 =	simm.s32 $_size__tile_overlayer_lowered;
	s6 =	simm.s32 $_tile_overlayer_lowered  }
0x9b: {  	s22 =	simm.s32 $0x1BFF;
	s21 =	sshll.u32 s6, $0x1;
	s3 =	sadd.s32 s4, s19  }
0x9c: {  	s7 =	simm.s32 $0x0;
	s20 =	sshll.u32 s5, $0x1;
	s5 =	sadd.s32 s21, s3  }
0x9d: {  	[timem:s7], [sflag:s22] =	dma.local [hbm:s5], s20  }
0x9e: {  	_ =	swait.ge [sflag:s22], s20  }
0x9f: {  	s4 =	ssub.s32 $0x0, s20;
	[sflag:s22] =	ssyncset.done $0x0  }
0xa0: {  	[sflag:s22] =	ssyncadd.s32 s4;
	_ =	sdelay $0x1  }
0xa1: {  	s23 =	simm.s32 $0x1B8B  }
0xa2: {  	_ =	swait.ge [sflag:s23], $0x1  }
0xa3: {  	[sflag:s23] =	ssyncset.done $0x0  }
0xa4: {  	s25 =	simm.s32 $0x1B8E;
	s24 =	sld [smem:$0x3FFE];
	[sflag:s23] =	ssyncadd.s32 $0xFFFFFFFF  }
0xa5: {  	s26 =	simm.s32 $execute0_lowered;
	[smem:$0x3FD2] =	sst s25  }
0xa6: {  	s5 =	sshll.u32 s26, $0x1;
	_ =	strace $0x80000046;
	[dreg:$0x1] =	wrdreg $0xFFFFFFFF  }
0xa7: {  	s28 =	simm.s32 $_size_execute0_lowered;
	s3 =	sadd.s32 s3, s5;
	[dreg:$0x0] =	wrdreg $0x0  }
0xa8: {  	s5 =	sshll.u32 s28, $0x1;
	[dreg:$0x2] =	wrdreg s3  }
0xa9: {  	[dreg:$0x3] =	wrdreg s5  }
0xaa: {  	[dreg:$0x4] =	wrdreg $0xC0  }
0xab: {  	_ =	task [dreg:s7], $0x5FFFF  }
0xac: {  	[dreg:$0x1] =	wrdreg $0xFFFFFFFF  }
0xad: {  	[dreg:$0x0] =	wrdreg $0x60  }
0xae: {  	[dreg:$0x2] =	wrdreg s24  }
0xaf: {  	[dreg:$0x3] =	wrdreg s2  }
0xb0: {  	[dreg:$0x4] =	wrdreg $0x2C100  }
0xb1: {  	[dreg:$0x5] =	wrdreg $0x9  }
0xb2: {  	_ =	task.clear_ibuf [dreg:s7], $0x6FFFF;
	_ =	strace $0x90000046  }
0xb3: {  	s29 =	simm.s32 $0x9;
	_ =	strace $0x80000048  }
0xb4: {  	_ =	swait.ge [sflag:s29], $0x1  }
0xb5: {  	[sflag:s29] =	ssyncadd.s32 $0xFFFFFFFF  }
0xb6: {  	_ =	strace $0x90000048  }
0xb7: {  	_ =	sfence  }
0xb8: {  	s30 =	sld [smem:$0x0];
	_ =	sdelay $0x2  }
0xb9: {  	s31 =	sshll.u32 s1, $0xD;
	s1 =	sshrl.u32 s1, $0x2  }
0xba: {  	s3 =	sand.u32 $0x4000, s31;
	s1 =	sadd.s32 s1, s30  }
0xbb: {  	s0 =	sor.u32 s3, s0;
	s1 =	sshll.u32 s1, $0x11  }
0xbc: {  	s0 =	sor.u32 s1, s0  }
0xbd: {  	s0 =	sadd.s32 $0x8F2B, s0  }
0xbe: {  	[sflag:s0] =	ssyncadd.remote.s32 $0x1  }
0xbf: {  	_ =	sfence.sel $0xFFFF  }
0xc0: {  	[dreg:$0x0] =	wrdreg $0xFFFFFFFF;
	(pc) =	sbr.abs _section_cstart, $3  }
0xc1: {  	[dreg:$0x1] =	wrdreg $0xFFFFFFFF  }
0xc2: {  	_ =	task.clear_ibuf [dreg:s7], $0x2FFFF;
	_ =	strace $0x9FFFFFFF  }
0xc3: {  	(tm) =	ssettm $0x7FFFFFFF  }
tec
execute0_lowered:
.L_overlay_start_1:
0x0: {  	(tag) =	ssettag $0x1  }
0x1: {  	s6 =	rddreg [dreg:$0x0]  }
0x2: {  	s0 =	srdreg.scid;
	s2 =	rddreg [dreg:$0x1]  }
0x3: {  	s3 =	rddreg [dreg:$0x2];
	s4 =	simm.s32 $0x0;
	s13 =	simm.s32 $0x50  }
0x4: {  	s14 =	simm.s32 $0x0;
	s5 =	sand.u32 $0x1, s0;
	s0 =	stileid.u32  }
0x5: {  	[smem:$0x7FF] =	sst s4;
	s1 =	sshll.u32 s5, $0x4;
	s8 =	smul.u32 $0x2800, s0  }
0x6: {  	s9 =	smul.u32 $0x28000, s5;
	s5 =	ssub.s32 $0x2, s5;
	s1 =	sor.u32 s0, s1  }
0x7: {  	s31 =	sshll.u32 s0, $0x6;
	s11 =	sshrl.u32 s5, $0x1;
	s7 =	smul.u32 $0x4E2, s1  }
0x8: {  	s1 =	rddreg [dreg:$0x3];
	_ =	strace $0x80000047;
	s9 =	sadd.s32 s8, s9  }
0x9: {  	s10 =	sshrl.u32 s8, $0x3;
	s11 =	ssub.s32 s5, s11;
	s12 =	sadd.s32 s8, s3  }
0xa: {  	s9 =	sshrl.u32 s9, $0x3;
	s10 =	sadd.s32 s10, s6;
	s7 =	sadd.s32 s7, s6  }
0xb: {  	s9 =	sadd.s32 s9, s6;
	s5 =	sadd.s32 $0x16A00, s10;
	s6 =	sor.u32 $0x1C01, s31  }
0xc: {  	s10 =	sshrl.u32 s12, $0x3;
	s12 =	simm.s32 $0x2710;
	s7 =	sadd.s32 $0xCC00, s7  }
0xd: {  	s8 =	sadd.s32 $0x1BA00, s9;
	s9 =	smax.u32 s11, $0x1;
	s11 =	simm.s32 $0x1  }
.LBB2_1:
0xe: {  	[spmem:s10], [sflag:s6] =	dma.local [hbm:s5], $0x500  }
0xf: {  	_ =	swait.ge [sflag:s11], $0x500  }
0x10: {  	[sflag:s11] =	ssyncset.done $0x0  }
0x11: {  	[sflag:s11] =	ssyncadd.s32 $0xFFFFFB00  }
0x12: {  	[tilespmem:s4], [sflag:$0x1] =	stream.linear.gather [hbm4b:s7+s4], $0x2710, $0x38;
	[tilespmem:$0x5410] =	vst v63  }
0x13: {  	_ =	swait.ge [sflag:s11], $0x2710  }
0x14: {  	[sflag:s11] =	ssyncset.done $0x0  }
0x15: {  	[sflag:s11] =	ssyncadd.s32 $0xFFFFD8F0  }
0x16: {  	[tilespmem:s12], [sflag:$0x1] =	stream.linear.gather [hbm4b:s2+s4], $0x500, $0x38;
	[tilespmem:$0x5410] =	vst v63  }
0x17: {  	_ =	swait.ge [sflag:s11], $0x500  }
0x18: {  	[sflag:s11] =	ssyncset.done $0x0  }
0x19: {  	[sflag:s11] =	ssyncadd.s32 $0xFFFFFB00  }
0x1a: {  	s15 =	simm.s32 $0x0;
	[bflag:$0x0] =	sbarrier.arrive $0xFFFF  }
0x1b: {  	[spmem:s3] =	stream.indirect.scatter.add.f32 [tilespmem:s12], [sflag:$0x1], $0x10, s15, s13, $0xb8;
	[tilespmem:$0x5410] =	vst v63  }
0x1c: {  	_ =	swait.ge [sflag:s11], $0x500  }
0x1d: {  	s15 =	simm.s32 $0x140;
	[sflag:s11] =	ssyncset.done $0x0  }
.LBB2_2:
0x1e: {  	s16 =	sshra.s32 s15, $0x2;
	[sflag:s11] =	ssyncadd.s32 $0xFFFFFB00;
	p0 =	sne.s32 s15, $0x9B00  }
0x1f: {  	[spmem:s3] =	stream.indirect.scatter.add.f32 [tilespmem:s12], [sflag:$0x1], $0x10, s16, s13, $0xb8;
	[tilespmem:$0x5410] =	vst v63  }
.Ltmp0:
0x20: {  	_ = 	snop;
	(pc) =	sbr.rel @p0 .LBB2_2-.Ltmp0, $4  }
0x21: {  	_ = 	snop  }
0x22: {  	s15 =	sadd.s32 $0x140, s15  }
0x23: {  	_ =	swait.ge [sflag:s11], $0x500  }
0x24: {  	[sflag:s11] =	ssyncset.done $0x0  }
0x25: {  	s14 =	sadd.s32 $0x1, s14  }
0x26: {  	[sflag:s11] =	ssyncadd.s32 $0xFFFFFB00;
	p0 =	sne.s32 s14, s9  }
.Ltmp1:
0x27: {  	[bflag:$0x0] =	sbarrier.arrive $0xFFFF;
	(pc) =	sbr.rel @p0 .LBB2_1-.Ltmp1, $4  }
0x28: {  	[hbm:s8], [sflag:s6] =	dma.local [spmem:s10], $0x500  }
0x29: {  	_ =	swait.ge [sflag:s11], $0x500  }
0x2a: {  	[sflag:s11] =	ssyncset.done $0x0  }
0x2b: {  	[sflag:s11] =	ssyncadd.s32 $0xFFFFFB00  }
0x2c: {  	_ =	sfence.sel $0x180000  }
0x2d: {  	[bflag:$0x0] =	sbarrier.arrive $0xFFFF  }
0x2e: {  	p0 =	sne.s32 s0, $0x0;
	_ =	strace $0x90000047  }
0x2f: {  	s0 =	sadd.s32 @!p0 $0x100000, s1;
	[bflag:$0x2] =	sbarrier.arrive $0xFFFF  }
0x30: {  	[sflag:s0] =	ssyncadd.tile.s32 @!p0 $0x1;
	_ =	shalt  }
.Lfunc_end2:
_tile_overlayer_lowered:
.L_overlay_start_2:
0x31: {  	(tag) =	ssettag $0x2  }
0x32: {  	s0 =	rddreg [dreg:$0x0];
	s2 =	stileid.u32  }
0x33: {  	s1 =	rddreg [dreg:$0x1];
	p0 =	sne.s32 s2, $0x0  }
0x34: {  	s3 =	rddreg [dreg:$0x2];
	[bflag:$0x3] =	sbarrier.arrive $0xFFFF;
	s2 =	simm.s32 @!p0 $0x1C01  }
0x35: {  	[timem:s3], [sflag:s2] =	dma.local @!p0 [hbm:s0], s1  }
0x36: {  	s0 =	simm.s32 @!p0 $0x1  }
0x37: {  	_ =	swait.ge @!p0 [sflag:s0], s1  }
0x38: {  	s1 =	ssub.s32 @!p0 $0x0, s1;
	[sflag:s0] =	ssyncset.done @!p0 $0x0  }
0x39: {  	[sflag:s0] =	ssyncadd.s32 @!p0 s1  }
0x3a: {  	[bflag:$0x3] =	sbarrier.arrive $0xFFFF  }
0x3b: {  	_ =	shalt  }

// kernel: kernel.13.cloned.1.call-start
scs
__scs_entry_jumppad:
0x0: {  	(pc) =	sbr.rel $0x88, $3  }
0x1: {  	(tag) =	ssettag $0x0;
	lr =	simm.s32 $0x1  }
0x2: {  	[smem:$0x3F93] =	sst lr;
	_ =	strace $0xD0000000  }
0x3: {  	_ = 	snop  }
0x4: {  	_ = 	snop  }
0x5: {  	_ = 	snop  }
0x6: {  	_ = 	snop  }
0x7: {  	_ = 	snop  }
__scs_overlays_trampoline_lowered:
0x8: {  	[smem:$0x3FA2] =	sst s0  }
0x9: {  	[smem:$0x3FA3] =	sst s1  }
0xa: {  	[smem:$0x3FA4] =	sst s2  }
0xb: {  	[smem:$0x3FA5] =	sst s3  }
0xc: {  	[smem:$0x3FA6] =	sst s4  }
0xd: {  	[smem:$0x3FA7] =	sst s5  }
0xe: {  	[smem:$0x3FA8] =	sst s6  }
0xf: {  	[smem:$0x3FA9] =	sst s7  }
0x10: {  	[smem:$0x3FAA] =	sst s8  }
0x11: {  	[smem:$0x3FAB] =	sst s9;
	s0 =	simm.s32 @!p0 $0x0  }
0x12: {  	s1 =	sld [smem:$0x3F91];
	s0 =	simm.s32 @p0 $0x1  }
0x13: {  	[smem:$0x3FAC] =	sst s0;
	s0 =	simm.s32 @!p1 $0x0  }
0x14: {  	s2 =	sld [smem:$0x3F90];
	s0 =	simm.s32 @p1 $0x1  }
0x15: {  	[smem:$0x3FAD] =	sst s0;
	s0 =	simm.s32 @!p2 $0x0  }
0x16: {  	s3 =	sld [smem:$0x3FDB];
	s0 =	simm.s32 @p2 $0x1  }
0x17: {  	s4 =	simm.s32 $0x1BF5;
	[smem:$0x3FAF] =	sst s0  }
0x18: {  	s0 =	sld [smem:$0x3F92];
	_ =	swait.ge [sflag:s4], $0x0  }
0x19: {  	s7 =	sld [smem:$0x3F93]  }
0x1a: {  	s8 =	sadd.s32 $0xFFFFE003, lr  }
0x1b: {  	s9 =	sadd.s32 $0xFFFFFEF7, lr;
	s5 =	simm.s32 $0xFFFFFFFF;
	p2 =	slt.u32 s8, $0xFFFFF086  }
0x1c: {  	p1 =	slt.u32 s9, $0xF7A;
	s5 =	simm.s32 @!p2 $0x0  }
0x1d: {  	s5 =	simm.s32 @p1 $0x1;
	p0 =	seq.s32 s7, s2  }
0x1e: {  	s7 =	smul.u32 @!p0 $0xF7A, s2;
	p2 =	seq.s32 @!p0 s5, $0x0  }
0x1f: {  	s9 =	smul.u32 $0xF7A, s1;
	s8 =	simm.s32 @!p0 $0x1BF5;
	p2 =	por !p2, p0  }
0x20: {  	[sflag:s8] =	ssyncset.s32 @!p0 $0xFFFFF086;
	s6 =	sadd.s32 @!p0 s3, s7;
	s7 =	simm.s32 @!p0 $0x108  }
0x21: {  	s3 =	sadd.s32 s3, s9;
	s6 =	sadd.s32 @!p0 $0x88, s6;
	s7 =	simm.s32 @p2 $0x1082  }
0x22: {  	[simem:s7], [sflag:s8] =	dma.local @!p0 [hbm:s6], $0xF7A  }
0x23: {  	s9 =	sor.u32 $0xD0000000, s2;
	s6 =	simm.s32 $0x108;
	_ =	swait.ge @!p0 [sflag:s8], $0x0  }
0x24: {  	s3 =	sadd.s32 $0x88, s3;
	s6 =	simm.s32 @!p1 $0x1082;
	[sflag:s4] =	ssyncset.s32 $0xFFFFF086  }
0x25: {  	[simem:s6], [sflag:s4] =	dma.local [hbm:s3], $0xF7A  }
0x26: {  	[smem:$0x3F93] =	sst s1;
	(tag) =	ssettag s2;
	_ =	strace s9  }
0x27: {  	s1 =	sld [smem:$0x3FA3]  }
0x28: {  	s2 =	sld [smem:$0x3FA4]  }
0x29: {  	s4 =	sld [smem:$0x3FA6]  }
0x2a: {  	p0 =	seq.s32 s5, $0x0;
	s5 =	sld [smem:$0x3FA7]  }
0x2b: {  	s6 =	sld [smem:$0x3FA8]  }
0x2c: {  	s7 =	sld [smem:$0x3FA9]  }
0x2d: {  	s3 =	simm.s32 $0x108;
	s8 =	sld [smem:$0x3FAA]  }
0x2e: {  	s3 =	simm.s32 @!p0 $0x1082;
	s9 =	sld [smem:$0x3FAB]  }
0x2f: {  	lr =	sadd.s32 s0, s3;
	s0 =	sld [smem:$0x3FA2]  }
0x30: {  	s3 =	sld [smem:$0x3FA5]  }
0x31: {  	[smem:$0x3FAE] =	sst s10  }
0x32: {  	s10 =	sld [smem:$0x3FAC];
	_ =	sdelay $0x3  }
0x33: {  	p0 =	seq.s32 s10, $0x1;
	s10 =	sld [smem:$0x3FAE];
	_ =	sdelay $0x3  }
0x34: {  	[smem:$0x3FAE] =	sst s10  }
0x35: {  	s10 =	sld [smem:$0x3FAD];
	_ =	sdelay $0x3  }
0x36: {  	p1 =	seq.s32 s10, $0x1;
	s10 =	sld [smem:$0x3FAE];
	_ =	sdelay $0x3  }
0x37: {  	[smem:$0x3FAE] =	sst s10  }
0x38: {  	s10 =	sld [smem:$0x3FAF]  }
0x39: {  	_ = 	snop;
	(pc) =	sbr.ind lr, $3  }
0x3a: {  	_ = 	snop  }
0x3b: {  	_ = 	snop  }
0x3c: {  	p2 =	seq.s32 s10, $0x1;
	s10 =	sld [smem:$0x3FAE]  }
0x3d: {  	_ =	shalt  }
0x3e: {  	_ =	shalt  }
0x3f: {  	_ =	shalt  }
0x40: {  	_ =	shalt  }
0x41: {  	_ =	shalt  }
0x42: {  	_ =	shalt  }
0x43: {  	_ =	shalt  }
0x44: {  	_ =	shalt  }
0x45: {  	_ =	shalt  }
0x46: {  	_ =	shalt  }
0x47: {  	_ =	shalt  }
0x48: {  	_ =	shalt  }
0x49: {  	_ =	shalt  }
0x4a: {  	_ =	shalt  }
0x4b: {  	_ =	shalt  }
0x4c: {  	_ =	shalt  }
0x4d: {  	_ =	shalt  }
0x4e: {  	_ =	shalt  }
0x4f: {  	_ =	shalt  }
0x50: {  	_ =	shalt  }
0x51: {  	_ =	shalt  }
0x52: {  	_ =	shalt  }
0x53: {  	_ =	shalt  }
0x54: {  	_ =	shalt  }
0x55: {  	_ =	shalt  }
0x56: {  	_ =	shalt  }
0x57: {  	_ =	shalt  }
0x58: {  	_ =	shalt  }
0x59: {  	_ =	shalt  }
0x5a: {  	_ =	shalt  }
0x5b: {  	_ =	shalt  }
0x5c: {  	_ =	shalt  }
0x5d: {  	_ =	shalt  }
0x5e: {  	_ =	shalt  }
0x5f: {  	_ =	shalt  }
0x60: {  	_ =	shalt  }
0x61: {  	_ =	shalt  }
0x62: {  	_ =	shalt  }
0x63: {  	_ =	shalt  }
0x64: {  	_ =	shalt  }
0x65: {  	_ =	shalt  }
0x66: {  	_ =	shalt  }
0x67: {  	_ =	shalt  }
0x68: {  	_ =	shalt  }
0x69: {  	_ =	shalt  }
0x6a: {  	_ =	shalt  }
0x6b: {  	_ =	shalt  }
0x6c: {  	_ =	shalt  }
0x6d: {  	_ =	shalt  }
0x6e: {  	_ =	shalt  }
0x6f: {  	_ =	shalt  }
0x70: {  	_ =	shalt  }
0x71: {  	_ =	shalt  }
0x72: {  	_ =	shalt  }
0x73: {  	_ =	shalt  }
0x74: {  	_ =	shalt  }
0x75: {  	_ =	shalt  }
0x76: {  	_ =	shalt  }
0x77: {  	_ =	shalt  }
0x78: {  	_ =	shalt  }
0x79: {  	_ =	shalt  }
0x7a: {  	_ =	shalt  }
0x7b: {  	_ =	shalt  }
0x7c: {  	_ =	shalt  }
0x7d: {  	_ =	shalt  }
0x7e: {  	_ =	shalt  }
0x7f: {  	_ =	shalt  }
0x80: {  	_ =	shalt  }
0x81: {  	_ =	shalt  }
0x82: {  	_ =	shalt  }
0x83: {  	_ =	shalt  }
0x84: {  	_ =	shalt  }
0x85: {  	_ =	shalt  }
0x86: {  	_ =	shalt  }
0x87: {  	_ =	shalt  }
.Lfunc_end0:
.L_simem_size_0:
called_computation.1_lowered:
.L_overlay_start_0:
0x88: {  	s2 =	sld [smem:$0x3FD9]  }
0x89: {  	s3 =	sld [smem:$0x3FFE];
	_ =	sdelay $0x1  }
0x8a: {  	s1 =	srdreg.scid  }
0x8b: {  	s0 =	sand.u32 $0x1, s1  }
0x8c: {  	s16 =	sshll.u32 s0, $0xA;
	s2 =	sadd.s32 s3, s2  }
0x8d: {  	s2 =	sadd.s32 s2, s16  }
0x8e: {  	[smem:$0x3FBA] =	sst s2  }
0x8f: {  	_ = 	snop  }
0x90: {  	(tm) =	ssettm $0x1  }
0x91: {  	s17 =	sld [smem:$0x3FFB];
	_ =	sdelay $0x3  }
0x92: {  	_ =	strace s17  }
0x93: {  	s2 =	sld [smem:$0x3FFC];
	_ =	sdelay $0x3  }
0x94: {  	_ =	strace s2  }
0x95: {  	s2 =	sld [smem:$0x3FFD];
	_ =	sdelay $0x3  }
0x96: {  	_ =	strace s2  }
0x97: {  	_ =	strace $0x8FFFFFFF  }
0x98: {  	s18 =	sld [smem:$0x3FDB];
	_ =	sdelay $0x1  }
0x99: {  	s19 =	simm.s32 $_scs_section_size  }
0x9a: {  	s4 =	simm.s32 $_size__tile_overlayer_lowered;
	s5 =	simm.s32 $_tile_overlayer_lowered  }
0x9b: {  	s22 =	simm.s32 $0x1BFF;
	s21 =	sshll.u32 s5, $0x1;
	s2 =	sadd.s32 s19, s18  }
0x9c: {  	s6 =	simm.s32 $0x0;
	s20 =	sshll.u32 s4, $0x1;
	s4 =	sadd.s32 s21, s2  }
0x9d: {  	[timem:s6], [sflag:s22] =	dma.local [hbm:s4], s20  }
0x9e: {  	_ =	swait.ge [sflag:s22], s20  }
0x9f: {  	s3 =	ssub.s32 $0x0, s20;
	[sflag:s22] =	ssyncset.done $0x0  }
0xa0: {  	[sflag:s22] =	ssyncadd.s32 s3;
	_ =	sdelay $0x1  }
0xa1: {  	s23 =	simm.s32 $0x1B8B  }
0xa2: {  	_ =	swait.ge [sflag:s23], $0x1  }
0xa3: {  	[sflag:s23] =	ssyncset.done $0x0  }
0xa4: {  	s25 =	simm.s32 $0x1B8E;
	s24 =	sld [smem:$0x3FFE];
	[sflag:s23] =	ssyncadd.s32 $0xFFFFFFFF  }
0xa5: {  	s26 =	simm.s32 $execute0_lowered;
	[smem:$0x3FD2] =	sst s25  }
0xa6: {  	s4 =	sshll.u32 s26, $0x1;
	_ =	strace $0x80000049;
	[dreg:$0x1] =	wrdreg $0xFFFFFFFF  }
0xa7: {  	s28 =	simm.s32 $_size_execute0_lowered;
	s2 =	sadd.s32 s2, s4;
	[dreg:$0x0] =	wrdreg $0x0  }
0xa8: {  	s4 =	sshll.u32 s28, $0x1;
	[dreg:$0x2] =	wrdreg s2  }
0xa9: {  	[dreg:$0x3] =	wrdreg s4  }
0xaa: {  	[dreg:$0x4] =	wrdreg $0xC0  }
0xab: {  	_ =	task [dreg:s6], $0x5FFFF  }
0xac: {  	[dreg:$0x1] =	wrdreg $0xFFFFFFFF  }
0xad: {  	[dreg:$0x0] =	wrdreg $0x60  }
0xae: {  	[dreg:$0x2] =	wrdreg s24  }
0xaf: {  	[dreg:$0x3] =	wrdreg $0xB2200  }
0xb0: {  	[dreg:$0x4] =	wrdreg $0x9  }
0xb1: {  	_ =	task.clear_ibuf [dreg:s6], $0x5FFFF;
	_ =	strace $0x90000049  }
0xb2: {  	s29 =	simm.s32 $0x9;
	_ =	strace $0x8000004B  }
0xb3: {  	_ =	swait.ge [sflag:s29], $0x1  }
0xb4: {  	[sflag:s29] =	ssyncadd.s32 $0xFFFFFFFF  }
0xb5: {  	_ =	strace $0x9000004B  }
0xb6: {  	_ =	sfence  }
0xb7: {  	s30 =	sld [smem:$0x0];
	_ =	sdelay $0x2  }
0xb8: {  	s31 =	sshll.u32 s1, $0xD;
	s1 =	sshrl.u32 s1, $0x2  }
0xb9: {  	s3 =	sand.u32 $0x4000, s31;
	s1 =	sadd.s32 s1, s30  }
0xba: {  	s0 =	sor.u32 s3, s0;
	s1 =	sshll.u32 s1, $0x11  }
0xbb: {  	s0 =	sor.u32 s1, s0  }
0xbc: {  	s0 =	sadd.s32 $0x8F2B, s0  }
0xbd: {  	[sflag:s0] =	ssyncadd.remote.s32 $0x1  }
0xbe: {  	_ =	sfence.sel $0xFFFF  }
0xbf: {  	[dreg:$0x0] =	wrdreg $0xFFFFFFFF;
	(pc) =	sbr.abs _section_cstart, $3  }
0xc0: {  	[dreg:$0x1] =	wrdreg $0xFFFFFFFF  }
0xc1: {  	_ =	task.clear_ibuf [dreg:s6], $0x2FFFF;
	_ =	strace $0x9FFFFFFF  }
0xc2: {  	(tm) =	ssettm $0x7FFFFFFF  }
0xc3: {  	_ =	shalt  }
tec
execute0_lowered:
.L_overlay_start_1:
0x0: {  	(tag) =	ssettag $0x1  }
0x1: {  	s0 =	srdreg.scid;
	s5 =	rddreg [dreg:$0x0]  }
0x2: {  	s11 =	stileid.u32;
	s2 =	rddreg [dreg:$0x1];
	s3 =	simm.s32 $0x0  }
0x3: {  	s12 =	simm.s32 $0x6;
	s14 =	simm.s32 $0x50;
	s15 =	simm.s32 $0x4E20  }
0x4: {  	s16 =	simm.s32 $0x6220;
	s18 =	simm.s32 $0x7620;
	s20 =	simm.s32 $0x8A20  }
0x5: {  	s22 =	simm.s32 $0x9E20;
	s23 =	simm.s32 $0x1;
	s24 =	simm.s32 $0x2  }
0x6: {  	s28 =	simm.s32 $0x5;
	s29 =	simm.s32 $0x4C90;
	s30 =	simm.s32 $0x4CE0  }
0x7: {  	s31 =	simm.s32 $0x4D30;
	s13 =	simm.s32 $0x0;
	s0 =	sand.u32 $0x1, s0  }
0x8: {  	s6 =	smul.u32 $0xA000, s11;
	[smem:$0x7FF] =	sst s3;
	s4 =	sadd.s32 $0x1BA00, s5  }
0x9: {  	s25 =	sshll.u32 s11, $0x6;
	s1 =	sshll.u32 s0, $0x4;
	s7 =	smul.u32 $0xA0000, s0  }
0xa: {  	_ =	strace $0x8000004A;
	s0 =	ssub.s32 $0x2, s0;
	s1 =	sor.u32 s11, s1  }
0xb: {  	s8 =	sshrl.u32 s6, $0x3;
	s9 =	sshrl.u32 s0, $0x1;
	s26 =	sadd.s32 s6, s2  }
0xc: {  	s1 =	smul.u32 $0x4E2, s1;
	s7 =	sadd.s32 s6, s7;
	s8 =	sadd.s32 s8, s5  }
0xd: {  	s0 =	ssub.s32 s0, s9;
	s6 =	sor.u32 $0x1C06, s25;
	s11 =	sshrl.u32 s26, $0x3  }
0xe: {  	s25 =	simm.s32 $0x3;
	s26 =	simm.s32 $0x4;
	s7 =	sshrl.u32 s7, $0x3  }
0xf: {  	s1 =	sadd.s32 s1, s5;
	s10 =	sadd.s32 s7, s5;
	s5 =	sadd.s32 $0x2F400, s8  }
0x10: {  	s7 =	sadd.s32 $0x2E00, s1;
	s8 =	sadd.s32 $0xCC00, s1;
	s9 =	sadd.s32 $0x43400, s10  }
0x11: {  	s10 =	smax.u32 s0, $0x1;
	s1 =	simm.s32 $0x4D80;
	s0 =	simm.s32 $0x4DD0  }
.LBB2_1:
0x12: {  	[spmem:s11], [sflag:s6] =	dma.local [hbm:s5], $0x1400  }
0x13: {  	_ =	swait.ge [sflag:s12], $0x1400  }
0x14: {  	[sflag:s12] =	ssyncset.done $0x0  }
0x15: {  	[sflag:s12] =	ssyncadd.s32 $0xFFFFEC00  }
0x16: {  	[tilespmem:s3], [sflag:$0x6] =	stream.linear.gather [hbm4b:s7+s3], $0x2710, $0x38;
	[tilespmem:$0x15220] =	vst v63  }
0x17: {  	_ =	swait.ge [sflag:s12], $0x2710  }
0x18: {  	[sflag:s12] =	ssyncset.done $0x0  }
0x19: {  	s17 =	simm.s32 $0x2710;
	[sflag:s12] =	ssyncadd.s32 $0xFFFFD8F0  }
0x1a: {  	[tilespmem:s17], [sflag:$0x6] =	stream.linear.gather [hbm4b:s8+s3], $0x2710, $0x38;
	[tilespmem:$0x15220] =	vst v63  }
0x1b: {  	_ =	swait.ge [sflag:s12], $0x2710  }
0x1c: {  	[sflag:s12] =	ssyncset.done $0x0  }
0x1d: {  	[sflag:s12] =	ssyncadd.s32 $0xFFFFD8F0  }
0x1e: {  	[bflag:$0x0] =	sbarrier.arrive $0xFFFF  }
0x1f: {  	[tilespmem:s15], [sflag:$0x1] =	stream.indirect.gather [hbm4b:s4+s14], $0x40, s3, s14, $0xb8;
	[tilespmem:$0x15220] =	vst v63  }
0x20: {  	_ = 	snop  }
0x21: {  	[tilespmem:s16], [sflag:$0x2] =	stream.indirect.gather [hbm4b:s4+s14], $0x40, s14, s14, $0xb8;
	[tilespmem:$0x15220] =	vst v63  }
0x22: {  	s19 =	simm.s32 $0xA0  }
0x23: {  	[tilespmem:s18], [sflag:$0x3] =	stream.indirect.gather [hbm4b:s4+s14], $0x40, s19, s14, $0xb8;
	[tilespmem:$0x15220] =	vst v63  }
0x24: {  	s21 =	simm.s32 $0xF0  }
0x25: {  	[tilespmem:s20], [sflag:$0x4] =	stream.indirect.gather [hbm4b:s4+s14], $0x40, s21, s14, $0xb8;
	[tilespmem:$0x15220] =	vst v63  }
0x26: {  	s19 =	simm.s32 $0x140  }
0x27: {  	[tilespmem:s22], [sflag:$0x5] =	stream.indirect.gather [hbm4b:s4+s14], $0x40, s19, s14, $0xb8;
	[tilespmem:$0x15220] =	vst v63  }
0x28: {  	_ =	swait.ge [sflag:s23], $0x1400  }
0x29: {  	[sflag:s23] =	ssyncset.done $0x0  }
0x2a: {  	s21 =	simm.s32 $0x2710;
	[sflag:s23] =	ssyncadd.s32 $0xFFFFEC00  }
0x2b: {  	[spmem:s2] =	stream.indirect.scatter.add.f32 [tilespmem:s15], [sflag:$0x6], $0x40, s21, s14, $0xb8;
	[tilespmem:$0x15220] =	vst v63  }
0x2c: {  	_ =	swait.ge [sflag:s12], $0x1400  }
0x2d: {  	[sflag:s12] =	ssyncset.done $0x0  }
0x2e: {  	s19 =	simm.s32 $0x190;
	[sflag:s12] =	ssyncadd.s32 $0xFFFFEC00  }
0x2f: {  	[tilespmem:s15], [sflag:$0x1] =	stream.indirect.gather [hbm4b:s4+s14], $0x40, s19, s14, $0xb8;
	[tilespmem:$0x15220] =	vst v63  }
0x30: {  	_ =	swait.ge [sflag:s24], $0x1400  }
0x31: {  	[sflag:s24] =	ssyncset.done $0x0  }
0x32: {  	s21 =	simm.s32 $0x2760;
	[sflag:s24] =	ssyncadd.s32 $0xFFFFEC00  }
0x33: {  	[spmem:s2] =	stream.indirect.scatter.add.f32 [tilespmem:s16], [sflag:$0x6], $0x40, s21, s14, $0xb8;
	[tilespmem:$0x15220] =	vst v63  }
0x34: {  	_ =	swait.ge [sflag:s12], $0x1400  }
0x35: {  	[sflag:s12] =	ssyncset.done $0x0  }
0x36: {  	s19 =	simm.s32 $0x1E0;
	[sflag:s12] =	ssyncadd.s32 $0xFFFFEC00  }
0x37: {  	[tilespmem:s16], [sflag:$0x2] =	stream.indirect.gather [hbm4b:s4+s14], $0x40, s19, s14, $0xb8;
	[tilespmem:$0x15220] =	vst v63  }
0x38: {  	_ =	swait.ge [sflag:s25], $0x1400  }
0x39: {  	[sflag:s25] =	ssyncset.done $0x0  }
0x3a: {  	s21 =	simm.s32 $0x27B0;
	[sflag:s25] =	ssyncadd.s32 $0xFFFFEC00  }
0x3b: {  	[spmem:s2] =	stream.indirect.scatter.add.f32 [tilespmem:s18], [sflag:$0x6], $0x40, s21, s14, $0xb8;
	[tilespmem:$0x15220] =	vst v63  }
0x3c: {  	_ =	swait.ge [sflag:s12], $0x1400  }
0x3d: {  	[sflag:s12] =	ssyncset.done $0x0  }
0x3e: {  	s19 =	simm.s32 $0x230;
	[sflag:s12] =	ssyncadd.s32 $0xFFFFEC00  }
0x3f: {  	[tilespmem:s18], [sflag:$0x3] =	stream.indirect.gather [hbm4b:s4+s14], $0x40, s19, s14, $0xb8;
	[tilespmem:$0x15220] =	vst v63  }
0x40: {  	_ =	swait.ge [sflag:s26], $0x1400  }
0x41: {  	[sflag:s26] =	ssyncset.done $0x0  }
0x42: {  	s21 =	simm.s32 $0x2800;
	[sflag:s26] =	ssyncadd.s32 $0xFFFFEC00  }
0x43: {  	[spmem:s2] =	stream.indirect.scatter.add.f32 [tilespmem:s20], [sflag:$0x6], $0x40, s21, s14, $0xb8;
	[tilespmem:$0x15220] =	vst v63  }
0x44: {  	_ =	swait.ge [sflag:s12], $0x1400  }
0x45: {  	[sflag:s12] =	ssyncset.done $0x0  }
0x46: {  	s19 =	simm.s32 $0x280;
	[sflag:s12] =	ssyncadd.s32 $0xFFFFEC00  }
0x47: {  	[tilespmem:s20], [sflag:$0x4] =	stream.indirect.gather [hbm4b:s4+s14], $0x40, s19, s14, $0xb8;
	[tilespmem:$0x15220] =	vst v63  }
0x48: {  	_ =	swait.ge [sflag:s28], $0x1400  }
0x49: {  	[sflag:s28] =	ssyncset.done $0x0  }
0x4a: {  	s21 =	simm.s32 $0x2850;
	[sflag:s28] =	ssyncadd.s32 $0xFFFFEC00  }
0x4b: {  	[spmem:s2] =	stream.indirect.scatter.add.f32 [tilespmem:s22], [sflag:$0x6], $0x40, s21, s14, $0xb8;
	[tilespmem:$0x15220] =	vst v63  }
0x4c: {  	_ =	swait.ge [sflag:s12], $0x1400  }
0x4d: {  	[sflag:s12] =	ssyncset.done $0x0  }
0x4e: {  	s17 =	simm.s32 $0x640;
	s19 =	simm.s32 $0x2D0;
	[sflag:s12] =	ssyncadd.s32 $0xFFFFEC00  }
.LBB2_2:
0x4f: {  	[tilespmem:s22], [sflag:$0x5] =	stream.indirect.gather [hbm4b:s4+s14], $0x40, s19, s14, $0xb8;
	[tilespmem:$0x15220] =	vst v63  }
0x50: {  	s19 =	smov.u32 s17  }
0x51: {  	p0 =	sne.s32 s17, $0x8FC0;
	s17 =	sadd.s32 $0x640, s17;
	_ =	swait.ge [sflag:s23], $0x1400  }
0x52: {  	s19 =	sshra.s32 s19, $0x2;
	[sflag:s23] =	ssyncset.done $0x0  }
0x53: {  	s21 =	sadd.s32 $0x2710, s19;
	[sflag:s23] =	ssyncadd.s32 $0xFFFFEC00  }
0x54: {  	[spmem:s2] =	stream.indirect.scatter.add.f32 [tilespmem:s15], [sflag:$0x6], $0x40, s21, s14, $0xb8;
	[tilespmem:$0x15220] =	vst v63  }
0x55: {  	_ =	swait.ge [sflag:s12], $0x1400  }
0x56: {  	[sflag:s12] =	ssyncset.done $0x0  }
0x57: {  	s21 =	sadd.s32 $0x190, s19;
	[sflag:s12] =	ssyncadd.s32 $0xFFFFEC00  }
0x58: {  	[tilespmem:s15], [sflag:$0x1] =	stream.indirect.gather [hbm4b:s4+s14], $0x40, s21, s14, $0xb8;
	[tilespmem:$0x15220] =	vst v63  }
0x59: {  	_ =	swait.ge [sflag:s24], $0x1400  }
0x5a: {  	[sflag:s24] =	ssyncset.done $0x0  }
0x5b: {  	s21 =	sadd.s32 $0x2760, s19;
	[sflag:s24] =	ssyncadd.s32 $0xFFFFEC00  }
0x5c: {  	[spmem:s2] =	stream.indirect.scatter.add.f32 [tilespmem:s16], [sflag:$0x6], $0x40, s21, s14, $0xb8;
	[tilespmem:$0x15220] =	vst v63  }
0x5d: {  	_ =	swait.ge [sflag:s12], $0x1400  }
0x5e: {  	[sflag:s12] =	ssyncset.done $0x0  }
0x5f: {  	s21 =	sadd.s32 $0x1E0, s19;
	[sflag:s12] =	ssyncadd.s32 $0xFFFFEC00  }
0x60: {  	[tilespmem:s16], [sflag:$0x2] =	stream.indirect.gather [hbm4b:s4+s14], $0x40, s21, s14, $0xb8;
	[tilespmem:$0x15220] =	vst v63  }
0x61: {  	_ =	swait.ge [sflag:s25], $0x1400  }
0x62: {  	[sflag:s25] =	ssyncset.done $0x0  }
0x63: {  	s21 =	sadd.s32 $0x27B0, s19;
	[sflag:s25] =	ssyncadd.s32 $0xFFFFEC00  }
0x64: {  	[spmem:s2] =	stream.indirect.scatter.add.f32 [tilespmem:s18], [sflag:$0x6], $0x40, s21, s14, $0xb8;
	[tilespmem:$0x15220] =	vst v63  }
0x65: {  	_ =	swait.ge [sflag:s12], $0x1400  }
0x66: {  	[sflag:s12] =	ssyncset.done $0x0  }
0x67: {  	s21 =	sadd.s32 $0x230, s19;
	[sflag:s12] =	ssyncadd.s32 $0xFFFFEC00  }
0x68: {  	[tilespmem:s18], [sflag:$0x3] =	stream.indirect.gather [hbm4b:s4+s14], $0x40, s21, s14, $0xb8;
	[tilespmem:$0x15220] =	vst v63  }
0x69: {  	_ =	swait.ge [sflag:s26], $0x1400  }
0x6a: {  	[sflag:s26] =	ssyncset.done $0x0  }
0x6b: {  	s21 =	sadd.s32 $0x2800, s19;
	[sflag:s26] =	ssyncadd.s32 $0xFFFFEC00  }
0x6c: {  	[spmem:s2] =	stream.indirect.scatter.add.f32 [tilespmem:s20], [sflag:$0x6], $0x40, s21, s14, $0xb8;
	[tilespmem:$0x15220] =	vst v63  }
0x6d: {  	_ =	swait.ge [sflag:s12], $0x1400  }
0x6e: {  	[sflag:s12] =	ssyncset.done $0x0  }
0x6f: {  	s21 =	sadd.s32 $0x280, s19;
	[sflag:s12] =	ssyncadd.s32 $0xFFFFEC00  }
0x70: {  	[tilespmem:s20], [sflag:$0x4] =	stream.indirect.gather [hbm4b:s4+s14], $0x40, s21, s14, $0xb8;
	[tilespmem:$0x15220] =	vst v63  }
0x71: {  	_ =	swait.ge [sflag:s28], $0x1400  }
0x72: {  	[sflag:s28] =	ssyncset.done $0x0  }
.Ltmp0:
0x73: {  	s21 =	sadd.s32 $0x2850, s19;
	[sflag:s28] =	ssyncadd.s32 $0xFFFFEC00;
	(pc) =	sbr.rel @p0 .LBB2_2-.Ltmp0, $4  }
0x74: {  	[spmem:s2] =	stream.indirect.scatter.add.f32 [tilespmem:s22], [sflag:$0x6], $0x40, s21, s14, $0xb8;
	[tilespmem:$0x15220] =	vst v63  }
0x75: {  	_ =	swait.ge [sflag:s12], $0x1400  }
0x76: {  	[sflag:s12] =	ssyncset.done $0x0  }
0x77: {  	s19 =	sadd.s32 $0x2D0, s19;
	[sflag:s12] =	ssyncadd.s32 $0xFFFFEC00  }
0x78: {  	[tilespmem:s22], [sflag:$0x5] =	stream.indirect.gather [hbm4b:s4+s14], $0x40, s19, s14, $0xb8;
	[tilespmem:$0x15220] =	vst v63  }
0x79: {  	_ =	swait.ge [sflag:s23], $0x1400  }
0x7a: {  	[sflag:s23] =	ssyncset.done $0x0  }
0x7b: {  	[sflag:s23] =	ssyncadd.s32 $0xFFFFEC00  }
0x7c: {  	[spmem:s2] =	stream.indirect.scatter.add.f32 [tilespmem:s15], [sflag:$0x6], $0x40, s29, s14, $0xb8;
	[tilespmem:$0x15220] =	vst v63  }
0x7d: {  	_ =	swait.ge [sflag:s12], $0x1400  }
0x7e: {  	[sflag:s12] =	ssyncset.done $0x0  }
0x7f: {  	[sflag:s12] =	ssyncadd.s32 $0xFFFFEC00  }
0x80: {  	_ =	swait.ge [sflag:s24], $0x1400  }
0x81: {  	[sflag:s24] =	ssyncset.done $0x0  }
0x82: {  	[sflag:s24] =	ssyncadd.s32 $0xFFFFEC00  }
0x83: {  	[spmem:s2] =	stream.indirect.scatter.add.f32 [tilespmem:s16], [sflag:$0x6], $0x40, s30, s14, $0xb8;
	[tilespmem:$0x15220] =	vst v63  }
0x84: {  	_ =	swait.ge [sflag:s12], $0x1400  }
0x85: {  	[sflag:s12] =	ssyncset.done $0x0  }
0x86: {  	[sflag:s12] =	ssyncadd.s32 $0xFFFFEC00  }
0x87: {  	_ =	swait.ge [sflag:s25], $0x1400  }
0x88: {  	[sflag:s25] =	ssyncset.done $0x0  }
0x89: {  	[sflag:s25] =	ssyncadd.s32 $0xFFFFEC00  }
0x8a: {  	[spmem:s2] =	stream.indirect.scatter.add.f32 [tilespmem:s18], [sflag:$0x6], $0x40, s31, s14, $0xb8;
	[tilespmem:$0x15220] =	vst v63  }
0x8b: {  	_ =	swait.ge [sflag:s12], $0x1400  }
0x8c: {  	[sflag:s12] =	ssyncset.done $0x0  }
0x8d: {  	[sflag:s12] =	ssyncadd.s32 $0xFFFFEC00  }
0x8e: {  	_ =	swait.ge [sflag:s26], $0x1400  }
0x8f: {  	[sflag:s26] =	ssyncset.done $0x0  }
0x90: {  	[sflag:s26] =	ssyncadd.s32 $0xFFFFEC00  }
0x91: {  	[spmem:s2] =	stream.indirect.scatter.add.f32 [tilespmem:s20], [sflag:$0x6], $0x40, s1, s14, $0xb8;
	[tilespmem:$0x15220] =	vst v63  }
0x92: {  	_ =	swait.ge [sflag:s12], $0x1400  }
0x93: {  	[sflag:s12] =	ssyncset.done $0x0  }
0x94: {  	[sflag:s12] =	ssyncadd.s32 $0xFFFFEC00  }
0x95: {  	_ =	swait.ge [sflag:s28], $0x1400  }
0x96: {  	[sflag:s28] =	ssyncset.done $0x0  }
0x97: {  	[sflag:s28] =	ssyncadd.s32 $0xFFFFEC00  }
0x98: {  	[spmem:s2] =	stream.indirect.scatter.add.f32 [tilespmem:s22], [sflag:$0x6], $0x40, s0, s14, $0xb8;
	[tilespmem:$0x15220] =	vst v63  }
0x99: {  	_ =	swait.ge [sflag:s12], $0x1400  }
0x9a: {  	s13 =	sadd.s32 $0x1, s13;
	[sflag:s12] =	ssyncset.done $0x0  }
0x9b: {  	p0 =	sne.s32 s13, s10;
	[sflag:s12] =	ssyncadd.s32 $0xFFFFEC00  }
.Ltmp1:
0x9c: {  	[bflag:$0x0] =	sbarrier.arrive $0xFFFF;
	(pc) =	sbr.rel @p0 .LBB2_1-.Ltmp1, $4  }
0x9d: {  	[hbm:s9], [sflag:s6] =	dma.local [spmem:s11], $0x1400  }
0x9e: {  	_ =	swait.ge [sflag:s12], $0x1400  }
0x9f: {  	[sflag:s12] =	ssyncset.done $0x0  }
0xa0: {  	[sflag:s12] =	ssyncadd.s32 $0xFFFFEC00  }
0xa1: {  	_ =	sfence.sel $0x180000  }
0xa2: {  	[bflag:$0x0] =	sbarrier.arrive $0xFFFF  }
0xa3: {  	_ =	strace $0x9000004A  }
0xa4: {  	s0 =	stileid.u32;
	[bflag:$0x2] =	sbarrier.arrive $0xFFFF  }
0xa5: {  	p0 =	sne.s32 s0, $0x0;
	s0 =	rddreg [dreg:$0x2]  }
0xa6: {  	s0 =	sadd.s32 @!p0 $0x100000, s0  }
0xa7: {  	[sflag:s0] =	ssyncadd.tile.s32 @!p0 $0x1;
	_ =	shalt  }
.Lfunc_end2:
_tile_overlayer_lowered:
.L_overlay_start_2:
0xa8: {  	(tag) =	ssettag $0x2  }
0xa9: {  	s0 =	rddreg [dreg:$0x0];
	s2 =	stileid.u32  }
0xaa: {  	s1 =	rddreg [dreg:$0x1];
	p0 =	sne.s32 s2, $0x0  }
0xab: {  	s3 =	rddreg [dreg:$0x2];
	[bflag:$0x3] =	sbarrier.arrive $0xFFFF;
	s2 =	simm.s32 @!p0 $0x1C06  }
0xac: {  	[timem:s3], [sflag:s2] =	dma.local @!p0 [hbm:s0], s1  }
0xad: {  	s0 =	simm.s32 @!p0 $0x6  }
0xae: {  	_ =	swait.ge @!p0 [sflag:s0], s1  }
0xaf: {  	s1 =	ssub.s32 @!p0 $0x0, s1;
	[sflag:s0] =	ssyncset.done @!p0 $0x0  }
0xb0: {  	[sflag:s0] =	ssyncadd.s32 @!p0 s1  }
0xb1: {  	[bflag:$0x3] =	sbarrier.arrive $0xFFFF  }
0xb2: {  	_ =	shalt  }

// kernel: kernel.16.cloned.1.call-start
scs
__scs_entry_jumppad:
0x0: {  	(pc) =	sbr.rel $0x88, $3  }
0x1: {  	(tag) =	ssettag $0x0;
	lr =	simm.s32 $0x1  }
0x2: {  	[smem:$0x3F93] =	sst lr;
	_ =	strace $0xD0000000  }
0x3: {  	_ = 	snop  }
0x4: {  	_ = 	snop  }
0x5: {  	_ = 	snop  }
0x6: {  	_ = 	snop  }
0x7: {  	_ = 	snop  }
__scs_overlays_trampoline_lowered:
0x8: {  	[smem:$0x3FA2] =	sst s0  }
0x9: {  	[smem:$0x3FA3] =	sst s1  }
0xa: {  	[smem:$0x3FA4] =	sst s2  }
0xb: {  	[smem:$0x3FA5] =	sst s3  }
0xc: {  	[smem:$0x3FA6] =	sst s4  }
0xd: {  	[smem:$0x3FA7] =	sst s5  }
0xe: {  	[smem:$0x3FA8] =	sst s6  }
0xf: {  	[smem:$0x3FA9] =	sst s7  }
0x10: {  	[smem:$0x3FAA] =	sst s8  }
0x11: {  	[smem:$0x3FAB] =	sst s9;
	s0 =	simm.s32 @!p0 $0x0  }
0x12: {  	s1 =	sld [smem:$0x3F91];
	s0 =	simm.s32 @p0 $0x1  }
0x13: {  	[smem:$0x3FAC] =	sst s0;
	s0 =	simm.s32 @!p1 $0x0  }
0x14: {  	s2 =	sld [smem:$0x3F90];
	s0 =	simm.s32 @p1 $0x1  }
0x15: {  	[smem:$0x3FAD] =	sst s0;
	s0 =	simm.s32 @!p2 $0x0  }
0x16: {  	s3 =	sld [smem:$0x3FDB];
	s0 =	simm.s32 @p2 $0x1  }
0x17: {  	s4 =	simm.s32 $0x1BF5;
	[smem:$0x3FAF] =	sst s0  }
0x18: {  	s0 =	sld [smem:$0x3F92];
	_ =	swait.ge [sflag:s4], $0x0  }
0x19: {  	s7 =	sld [smem:$0x3F93]  }
0x1a: {  	s8 =	sadd.s32 $0xFFFFE003, lr  }
0x1b: {  	s9 =	sadd.s32 $0xFFFFFEF7, lr;
	s5 =	simm.s32 $0xFFFFFFFF;
	p2 =	slt.u32 s8, $0xFFFFF086  }
0x1c: {  	p1 =	slt.u32 s9, $0xF7A;
	s5 =	simm.s32 @!p2 $0x0  }
0x1d: {  	s5 =	simm.s32 @p1 $0x1;
	p0 =	seq.s32 s7, s2  }
0x1e: {  	s7 =	smul.u32 @!p0 $0xF7A, s2;
	p2 =	seq.s32 @!p0 s5, $0x0  }
0x1f: {  	s9 =	smul.u32 $0xF7A, s1;
	s8 =	simm.s32 @!p0 $0x1BF5;
	p2 =	por !p2, p0  }
0x20: {  	[sflag:s8] =	ssyncset.s32 @!p0 $0xFFFFF086;
	s6 =	sadd.s32 @!p0 s3, s7;
	s7 =	simm.s32 @!p0 $0x108  }
0x21: {  	s3 =	sadd.s32 s3, s9;
	s6 =	sadd.s32 @!p0 $0x88, s6;
	s7 =	simm.s32 @p2 $0x1082  }
0x22: {  	[simem:s7], [sflag:s8] =	dma.local @!p0 [hbm:s6], $0xF7A  }
0x23: {  	s9 =	sor.u32 $0xD0000000, s2;
	s6 =	simm.s32 $0x108;
	_ =	swait.ge @!p0 [sflag:s8], $0x0  }
0x24: {  	s3 =	sadd.s32 $0x88, s3;
	s6 =	simm.s32 @!p1 $0x1082;
	[sflag:s4] =	ssyncset.s32 $0xFFFFF086  }
0x25: {  	[simem:s6], [sflag:s4] =	dma.local [hbm:s3], $0xF7A  }
0x26: {  	[smem:$0x3F93] =	sst s1;
	(tag) =	ssettag s2;
	_ =	strace s9  }
0x27: {  	s1 =	sld [smem:$0x3FA3]  }
0x28: {  	s2 =	sld [smem:$0x3FA4]  }
0x29: {  	s4 =	sld [smem:$0x3FA6]  }
0x2a: {  	p0 =	seq.s32 s5, $0x0;
	s5 =	sld [smem:$0x3FA7]  }
0x2b: {  	s6 =	sld [smem:$0x3FA8]  }
0x2c: {  	s7 =	sld [smem:$0x3FA9]  }
0x2d: {  	s3 =	simm.s32 $0x108;
	s8 =	sld [smem:$0x3FAA]  }
0x2e: {  	s3 =	simm.s32 @!p0 $0x1082;
	s9 =	sld [smem:$0x3FAB]  }
0x2f: {  	lr =	sadd.s32 s0, s3;
	s0 =	sld [smem:$0x3FA2]  }
0x30: {  	s3 =	sld [smem:$0x3FA5]  }
0x31: {  	[smem:$0x3FAE] =	sst s10  }
0x32: {  	s10 =	sld [smem:$0x3FAC];
	_ =	sdelay $0x3  }
0x33: {  	p0 =	seq.s32 s10, $0x1;
	s10 =	sld [smem:$0x3FAE];
	_ =	sdelay $0x3  }
0x34: {  	[smem:$0x3FAE] =	sst s10  }
0x35: {  	s10 =	sld [smem:$0x3FAD];
	_ =	sdelay $0x3  }
0x36: {  	p1 =	seq.s32 s10, $0x1;
	s10 =	sld [smem:$0x3FAE];
	_ =	sdelay $0x3  }
0x37: {  	[smem:$0x3FAE] =	sst s10  }
0x38: {  	s10 =	sld [smem:$0x3FAF]  }
0x39: {  	_ = 	snop;
	(pc) =	sbr.ind lr, $3  }
0x3a: {  	_ = 	snop  }
0x3b: {  	_ = 	snop  }
0x3c: {  	p2 =	seq.s32 s10, $0x1;
	s10 =	sld [smem:$0x3FAE]  }
0x3d: {  	_ =	shalt  }
0x3e: {  	_ =	shalt  }
0x3f: {  	_ =	shalt  }
0x40: {  	_ =	shalt  }
0x41: {  	_ =	shalt  }
0x42: {  	_ =	shalt  }
0x43: {  	_ =	shalt  }
0x44: {  	_ =	shalt  }
0x45: {  	_ =	shalt  }
0x46: {  	_ =	shalt  }
0x47: {  	_ =	shalt  }
0x48: {  	_ =	shalt  }
0x49: {  	_ =	shalt  }
0x4a: {  	_ =	shalt  }
0x4b: {  	_ =	shalt  }
0x4c: {  	_ =	shalt  }
0x4d: {  	_ =	shalt  }
0x4e: {  	_ =	shalt  }
0x4f: {  	_ =	shalt  }
0x50: {  	_ =	shalt  }
0x51: {  	_ =	shalt  }
0x52: {  	_ =	shalt  }
0x53: {  	_ =	shalt  }
0x54: {  	_ =	shalt  }
0x55: {  	_ =	shalt  }
0x56: {  	_ =	shalt  }
0x57: {  	_ =	shalt  }
0x58: {  	_ =	shalt  }
0x59: {  	_ =	shalt  }
0x5a: {  	_ =	shalt  }
0x5b: {  	_ =	shalt  }
0x5c: {  	_ =	shalt  }
0x5d: {  	_ =	shalt  }
0x5e: {  	_ =	shalt  }
0x5f: {  	_ =	shalt  }
0x60: {  	_ =	shalt  }
0x61: {  	_ =	shalt  }
0x62: {  	_ =	shalt  }
0x63: {  	_ =	shalt  }
0x64: {  	_ =	shalt  }
0x65: {  	_ =	shalt  }
0x66: {  	_ =	shalt  }
0x67: {  	_ =	shalt  }
0x68: {  	_ =	shalt  }
0x69: {  	_ =	shalt  }
0x6a: {  	_ =	shalt  }
0x6b: {  	_ =	shalt  }
0x6c: {  	_ =	shalt  }
0x6d: {  	_ =	shalt  }
0x6e: {  	_ =	shalt  }
0x6f: {  	_ =	shalt  }
0x70: {  	_ =	shalt  }
0x71: {  	_ =	shalt  }
0x72: {  	_ =	shalt  }
0x73: {  	_ =	shalt  }
0x74: {  	_ =	shalt  }
0x75: {  	_ =	shalt  }
0x76: {  	_ =	shalt  }
0x77: {  	_ =	shalt  }
0x78: {  	_ =	shalt  }
0x79: {  	_ =	shalt  }
0x7a: {  	_ =	shalt  }
0x7b: {  	_ =	shalt  }
0x7c: {  	_ =	shalt  }
0x7d: {  	_ =	shalt  }
0x7e: {  	_ =	shalt  }
0x7f: {  	_ =	shalt  }
0x80: {  	_ =	shalt  }
0x81: {  	_ =	shalt  }
0x82: {  	_ =	shalt  }
0x83: {  	_ =	shalt  }
0x84: {  	_ =	shalt  }
0x85: {  	_ =	shalt  }
0x86: {  	_ =	shalt  }
0x87: {  	_ =	shalt  }
.Lfunc_end0:
.L_simem_size_0:
called_computation.2_lowered:
.L_overlay_start_0:
0x88: {  	s2 =	sld [smem:$0x3FD9]  }
0x89: {  	s3 =	sld [smem:$0x3FFE];
	_ =	sdelay $0x1  }
0x8a: {  	s1 =	srdreg.scid  }
0x8b: {  	s0 =	sand.u32 $0x1, s1  }
0x8c: {  	s16 =	sshll.u32 s0, $0xA;
	s2 =	sadd.s32 s3, s2  }
0x8d: {  	s2 =	sadd.s32 s2, s16  }
0x8e: {  	[smem:$0x3FBA] =	sst s2  }
0x8f: {  	_ = 	snop  }
0x90: {  	(tm) =	ssettm $0x1  }
0x91: {  	s17 =	sld [smem:$0x3FFB];
	_ =	sdelay $0x3  }
0x92: {  	_ =	strace s17  }
0x93: {  	s2 =	sld [smem:$0x3FFC];
	_ =	sdelay $0x3  }
0x94: {  	_ =	strace s2  }
0x95: {  	s2 =	sld [smem:$0x3FFD];
	_ =	sdelay $0x3  }
0x96: {  	_ =	strace s2  }
0x97: {  	_ =	strace $0x8FFFFFFF  }
0x98: {  	s18 =	sld [smem:$0x3FDB];
	_ =	sdelay $0x1  }
0x99: {  	s19 =	simm.s32 $_scs_section_size  }
0x9a: {  	s4 =	simm.s32 $_size__tile_overlayer_lowered;
	s5 =	simm.s32 $_tile_overlayer_lowered  }
0x9b: {  	s22 =	simm.s32 $0x1BFF;
	s21 =	sshll.u32 s5, $0x1;
	s2 =	sadd.s32 s19, s18  }
0x9c: {  	s6 =	simm.s32 $0x0;
	s20 =	sshll.u32 s4, $0x1;
	s4 =	sadd.s32 s21, s2  }
0x9d: {  	[timem:s6], [sflag:s22] =	dma.local [hbm:s4], s20  }
0x9e: {  	_ =	swait.ge [sflag:s22], s20  }
0x9f: {  	s3 =	ssub.s32 $0x0, s20;
	[sflag:s22] =	ssyncset.done $0x0  }
0xa0: {  	[sflag:s22] =	ssyncadd.s32 s3;
	_ =	sdelay $0x1  }
0xa1: {  	s23 =	simm.s32 $0x1B8B  }
0xa2: {  	_ =	swait.ge [sflag:s23], $0x1  }
0xa3: {  	[sflag:s23] =	ssyncset.done $0x0  }
0xa4: {  	s25 =	simm.s32 $0x1B8E;
	s24 =	sld [smem:$0x3FFE];
	[sflag:s23] =	ssyncadd.s32 $0xFFFFFFFF  }
0xa5: {  	s26 =	simm.s32 $execute0_lowered;
	[smem:$0x3FD2] =	sst s25  }
0xa6: {  	s4 =	sshll.u32 s26, $0x1;
	_ =	strace $0x8000004C;
	[dreg:$0x1] =	wrdreg $0xFFFFFFFF  }
0xa7: {  	s28 =	simm.s32 $_size_execute0_lowered;
	s2 =	sadd.s32 s2, s4;
	[dreg:$0x0] =	wrdreg $0x0  }
0xa8: {  	s4 =	sshll.u32 s28, $0x1;
	[dreg:$0x2] =	wrdreg s2  }
0xa9: {  	[dreg:$0x3] =	wrdreg s4  }
0xaa: {  	[dreg:$0x4] =	wrdreg $0xC0  }
0xab: {  	_ =	task [dreg:s6], $0x5FFFF  }
0xac: {  	[dreg:$0x1] =	wrdreg $0xFFFFFFFF  }
0xad: {  	[dreg:$0x0] =	wrdreg $0x60  }
0xae: {  	[dreg:$0x2] =	wrdreg s24  }
0xaf: {  	[dreg:$0x3] =	wrdreg $0x80200  }
0xb0: {  	[dreg:$0x4] =	wrdreg $0x9  }
0xb1: {  	_ =	task.clear_ibuf [dreg:s6], $0x5FFFF;
	_ =	strace $0x9000004C  }
0xb2: {  	s29 =	simm.s32 $0x9;
	_ =	strace $0x8000004E  }
0xb3: {  	_ =	swait.ge [sflag:s29], $0x1  }
0xb4: {  	[sflag:s29] =	ssyncadd.s32 $0xFFFFFFFF  }
0xb5: {  	_ =	strace $0x9000004E  }
0xb6: {  	_ =	sfence  }
0xb7: {  	s30 =	sld [smem:$0x0];
	_ =	sdelay $0x2  }
0xb8: {  	s31 =	sshll.u32 s1, $0xD;
	s1 =	sshrl.u32 s1, $0x2  }
0xb9: {  	s3 =	sand.u32 $0x4000, s31;
	s1 =	sadd.s32 s1, s30  }
0xba: {  	s0 =	sor.u32 s3, s0;
	s1 =	sshll.u32 s1, $0x11  }
0xbb: {  	s0 =	sor.u32 s1, s0  }
0xbc: {  	s0 =	sadd.s32 $0x8F2B, s0  }
0xbd: {  	[sflag:s0] =	ssyncadd.remote.s32 $0x1  }
0xbe: {  	_ =	sfence.sel $0xFFFF  }
0xbf: {  	[dreg:$0x0] =	wrdreg $0xFFFFFFFF;
	(pc) =	sbr.abs _section_cstart, $3  }
0xc0: {  	[dreg:$0x1] =	wrdreg $0xFFFFFFFF  }
0xc1: {  	_ =	task.clear_ibuf [dreg:s6], $0x2FFFF;
	_ =	strace $0x9FFFFFFF  }
0xc2: {  	(tm) =	ssettm $0x7FFFFFFF  }
0xc3: {  	_ =	shalt  }
tec
execute0_lowered:
.L_overlay_start_1:
0x0: {  	(tag) =	ssettag $0x1  }
0x1: {  	s0 =	srdreg.scid;
	s5 =	rddreg [dreg:$0x0]  }
0x2: {  	s11 =	stileid.u32;
	s2 =	rddreg [dreg:$0x1];
	s3 =	simm.s32 $0x0  }
0x3: {  	s12 =	simm.s32 $0x6;
	s14 =	simm.s32 $0x50;
	s15 =	simm.s32 $0x4E20  }
0x4: {  	s16 =	simm.s32 $0x5820;
	s18 =	simm.s32 $0x6220;
	s20 =	simm.s32 $0x6C20  }
0x5: {  	s22 =	simm.s32 $0x7620;
	s23 =	simm.s32 $0x1;
	s24 =	simm.s32 $0x2  }
0x6: {  	s28 =	simm.s32 $0x5;
	s29 =	simm.s32 $0x4C90;
	s30 =	simm.s32 $0x4CE0  }
0x7: {  	s31 =	simm.s32 $0x4D30;
	s13 =	simm.s32 $0x0;
	s0 =	sand.u32 $0x1, s0  }
0x8: {  	s6 =	smul.u32 $0x5000, s11;
	[smem:$0x7FF] =	sst s3;
	s4 =	sadd.s32 $0x42C00, s5  }
0x9: {  	s25 =	sshll.u32 s11, $0x6;
	s1 =	sshll.u32 s0, $0x4;
	s7 =	smul.u32 $0x50000, s0  }
0xa: {  	_ =	strace $0x8000004D;
	s0 =	ssub.s32 $0x2, s0;
	s1 =	sor.u32 s11, s1  }
0xb: {  	s8 =	sshrl.u32 s6, $0x3;
	s9 =	sshrl.u32 s0, $0x1;
	s26 =	sadd.s32 s6, s2  }
0xc: {  	s1 =	smul.u32 $0x4E2, s1;
	s7 =	sadd.s32 s6, s7;
	s8 =	sadd.s32 s8, s5  }
0xd: {  	s0 =	ssub.s32 s0, s9;
	s6 =	sor.u32 $0x1C06, s25;
	s11 =	sshrl.u32 s26, $0x3  }
0xe: {  	s25 =	simm.s32 $0x3;
	s26 =	simm.s32 $0x4;
	s7 =	sshrl.u32 s7, $0x3  }
0xf: {  	s1 =	sadd.s32 s1, s5;
	s10 =	sadd.s32 s7, s5;
	s5 =	sadd.s32 $0x4CA00, s8  }
0x10: {  	s7 =	sadd.s32 $0x2E00, s1;
	s8 =	sadd.s32 $0xCC00, s1;
	s9 =	sadd.s32 $0x56A00, s10  }
0x11: {  	s10 =	smax.u32 s0, $0x1;
	s1 =	simm.s32 $0x4D80;
	s0 =	simm.s32 $0x4DD0  }
.LBB2_1:
0x12: {  	[spmem:s11], [sflag:s6] =	dma.local [hbm:s5], $0xA00  }
0x13: {  	_ =	swait.ge [sflag:s12], $0xA00  }
0x14: {  	[sflag:s12] =	ssyncset.done $0x0  }
0x15: {  	[sflag:s12] =	ssyncadd.s32 $0xFFFFF600  }
0x16: {  	[tilespmem:s3], [sflag:$0x6] =	stream.linear.gather [hbm4b:s7+s3], $0x2710, $0x38;
	[tilespmem:$0xD020] =	vst v63  }
0x17: {  	_ =	swait.ge [sflag:s12], $0x2710  }
0x18: {  	[sflag:s12] =	ssyncset.done $0x0  }
0x19: {  	s17 =	simm.s32 $0x2710;
	[sflag:s12] =	ssyncadd.s32 $0xFFFFD8F0  }
0x1a: {  	[tilespmem:s17], [sflag:$0x6] =	stream.linear.gather [hbm4b:s8+s3], $0x2710, $0x38;
	[tilespmem:$0xD020] =	vst v63  }
0x1b: {  	_ =	swait.ge [sflag:s12], $0x2710  }
0x1c: {  	[sflag:s12] =	ssyncset.done $0x0  }
0x1d: {  	[sflag:s12] =	ssyncadd.s32 $0xFFFFD8F0  }
0x1e: {  	[bflag:$0x0] =	sbarrier.arrive $0xFFFF  }
0x1f: {  	[tilespmem:s15], [sflag:$0x1] =	stream.indirect.gather [hbm4b:s4+s14], $0x20, s3, s14, $0xb8;
	[tilespmem:$0xD020] =	vst v63  }
0x20: {  	_ = 	snop  }
0x21: {  	[tilespmem:s16], [sflag:$0x2] =	stream.indirect.gather [hbm4b:s4+s14], $0x20, s14, s14, $0xb8;
	[tilespmem:$0xD020] =	vst v63  }
0x22: {  	s19 =	simm.s32 $0xA0  }
0x23: {  	[tilespmem:s18], [sflag:$0x3] =	stream.indirect.gather [hbm4b:s4+s14], $0x20, s19, s14, $0xb8;
	[tilespmem:$0xD020] =	vst v63  }
0x24: {  	s21 =	simm.s32 $0xF0  }
0x25: {  	[tilespmem:s20], [sflag:$0x4] =	stream.indirect.gather [hbm4b:s4+s14], $0x20, s21, s14, $0xb8;
	[tilespmem:$0xD020] =	vst v63  }
0x26: {  	s19 =	simm.s32 $0x140  }
0x27: {  	[tilespmem:s22], [sflag:$0x5] =	stream.indirect.gather [hbm4b:s4+s14], $0x20, s19, s14, $0xb8;
	[tilespmem:$0xD020] =	vst v63  }
0x28: {  	_ =	swait.ge [sflag:s23], $0xA00  }
0x29: {  	[sflag:s23] =	ssyncset.done $0x0  }
0x2a: {  	s21 =	simm.s32 $0x2710;
	[sflag:s23] =	ssyncadd.s32 $0xFFFFF600  }
0x2b: {  	[spmem:s2] =	stream.indirect.scatter.add.f32 [tilespmem:s15], [sflag:$0x6], $0x20, s21, s14, $0xb8;
	[tilespmem:$0xD020] =	vst v63  }
0x2c: {  	_ =	swait.ge [sflag:s12], $0xA00  }
0x2d: {  	[sflag:s12] =	ssyncset.done $0x0  }
0x2e: {  	s19 =	simm.s32 $0x190;
	[sflag:s12] =	ssyncadd.s32 $0xFFFFF600  }
0x2f: {  	[tilespmem:s15], [sflag:$0x1] =	stream.indirect.gather [hbm4b:s4+s14], $0x20, s19, s14, $0xb8;
	[tilespmem:$0xD020] =	vst v63  }
0x30: {  	_ =	swait.ge [sflag:s24], $0xA00  }
0x31: {  	[sflag:s24] =	ssyncset.done $0x0  }
0x32: {  	s21 =	simm.s32 $0x2760;
	[sflag:s24] =	ssyncadd.s32 $0xFFFFF600  }
0x33: {  	[spmem:s2] =	stream.indirect.scatter.add.f32 [tilespmem:s16], [sflag:$0x6], $0x20, s21, s14, $0xb8;
	[tilespmem:$0xD020] =	vst v63  }
0x34: {  	_ =	swait.ge [sflag:s12], $0xA00  }
0x35: {  	[sflag:s12] =	ssyncset.done $0x0  }
0x36: {  	s19 =	simm.s32 $0x1E0;
	[sflag:s12] =	ssyncadd.s32 $0xFFFFF600  }
0x37: {  	[tilespmem:s16], [sflag:$0x2] =	stream.indirect.gather [hbm4b:s4+s14], $0x20, s19, s14, $0xb8;
	[tilespmem:$0xD020] =	vst v63  }
0x38: {  	_ =	swait.ge [sflag:s25], $0xA00  }
0x39: {  	[sflag:s25] =	ssyncset.done $0x0  }
0x3a: {  	s21 =	simm.s32 $0x27B0;
	[sflag:s25] =	ssyncadd.s32 $0xFFFFF600  }
0x3b: {  	[spmem:s2] =	stream.indirect.scatter.add.f32 [tilespmem:s18], [sflag:$0x6], $0x20, s21, s14, $0xb8;
	[tilespmem:$0xD020] =	vst v63  }
0x3c: {  	_ =	swait.ge [sflag:s12], $0xA00  }
0x3d: {  	[sflag:s12] =	ssyncset.done $0x0  }
0x3e: {  	s19 =	simm.s32 $0x230;
	[sflag:s12] =	ssyncadd.s32 $0xFFFFF600  }
0x3f: {  	[tilespmem:s18], [sflag:$0x3] =	stream.indirect.gather [hbm4b:s4+s14], $0x20, s19, s14, $0xb8;
	[tilespmem:$0xD020] =	vst v63  }
0x40: {  	_ =	swait.ge [sflag:s26], $0xA00  }
0x41: {  	[sflag:s26] =	ssyncset.done $0x0  }
0x42: {  	s21 =	simm.s32 $0x2800;
	[sflag:s26] =	ssyncadd.s32 $0xFFFFF600  }
0x43: {  	[spmem:s2] =	stream.indirect.scatter.add.f32 [tilespmem:s20], [sflag:$0x6], $0x20, s21, s14, $0xb8;
	[tilespmem:$0xD020] =	vst v63  }
0x44: {  	_ =	swait.ge [sflag:s12], $0xA00  }
0x45: {  	[sflag:s12] =	ssyncset.done $0x0  }
0x46: {  	s19 =	simm.s32 $0x280;
	[sflag:s12] =	ssyncadd.s32 $0xFFFFF600  }
0x47: {  	[tilespmem:s20], [sflag:$0x4] =	stream.indirect.gather [hbm4b:s4+s14], $0x20, s19, s14, $0xb8;
	[tilespmem:$0xD020] =	vst v63  }
0x48: {  	_ =	swait.ge [sflag:s28], $0xA00  }
0x49: {  	[sflag:s28] =	ssyncset.done $0x0  }
0x4a: {  	s21 =	simm.s32 $0x2850;
	[sflag:s28] =	ssyncadd.s32 $0xFFFFF600  }
0x4b: {  	[spmem:s2] =	stream.indirect.scatter.add.f32 [tilespmem:s22], [sflag:$0x6], $0x20, s21, s14, $0xb8;
	[tilespmem:$0xD020] =	vst v63  }
0x4c: {  	_ =	swait.ge [sflag:s12], $0xA00  }
0x4d: {  	[sflag:s12] =	ssyncset.done $0x0  }
0x4e: {  	s17 =	simm.s32 $0x640;
	s19 =	simm.s32 $0x2D0;
	[sflag:s12] =	ssyncadd.s32 $0xFFFFF600  }
.LBB2_2:
0x4f: {  	[tilespmem:s22], [sflag:$0x5] =	stream.indirect.gather [hbm4b:s4+s14], $0x20, s19, s14, $0xb8;
	[tilespmem:$0xD020] =	vst v63  }
0x50: {  	s19 =	smov.u32 s17  }
0x51: {  	p0 =	sne.s32 s17, $0x8FC0;
	s17 =	sadd.s32 $0x640, s17;
	_ =	swait.ge [sflag:s23], $0xA00  }
0x52: {  	s19 =	sshra.s32 s19, $0x2;
	[sflag:s23] =	ssyncset.done $0x0  }
0x53: {  	s21 =	sadd.s32 $0x2710, s19;
	[sflag:s23] =	ssyncadd.s32 $0xFFFFF600  }
0x54: {  	[spmem:s2] =	stream.indirect.scatter.add.f32 [tilespmem:s15], [sflag:$0x6], $0x20, s21, s14, $0xb8;
	[tilespmem:$0xD020] =	vst v63  }
0x55: {  	_ =	swait.ge [sflag:s12], $0xA00  }
0x56: {  	[sflag:s12] =	ssyncset.done $0x0  }
0x57: {  	s21 =	sadd.s32 $0x190, s19;
	[sflag:s12] =	ssyncadd.s32 $0xFFFFF600  }
0x58: {  	[tilespmem:s15], [sflag:$0x1] =	stream.indirect.gather [hbm4b:s4+s14], $0x20, s21, s14, $0xb8;
	[tilespmem:$0xD020] =	vst v63  }
0x59: {  	_ =	swait.ge [sflag:s24], $0xA00  }
0x5a: {  	[sflag:s24] =	ssyncset.done $0x0  }
0x5b: {  	s21 =	sadd.s32 $0x2760, s19;
	[sflag:s24] =	ssyncadd.s32 $0xFFFFF600  }
0x5c: {  	[spmem:s2] =	stream.indirect.scatter.add.f32 [tilespmem:s16], [sflag:$0x6], $0x20, s21, s14, $0xb8;
	[tilespmem:$0xD020] =	vst v63  }
0x5d: {  	_ =	swait.ge [sflag:s12], $0xA00  }
0x5e: {  	[sflag:s12] =	ssyncset.done $0x0  }
0x5f: {  	s21 =	sadd.s32 $0x1E0, s19;
	[sflag:s12] =	ssyncadd.s32 $0xFFFFF600  }
0x60: {  	[tilespmem:s16], [sflag:$0x2] =	stream.indirect.gather [hbm4b:s4+s14], $0x20, s21, s14, $0xb8;
	[tilespmem:$0xD020] =	vst v63  }
0x61: {  	_ =	swait.ge [sflag:s25], $0xA00  }
0x62: {  	[sflag:s25] =	ssyncset.done $0x0  }
0x63: {  	s21 =	sadd.s32 $0x27B0, s19;
	[sflag:s25] =	ssyncadd.s32 $0xFFFFF600  }
0x64: {  	[spmem:s2] =	stream.indirect.scatter.add.f32 [tilespmem:s18], [sflag:$0x6], $0x20, s21, s14, $0xb8;
	[tilespmem:$0xD020] =	vst v63  }
0x65: {  	_ =	swait.ge [sflag:s12], $0xA00  }
0x66: {  	[sflag:s12] =	ssyncset.done $0x0  }
0x67: {  	s21 =	sadd.s32 $0x230, s19;
	[sflag:s12] =	ssyncadd.s32 $0xFFFFF600  }
0x68: {  	[tilespmem:s18], [sflag:$0x3] =	stream.indirect.gather [hbm4b:s4+s14], $0x20, s21, s14, $0xb8;
	[tilespmem:$0xD020] =	vst v63  }
0x69: {  	_ =	swait.ge [sflag:s26], $0xA00  }
0x6a: {  	[sflag:s26] =	ssyncset.done $0x0  }
0x6b: {  	s21 =	sadd.s32 $0x2800, s19;
	[sflag:s26] =	ssyncadd.s32 $0xFFFFF600  }
0x6c: {  	[spmem:s2] =	stream.indirect.scatter.add.f32 [tilespmem:s20], [sflag:$0x6], $0x20, s21, s14, $0xb8;
	[tilespmem:$0xD020] =	vst v63  }
0x6d: {  	_ =	swait.ge [sflag:s12], $0xA00  }
0x6e: {  	[sflag:s12] =	ssyncset.done $0x0  }
0x6f: {  	s21 =	sadd.s32 $0x280, s19;
	[sflag:s12] =	ssyncadd.s32 $0xFFFFF600  }
0x70: {  	[tilespmem:s20], [sflag:$0x4] =	stream.indirect.gather [hbm4b:s4+s14], $0x20, s21, s14, $0xb8;
	[tilespmem:$0xD020] =	vst v63  }
0x71: {  	_ =	swait.ge [sflag:s28], $0xA00  }
0x72: {  	[sflag:s28] =	ssyncset.done $0x0  }
.Ltmp0:
0x73: {  	s21 =	sadd.s32 $0x2850, s19;
	[sflag:s28] =	ssyncadd.s32 $0xFFFFF600;
	(pc) =	sbr.rel @p0 .LBB2_2-.Ltmp0, $4  }
0x74: {  	[spmem:s2] =	stream.indirect.scatter.add.f32 [tilespmem:s22], [sflag:$0x6], $0x20, s21, s14, $0xb8;
	[tilespmem:$0xD020] =	vst v63  }
0x75: {  	_ =	swait.ge [sflag:s12], $0xA00  }
0x76: {  	[sflag:s12] =	ssyncset.done $0x0  }
0x77: {  	s19 =	sadd.s32 $0x2D0, s19;
	[sflag:s12] =	ssyncadd.s32 $0xFFFFF600  }
0x78: {  	[tilespmem:s22], [sflag:$0x5] =	stream.indirect.gather [hbm4b:s4+s14], $0x20, s19, s14, $0xb8;
	[tilespmem:$0xD020] =	vst v63  }
0x79: {  	_ =	swait.ge [sflag:s23], $0xA00  }
0x7a: {  	[sflag:s23] =	ssyncset.done $0x0  }
0x7b: {  	[sflag:s23] =	ssyncadd.s32 $0xFFFFF600  }
0x7c: {  	[spmem:s2] =	stream.indirect.scatter.add.f32 [tilespmem:s15], [sflag:$0x6], $0x20, s29, s14, $0xb8;
	[tilespmem:$0xD020] =	vst v63  }
0x7d: {  	_ =	swait.ge [sflag:s12], $0xA00  }
0x7e: {  	[sflag:s12] =	ssyncset.done $0x0  }
0x7f: {  	[sflag:s12] =	ssyncadd.s32 $0xFFFFF600  }
0x80: {  	_ =	swait.ge [sflag:s24], $0xA00  }
0x81: {  	[sflag:s24] =	ssyncset.done $0x0  }
0x82: {  	[sflag:s24] =	ssyncadd.s32 $0xFFFFF600  }
0x83: {  	[spmem:s2] =	stream.indirect.scatter.add.f32 [tilespmem:s16], [sflag:$0x6], $0x20, s30, s14, $0xb8;
	[tilespmem:$0xD020] =	vst v63  }
0x84: {  	_ =	swait.ge [sflag:s12], $0xA00  }
0x85: {  	[sflag:s12] =	ssyncset.done $0x0  }
0x86: {  	[sflag:s12] =	ssyncadd.s32 $0xFFFFF600  }
0x87: {  	_ =	swait.ge [sflag:s25], $0xA00  }
0x88: {  	[sflag:s25] =	ssyncset.done $0x0  }
0x89: {  	[sflag:s25] =	ssyncadd.s32 $0xFFFFF600  }
0x8a: {  	[spmem:s2] =	stream.indirect.scatter.add.f32 [tilespmem:s18], [sflag:$0x6], $0x20, s31, s14, $0xb8;
	[tilespmem:$0xD020] =	vst v63  }
0x8b: {  	_ =	swait.ge [sflag:s12], $0xA00  }
0x8c: {  	[sflag:s12] =	ssyncset.done $0x0  }
0x8d: {  	[sflag:s12] =	ssyncadd.s32 $0xFFFFF600  }
0x8e: {  	_ =	swait.ge [sflag:s26], $0xA00  }
0x8f: {  	[sflag:s26] =	ssyncset.done $0x0  }
0x90: {  	[sflag:s26] =	ssyncadd.s32 $0xFFFFF600  }
0x91: {  	[spmem:s2] =	stream.indirect.scatter.add.f32 [tilespmem:s20], [sflag:$0x6], $0x20, s1, s14, $0xb8;
	[tilespmem:$0xD020] =	vst v63  }
0x92: {  	_ =	swait.ge [sflag:s12], $0xA00  }
0x93: {  	[sflag:s12] =	ssyncset.done $0x0  }
0x94: {  	[sflag:s12] =	ssyncadd.s32 $0xFFFFF600  }
0x95: {  	_ =	swait.ge [sflag:s28], $0xA00  }
0x96: {  	[sflag:s28] =	ssyncset.done $0x0  }
0x97: {  	[sflag:s28] =	ssyncadd.s32 $0xFFFFF600  }
0x98: {  	[spmem:s2] =	stream.indirect.scatter.add.f32 [tilespmem:s22], [sflag:$0x6], $0x20, s0, s14, $0xb8;
	[tilespmem:$0xD020] =	vst v63  }
0x99: {  	_ =	swait.ge [sflag:s12], $0xA00  }
0x9a: {  	s13 =	sadd.s32 $0x1, s13;
	[sflag:s12] =	ssyncset.done $0x0  }
0x9b: {  	p0 =	sne.s32 s13, s10;
	[sflag:s12] =	ssyncadd.s32 $0xFFFFF600  }
.Ltmp1:
0x9c: {  	[bflag:$0x0] =	sbarrier.arrive $0xFFFF;
	(pc) =	sbr.rel @p0 .LBB2_1-.Ltmp1, $4  }
0x9d: {  	[hbm:s9], [sflag:s6] =	dma.local [spmem:s11], $0xA00  }
0x9e: {  	_ =	swait.ge [sflag:s12], $0xA00  }
0x9f: {  	[sflag:s12] =	ssyncset.done $0x0  }
0xa0: {  	[sflag:s12] =	ssyncadd.s32 $0xFFFFF600  }
0xa1: {  	_ =	sfence.sel $0x180000  }
0xa2: {  	[bflag:$0x0] =	sbarrier.arrive $0xFFFF  }
0xa3: {  	_ =	strace $0x9000004D  }
0xa4: {  	s0 =	stileid.u32;
	[bflag:$0x2] =	sbarrier.arrive $0xFFFF  }
0xa5: {  	p0 =	sne.s32 s0, $0x0;
	s0 =	rddreg [dreg:$0x2]  }
0xa6: {  	s0 =	sadd.s32 @!p0 $0x100000, s0  }
0xa7: {  	[sflag:s0] =	ssyncadd.tile.s32 @!p0 $0x1;
	_ =	shalt  }
.Lfunc_end2:
_tile_overlayer_lowered:
.L_overlay_start_2:
0xa8: {  	(tag) =	ssettag $0x2  }
0xa9: {  	s0 =	rddreg [dreg:$0x0];
	s2 =	stileid.u32  }
0xaa: {  	s1 =	rddreg [dreg:$0x1];
	p0 =	sne.s32 s2, $0x0  }
0xab: {  	s3 =	rddreg [dreg:$0x2];
	[bflag:$0x3] =	sbarrier.arrive $0xFFFF;
	s2 =	simm.s32 @!p0 $0x1C06  }
0xac: {  	[timem:s3], [sflag:s2] =	dma.local @!p0 [hbm:s0], s1  }
0xad: {  	s0 =	simm.s32 @!p0 $0x6  }
0xae: {  	_ =	swait.ge @!p0 [sflag:s0], s1  }
0xaf: {  	s1 =	ssub.s32 @!p0 $0x0, s1;
	[sflag:s0] =	ssyncset.done @!p0 $0x0  }
0xb0: {  	[sflag:s0] =	ssyncadd.s32 @!p0 s1  }
0xb1: {  	[bflag:$0x3] =	sbarrier.arrive $0xFFFF  }
0xb2: {  	_ =	shalt  }

// kernel: kernel.19.cloned.1.call-start
scs
__scs_entry_jumppad:
0x0: {  	(pc) =	sbr.rel $0x88, $3  }
0x1: {  	(tag) =	ssettag $0x0;
	lr =	simm.s32 $0x1  }
0x2: {  	[smem:$0x3F93] =	sst lr;
	_ =	strace $0xD0000000  }
0x3: {  	_ = 	snop  }
0x4: {  	_ = 	snop  }
0x5: {  	_ = 	snop  }
0x6: {  	_ = 	snop  }
0x7: {  	_ = 	snop  }
__scs_overlays_trampoline_lowered:
0x8: {  	[smem:$0x3FA2] =	sst s0  }
0x9: {  	[smem:$0x3FA3] =	sst s1  }
0xa: {  	[smem:$0x3FA4] =	sst s2  }
0xb: {  	[smem:$0x3FA5] =	sst s3  }
0xc: {  	[smem:$0x3FA6] =	sst s4  }
0xd: {  	[smem:$0x3FA7] =	sst s5  }
0xe: {  	[smem:$0x3FA8] =	sst s6  }
0xf: {  	[smem:$0x3FA9] =	sst s7  }
0x10: {  	[smem:$0x3FAA] =	sst s8  }
0x11: {  	[smem:$0x3FAB] =	sst s9;
	s0 =	simm.s32 @!p0 $0x0  }
0x12: {  	s1 =	sld [smem:$0x3F91];
	s0 =	simm.s32 @p0 $0x1  }
0x13: {  	[smem:$0x3FAC] =	sst s0;
	s0 =	simm.s32 @!p1 $0x0  }
0x14: {  	s2 =	sld [smem:$0x3F90];
	s0 =	simm.s32 @p1 $0x1  }
0x15: {  	[smem:$0x3FAD] =	sst s0;
	s0 =	simm.s32 @!p2 $0x0  }
0x16: {  	s3 =	sld [smem:$0x3FDB];
	s0 =	simm.s32 @p2 $0x1  }
0x17: {  	s4 =	simm.s32 $0x1BF5;
	[smem:$0x3FAF] =	sst s0  }
0x18: {  	s0 =	sld [smem:$0x3F92];
	_ =	swait.ge [sflag:s4], $0x0  }
0x19: {  	s7 =	sld [smem:$0x3F93]  }
0x1a: {  	s8 =	sadd.s32 $0xFFFFE003, lr  }
0x1b: {  	s9 =	sadd.s32 $0xFFFFFEF7, lr;
	s5 =	simm.s32 $0xFFFFFFFF;
	p2 =	slt.u32 s8, $0xFFFFF086  }
0x1c: {  	p1 =	slt.u32 s9, $0xF7A;
	s5 =	simm.s32 @!p2 $0x0  }
0x1d: {  	s5 =	simm.s32 @p1 $0x1;
	p0 =	seq.s32 s7, s2  }
0x1e: {  	s7 =	smul.u32 @!p0 $0xF7A, s2;
	p2 =	seq.s32 @!p0 s5, $0x0  }
0x1f: {  	s9 =	smul.u32 $0xF7A, s1;
	s8 =	simm.s32 @!p0 $0x1BF5;
	p2 =	por !p2, p0  }
0x20: {  	[sflag:s8] =	ssyncset.s32 @!p0 $0xFFFFF086;
	s6 =	sadd.s32 @!p0 s3, s7;
	s7 =	simm.s32 @!p0 $0x108  }
0x21: {  	s3 =	sadd.s32 s3, s9;
	s6 =	sadd.s32 @!p0 $0x88, s6;
	s7 =	simm.s32 @p2 $0x1082  }
0x22: {  	[simem:s7], [sflag:s8] =	dma.local @!p0 [hbm:s6], $0xF7A  }
0x23: {  	s9 =	sor.u32 $0xD0000000, s2;
	s6 =	simm.s32 $0x108;
	_ =	swait.ge @!p0 [sflag:s8], $0x0  }
0x24: {  	s3 =	sadd.s32 $0x88, s3;
	s6 =	simm.s32 @!p1 $0x1082;
	[sflag:s4] =	ssyncset.s32 $0xFFFFF086  }
0x25: {  	[simem:s6], [sflag:s4] =	dma.local [hbm:s3], $0xF7A  }
0x26: {  	[smem:$0x3F93] =	sst s1;
	(tag) =	ssettag s2;
	_ =	strace s9  }
0x27: {  	s1 =	sld [smem:$0x3FA3]  }
0x28: {  	s2 =	sld [smem:$0x3FA4]  }
0x29: {  	s4 =	sld [smem:$0x3FA6]  }
0x2a: {  	p0 =	seq.s32 s5, $0x0;
	s5 =	sld [smem:$0x3FA7]  }
0x2b: {  	s6 =	sld [smem:$0x3FA8]  }
0x2c: {  	s7 =	sld [smem:$0x3FA9]  }
0x2d: {  	s3 =	simm.s32 $0x108;
	s8 =	sld [smem:$0x3FAA]  }
0x2e: {  	s3 =	simm.s32 @!p0 $0x1082;
	s9 =	sld [smem:$0x3FAB]  }
0x2f: {  	lr =	sadd.s32 s0, s3;
	s0 =	sld [smem:$0x3FA2]  }
0x30: {  	s3 =	sld [smem:$0x3FA5]  }
0x31: {  	[smem:$0x3FAE] =	sst s10  }
0x32: {  	s10 =	sld [smem:$0x3FAC];
	_ =	sdelay $0x3  }
0x33: {  	p0 =	seq.s32 s10, $0x1;
	s10 =	sld [smem:$0x3FAE];
	_ =	sdelay $0x3  }
0x34: {  	[smem:$0x3FAE] =	sst s10  }
0x35: {  	s10 =	sld [smem:$0x3FAD];
	_ =	sdelay $0x3  }
0x36: {  	p1 =	seq.s32 s10, $0x1;
	s10 =	sld [smem:$0x3FAE];
	_ =	sdelay $0x3  }
0x37: {  	[smem:$0x3FAE] =	sst s10  }
0x38: {  	s10 =	sld [smem:$0x3FAF]  }
0x39: {  	_ = 	snop;
	(pc) =	sbr.ind lr, $3  }
0x3a: {  	_ = 	snop  }
0x3b: {  	_ = 	snop  }
0x3c: {  	p2 =	seq.s32 s10, $0x1;
	s10 =	sld [smem:$0x3FAE]  }
0x3d: {  	_ =	shalt  }
0x3e: {  	_ =	shalt  }
0x3f: {  	_ =	shalt  }
0x40: {  	_ =	shalt  }
0x41: {  	_ =	shalt  }
0x42: {  	_ =	shalt  }
0x43: {  	_ =	shalt  }
0x44: {  	_ =	shalt  }
0x45: {  	_ =	shalt  }
0x46: {  	_ =	shalt  }
0x47: {  	_ =	shalt  }
0x48: {  	_ =	shalt  }
0x49: {  	_ =	shalt  }
0x4a: {  	_ =	shalt  }
0x4b: {  	_ =	shalt  }
0x4c: {  	_ =	shalt  }
0x4d: {  	_ =	shalt  }
0x4e: {  	_ =	shalt  }
0x4f: {  	_ =	shalt  }
0x50: {  	_ =	shalt  }
0x51: {  	_ =	shalt  }
0x52: {  	_ =	shalt  }
0x53: {  	_ =	shalt  }
0x54: {  	_ =	shalt  }
0x55: {  	_ =	shalt  }
0x56: {  	_ =	shalt  }
0x57: {  	_ =	shalt  }
0x58: {  	_ =	shalt  }
0x59: {  	_ =	shalt  }
0x5a: {  	_ =	shalt  }
0x5b: {  	_ =	shalt  }
0x5c: {  	_ =	shalt  }
0x5d: {  	_ =	shalt  }
0x5e: {  	_ =	shalt  }
0x5f: {  	_ =	shalt  }
0x60: {  	_ =	shalt  }
0x61: {  	_ =	shalt  }
0x62: {  	_ =	shalt  }
0x63: {  	_ =	shalt  }
0x64: {  	_ =	shalt  }
0x65: {  	_ =	shalt  }
0x66: {  	_ =	shalt  }
0x67: {  	_ =	shalt  }
0x68: {  	_ =	shalt  }
0x69: {  	_ =	shalt  }
0x6a: {  	_ =	shalt  }
0x6b: {  	_ =	shalt  }
0x6c: {  	_ =	shalt  }
0x6d: {  	_ =	shalt  }
0x6e: {  	_ =	shalt  }
0x6f: {  	_ =	shalt  }
0x70: {  	_ =	shalt  }
0x71: {  	_ =	shalt  }
0x72: {  	_ =	shalt  }
0x73: {  	_ =	shalt  }
0x74: {  	_ =	shalt  }
0x75: {  	_ =	shalt  }
0x76: {  	_ =	shalt  }
0x77: {  	_ =	shalt  }
0x78: {  	_ =	shalt  }
0x79: {  	_ =	shalt  }
0x7a: {  	_ =	shalt  }
0x7b: {  	_ =	shalt  }
0x7c: {  	_ =	shalt  }
0x7d: {  	_ =	shalt  }
0x7e: {  	_ =	shalt  }
0x7f: {  	_ =	shalt  }
0x80: {  	_ =	shalt  }
0x81: {  	_ =	shalt  }
0x82: {  	_ =	shalt  }
0x83: {  	_ =	shalt  }
0x84: {  	_ =	shalt  }
0x85: {  	_ =	shalt  }
0x86: {  	_ =	shalt  }
0x87: {  	_ =	shalt  }
.Lfunc_end0:
.L_simem_size_0:
called_computation.3_lowered:
.L_overlay_start_0:
0x88: {  	s2 =	sld [smem:$0x3FD9]  }
0x89: {  	s3 =	sld [smem:$0x3FFE];
	_ =	sdelay $0x1  }
0x8a: {  	s1 =	srdreg.scid  }
0x8b: {  	s0 =	sand.u32 $0x1, s1  }
0x8c: {  	s17 =	sshll.u32 s0, $0xA;
	s2 =	sadd.s32 s3, s2  }
0x8d: {  	s2 =	sadd.s32 s2, s17  }
0x8e: {  	[smem:$0x3FBA] =	sst s2  }
0x8f: {  	_ = 	snop  }
0x90: {  	s2 =	sld [smem:$0x3FD0];
	(tm) =	ssettm $0x1  }
0x91: {  	s18 =	sld [smem:$0x3FFB];
	_ =	sdelay $0x3  }
0x92: {  	_ =	strace s18  }
0x93: {  	s3 =	sld [smem:$0x3FFC];
	_ =	sdelay $0x3  }
0x94: {  	_ =	strace s3  }
0x95: {  	s3 =	sld [smem:$0x3FFD];
	_ =	sdelay $0x3  }
0x96: {  	_ =	strace s3  }
0x97: {  	_ =	strace $0x8FFFFFFF  }
0x98: {  	s19 =	sld [smem:$0x3FDB];
	_ =	sdelay $0x1  }
0x99: {  	s4 =	simm.s32 $_scs_section_size  }
0x9a: {  	s5 =	simm.s32 $_size__tile_overlayer_lowered;
	s6 =	simm.s32 $_tile_overlayer_lowered  }
0x9b: {  	s22 =	simm.s32 $0x1BFF;
	s21 =	sshll.u32 s6, $0x1;
	s3 =	sadd.s32 s4, s19  }
0x9c: {  	s7 =	simm.s32 $0x0;
	s20 =	sshll.u32 s5, $0x1;
	s5 =	sadd.s32 s21, s3  }
0x9d: {  	[timem:s7], [sflag:s22] =	dma.local [hbm:s5], s20  }
0x9e: {  	_ =	swait.ge [sflag:s22], s20  }
0x9f: {  	s4 =	ssub.s32 $0x0, s20;
	[sflag:s22] =	ssyncset.done $0x0  }
0xa0: {  	[sflag:s22] =	ssyncadd.s32 s4;
	_ =	sdelay $0x1  }
0xa1: {  	s23 =	simm.s32 $0x1B8B  }
0xa2: {  	_ =	swait.ge [sflag:s23], $0x1  }
0xa3: {  	[sflag:s23] =	ssyncset.done $0x0  }
0xa4: {  	s25 =	simm.s32 $0x1B8E;
	s24 =	sld [smem:$0x3FFE];
	[sflag:s23] =	ssyncadd.s32 $0xFFFFFFFF  }
0xa5: {  	s26 =	simm.s32 $execute0_lowered;
	[smem:$0x3FD2] =	sst s25  }
0xa6: {  	s5 =	sshll.u32 s26, $0x1;
	_ =	strace $0x8000004F;
	[dreg:$0x1] =	wrdreg $0xFFFFFFFF  }
0xa7: {  	s28 =	simm.s32 $_size_execute0_lowered;
	s3 =	sadd.s32 s3, s5;
	[dreg:$0x0] =	wrdreg $0x0  }
0xa8: {  	s5 =	sshll.u32 s28, $0x1;
	[dreg:$0x2] =	wrdreg s3  }
0xa9: {  	[dreg:$0x3] =	wrdreg s5  }
0xaa: {  	[dreg:$0x4] =	wrdreg $0xC0  }
0xab: {  	_ =	task [dreg:s7], $0x5FFFF  }
0xac: {  	[dreg:$0x1] =	wrdreg $0xFFFFFFFF  }
0xad: {  	[dreg:$0x0] =	wrdreg $0x60  }
0xae: {  	[dreg:$0x2] =	wrdreg s2  }
0xaf: {  	[dreg:$0x3] =	wrdreg s24  }
0xb0: {  	[dreg:$0x4] =	wrdreg $0x67200  }
0xb1: {  	[dreg:$0x5] =	wrdreg $0x9  }
0xb2: {  	_ =	task.clear_ibuf [dreg:s7], $0x6FFFF;
	_ =	strace $0x9000004F  }
0xb3: {  	s29 =	simm.s32 $0x9;
	_ =	strace $0x80000051  }
0xb4: {  	_ =	swait.ge [sflag:s29], $0x1  }
0xb5: {  	[sflag:s29] =	ssyncadd.s32 $0xFFFFFFFF  }
0xb6: {  	_ =	strace $0x90000051  }
0xb7: {  	_ =	sfence  }
0xb8: {  	s30 =	sld [smem:$0x0];
	_ =	sdelay $0x2  }
0xb9: {  	s31 =	sshll.u32 s1, $0xD;
	s1 =	sshrl.u32 s1, $0x2  }
0xba: {  	s3 =	sand.u32 $0x4000, s31;
	s1 =	sadd.s32 s1, s30  }
0xbb: {  	s0 =	sor.u32 s3, s0;
	s1 =	sshll.u32 s1, $0x11  }
0xbc: {  	s0 =	sor.u32 s1, s0  }
0xbd: {  	s0 =	sadd.s32 $0x8F2B, s0  }
0xbe: {  	[sflag:s0] =	ssyncadd.remote.s32 $0x1  }
0xbf: {  	_ =	sfence.sel $0xFFFF  }
0xc0: {  	[dreg:$0x0] =	wrdreg $0xFFFFFFFF;
	(pc) =	sbr.abs _section_cstart, $3  }
0xc1: {  	[dreg:$0x1] =	wrdreg $0xFFFFFFFF  }
0xc2: {  	_ =	task.clear_ibuf [dreg:s7], $0x2FFFF;
	_ =	strace $0x9FFFFFFF  }
0xc3: {  	(tm) =	ssettm $0x7FFFFFFF  }
tec
execute0_lowered:
.L_overlay_start_1:
0x0: {  	(tag) =	ssettag $0x1  }
0x1: {  	s1 =	rddreg [dreg:$0x0]  }
0x2: {  	s0 =	srdreg.scid;
	s5 =	rddreg [dreg:$0x1]  }
0x3: {  	s11 =	stileid.u32;
	s3 =	rddreg [dreg:$0x2]  }
0x4: {  	s4 =	simm.s32 $0x0;
	s12 =	simm.s32 $0x6;
	s14 =	simm.s32 $0x50  }
0x5: {  	s15 =	simm.s32 $0x4E20;
	s16 =	simm.s32 $0x5320;
	s18 =	simm.s32 $0x5820  }
0x6: {  	s20 =	simm.s32 $0x5D20;
	s22 =	simm.s32 $0x6220;
	s23 =	simm.s32 $0x1  }
0x7: {  	s24 =	simm.s32 $0x2;
	s28 =	simm.s32 $0x5;
	s29 =	simm.s32 $0x4C90  }
0x8: {  	s30 =	simm.s32 $0x4CE0;
	s31 =	simm.s32 $0x4D30;
	s13 =	simm.s32 $0x0  }
0x9: {  	s0 =	sand.u32 $0x1, s0;
	s6 =	smul.u32 $0x2800, s11;
	[smem:$0x7FF] =	sst s4  }
0xa: {  	s25 =	sshll.u32 s11, $0x6;
	s2 =	sshll.u32 s0, $0x4;
	s7 =	smul.u32 $0x28000, s0  }
0xb: {  	_ =	strace $0x80000050;
	s0 =	ssub.s32 $0x2, s0;
	s2 =	sor.u32 s11, s2  }
0xc: {  	s8 =	sshrl.u32 s6, $0x3;
	s9 =	sshrl.u32 s0, $0x1;
	s26 =	sadd.s32 s6, s3  }
0xd: {  	s2 =	smul.u32 $0x4E2, s2;
	s7 =	sadd.s32 s6, s7;
	s8 =	sadd.s32 s8, s5  }
0xe: {  	s0 =	ssub.s32 s0, s9;
	s6 =	sor.u32 $0x1C06, s25;
	s11 =	sshrl.u32 s26, $0x3  }
0xf: {  	s25 =	simm.s32 $0x3;
	s26 =	simm.s32 $0x4;
	s7 =	sshrl.u32 s7, $0x3  }
0x10: {  	s2 =	sadd.s32 s2, s5;
	s10 =	sadd.s32 s7, s5;
	s5 =	sadd.s32 $0x16A00, s8  }
0x11: {  	s7 =	sadd.s32 $0x2E00, s2;
	s8 =	sadd.s32 $0xCC00, s2;
	s9 =	sadd.s32 $0x42C00, s10  }
0x12: {  	s10 =	smax.u32 s0, $0x1;
	s2 =	simm.s32 $0x4D80;
	s0 =	simm.s32 $0x4DD0  }
.LBB2_1:
0x13: {  	[spmem:s11], [sflag:s6] =	dma.local [hbm:s5], $0x500  }
0x14: {  	_ =	swait.ge [sflag:s12], $0x500  }
0x15: {  	[sflag:s12] =	ssyncset.done $0x0  }
0x16: {  	[sflag:s12] =	ssyncadd.s32 $0xFFFFFB00  }
0x17: {  	[tilespmem:s4], [sflag:$0x6] =	stream.linear.gather [hbm4b:s7+s4], $0x2710, $0x38;
	[tilespmem:$0x8F20] =	vst v63  }
0x18: {  	_ =	swait.ge [sflag:s12], $0x2710  }
0x19: {  	[sflag:s12] =	ssyncset.done $0x0  }
0x1a: {  	s17 =	simm.s32 $0x2710;
	[sflag:s12] =	ssyncadd.s32 $0xFFFFD8F0  }
0x1b: {  	[tilespmem:s17], [sflag:$0x6] =	stream.linear.gather [hbm4b:s8+s4], $0x2710, $0x38;
	[tilespmem:$0x8F20] =	vst v63  }
0x1c: {  	_ =	swait.ge [sflag:s12], $0x2710  }
0x1d: {  	[sflag:s12] =	ssyncset.done $0x0  }
0x1e: {  	[sflag:s12] =	ssyncadd.s32 $0xFFFFD8F0  }
0x1f: {  	[bflag:$0x0] =	sbarrier.arrive $0xFFFF  }
0x20: {  	[tilespmem:s15], [sflag:$0x1] =	stream.indirect.gather [hbm4b:s1+s14], $0x10, s4, s14, $0xb8;
	[tilespmem:$0x8F20] =	vst v63  }
0x21: {  	_ = 	snop  }
0x22: {  	[tilespmem:s16], [sflag:$0x2] =	stream.indirect.gather [hbm4b:s1+s14], $0x10, s14, s14, $0xb8;
	[tilespmem:$0x8F20] =	vst v63  }
0x23: {  	s19 =	simm.s32 $0xA0  }
0x24: {  	[tilespmem:s18], [sflag:$0x3] =	stream.indirect.gather [hbm4b:s1+s14], $0x10, s19, s14, $0xb8;
	[tilespmem:$0x8F20] =	vst v63  }
0x25: {  	s21 =	simm.s32 $0xF0  }
0x26: {  	[tilespmem:s20], [sflag:$0x4] =	stream.indirect.gather [hbm4b:s1+s14], $0x10, s21, s14, $0xb8;
	[tilespmem:$0x8F20] =	vst v63  }
0x27: {  	s19 =	simm.s32 $0x140  }
0x28: {  	[tilespmem:s22], [sflag:$0x5] =	stream.indirect.gather [hbm4b:s1+s14], $0x10, s19, s14, $0xb8;
	[tilespmem:$0x8F20] =	vst v63  }
0x29: {  	_ =	swait.ge [sflag:s23], $0x500  }
0x2a: {  	[sflag:s23] =	ssyncset.done $0x0  }
0x2b: {  	s21 =	simm.s32 $0x2710;
	[sflag:s23] =	ssyncadd.s32 $0xFFFFFB00  }
0x2c: {  	[spmem:s3] =	stream.indirect.scatter.add.f32 [tilespmem:s15], [sflag:$0x6], $0x10, s21, s14, $0xb8;
	[tilespmem:$0x8F20] =	vst v63  }
0x2d: {  	_ =	swait.ge [sflag:s12], $0x500  }
0x2e: {  	[sflag:s12] =	ssyncset.done $0x0  }
0x2f: {  	s19 =	simm.s32 $0x190;
	[sflag:s12] =	ssyncadd.s32 $0xFFFFFB00  }
0x30: {  	[tilespmem:s15], [sflag:$0x1] =	stream.indirect.gather [hbm4b:s1+s14], $0x10, s19, s14, $0xb8;
	[tilespmem:$0x8F20] =	vst v63  }
0x31: {  	_ =	swait.ge [sflag:s24], $0x500  }
0x32: {  	[sflag:s24] =	ssyncset.done $0x0  }
0x33: {  	s21 =	simm.s32 $0x2760;
	[sflag:s24] =	ssyncadd.s32 $0xFFFFFB00  }
0x34: {  	[spmem:s3] =	stream.indirect.scatter.add.f32 [tilespmem:s16], [sflag:$0x6], $0x10, s21, s14, $0xb8;
	[tilespmem:$0x8F20] =	vst v63  }
0x35: {  	_ =	swait.ge [sflag:s12], $0x500  }
0x36: {  	[sflag:s12] =	ssyncset.done $0x0  }
0x37: {  	s19 =	simm.s32 $0x1E0;
	[sflag:s12] =	ssyncadd.s32 $0xFFFFFB00  }
0x38: {  	[tilespmem:s16], [sflag:$0x2] =	stream.indirect.gather [hbm4b:s1+s14], $0x10, s19, s14, $0xb8;
	[tilespmem:$0x8F20] =	vst v63  }
0x39: {  	_ =	swait.ge [sflag:s25], $0x500  }
0x3a: {  	[sflag:s25] =	ssyncset.done $0x0  }
0x3b: {  	s21 =	simm.s32 $0x27B0;
	[sflag:s25] =	ssyncadd.s32 $0xFFFFFB00  }
0x3c: {  	[spmem:s3] =	stream.indirect.scatter.add.f32 [tilespmem:s18], [sflag:$0x6], $0x10, s21, s14, $0xb8;
	[tilespmem:$0x8F20] =	vst v63  }
0x3d: {  	_ =	swait.ge [sflag:s12], $0x500  }
0x3e: {  	[sflag:s12] =	ssyncset.done $0x0  }
0x3f: {  	s19 =	simm.s32 $0x230;
	[sflag:s12] =	ssyncadd.s32 $0xFFFFFB00  }
0x40: {  	[tilespmem:s18], [sflag:$0x3] =	stream.indirect.gather [hbm4b:s1+s14], $0x10, s19, s14, $0xb8;
	[tilespmem:$0x8F20] =	vst v63  }
0x41: {  	_ =	swait.ge [sflag:s26], $0x500  }
0x42: {  	[sflag:s26] =	ssyncset.done $0x0  }
0x43: {  	s21 =	simm.s32 $0x2800;
	[sflag:s26] =	ssyncadd.s32 $0xFFFFFB00  }
0x44: {  	[spmem:s3] =	stream.indirect.scatter.add.f32 [tilespmem:s20], [sflag:$0x6], $0x10, s21, s14, $0xb8;
	[tilespmem:$0x8F20] =	vst v63  }
0x45: {  	_ =	swait.ge [sflag:s12], $0x500  }
0x46: {  	[sflag:s12] =	ssyncset.done $0x0  }
0x47: {  	s19 =	simm.s32 $0x280;
	[sflag:s12] =	ssyncadd.s32 $0xFFFFFB00  }
0x48: {  	[tilespmem:s20], [sflag:$0x4] =	stream.indirect.gather [hbm4b:s1+s14], $0x10, s19, s14, $0xb8;
	[tilespmem:$0x8F20] =	vst v63  }
0x49: {  	_ =	swait.ge [sflag:s28], $0x500  }
0x4a: {  	[sflag:s28] =	ssyncset.done $0x0  }
0x4b: {  	s21 =	simm.s32 $0x2850;
	[sflag:s28] =	ssyncadd.s32 $0xFFFFFB00  }
0x4c: {  	[spmem:s3] =	stream.indirect.scatter.add.f32 [tilespmem:s22], [sflag:$0x6], $0x10, s21, s14, $0xb8;
	[tilespmem:$0x8F20] =	vst v63  }
0x4d: {  	_ =	swait.ge [sflag:s12], $0x500  }
0x4e: {  	[sflag:s12] =	ssyncset.done $0x0  }
0x4f: {  	s17 =	simm.s32 $0x640;
	s19 =	simm.s32 $0x2D0;
	[sflag:s12] =	ssyncadd.s32 $0xFFFFFB00  }
.LBB2_2:
0x50: {  	[tilespmem:s22], [sflag:$0x5] =	stream.indirect.gather [hbm4b:s1+s14], $0x10, s19, s14, $0xb8;
	[tilespmem:$0x8F20] =	vst v63  }
0x51: {  	s19 =	smov.u32 s17  }
0x52: {  	p0 =	sne.s32 s17, $0x8FC0;
	s17 =	sadd.s32 $0x640, s17;
	_ =	swait.ge [sflag:s23], $0x500  }
0x53: {  	s19 =	sshra.s32 s19, $0x2;
	[sflag:s23] =	ssyncset.done $0x0  }
0x54: {  	s21 =	sadd.s32 $0x2710, s19;
	[sflag:s23] =	ssyncadd.s32 $0xFFFFFB00  }
0x55: {  	[spmem:s3] =	stream.indirect.scatter.add.f32 [tilespmem:s15], [sflag:$0x6], $0x10, s21, s14, $0xb8;
	[tilespmem:$0x8F20] =	vst v63  }
0x56: {  	_ =	swait.ge [sflag:s12], $0x500  }
0x57: {  	[sflag:s12] =	ssyncset.done $0x0  }
0x58: {  	s21 =	sadd.s32 $0x190, s19;
	[sflag:s12] =	ssyncadd.s32 $0xFFFFFB00  }
0x59: {  	[tilespmem:s15], [sflag:$0x1] =	stream.indirect.gather [hbm4b:s1+s14], $0x10, s21, s14, $0xb8;
	[tilespmem:$0x8F20] =	vst v63  }
0x5a: {  	_ =	swait.ge [sflag:s24], $0x500  }
0x5b: {  	[sflag:s24] =	ssyncset.done $0x0  }
0x5c: {  	s21 =	sadd.s32 $0x2760, s19;
	[sflag:s24] =	ssyncadd.s32 $0xFFFFFB00  }
0x5d: {  	[spmem:s3] =	stream.indirect.scatter.add.f32 [tilespmem:s16], [sflag:$0x6], $0x10, s21, s14, $0xb8;
	[tilespmem:$0x8F20] =	vst v63  }
0x5e: {  	_ =	swait.ge [sflag:s12], $0x500  }
0x5f: {  	[sflag:s12] =	ssyncset.done $0x0  }
0x60: {  	s21 =	sadd.s32 $0x1E0, s19;
	[sflag:s12] =	ssyncadd.s32 $0xFFFFFB00  }
0x61: {  	[tilespmem:s16], [sflag:$0x2] =	stream.indirect.gather [hbm4b:s1+s14], $0x10, s21, s14, $0xb8;
	[tilespmem:$0x8F20] =	vst v63  }
0x62: {  	_ =	swait.ge [sflag:s25], $0x500  }
0x63: {  	[sflag:s25] =	ssyncset.done $0x0  }
0x64: {  	s21 =	sadd.s32 $0x27B0, s19;
	[sflag:s25] =	ssyncadd.s32 $0xFFFFFB00  }
0x65: {  	[spmem:s3] =	stream.indirect.scatter.add.f32 [tilespmem:s18], [sflag:$0x6], $0x10, s21, s14, $0xb8;
	[tilespmem:$0x8F20] =	vst v63  }
0x66: {  	_ =	swait.ge [sflag:s12], $0x500  }
0x67: {  	[sflag:s12] =	ssyncset.done $0x0  }
0x68: {  	s21 =	sadd.s32 $0x230, s19;
	[sflag:s12] =	ssyncadd.s32 $0xFFFFFB00  }
0x69: {  	[tilespmem:s18], [sflag:$0x3] =	stream.indirect.gather [hbm4b:s1+s14], $0x10, s21, s14, $0xb8;
	[tilespmem:$0x8F20] =	vst v63  }
0x6a: {  	_ =	swait.ge [sflag:s26], $0x500  }
0x6b: {  	[sflag:s26] =	ssyncset.done $0x0  }
0x6c: {  	s21 =	sadd.s32 $0x2800, s19;
	[sflag:s26] =	ssyncadd.s32 $0xFFFFFB00  }
0x6d: {  	[spmem:s3] =	stream.indirect.scatter.add.f32 [tilespmem:s20], [sflag:$0x6], $0x10, s21, s14, $0xb8;
	[tilespmem:$0x8F20] =	vst v63  }
0x6e: {  	_ =	swait.ge [sflag:s12], $0x500  }
0x6f: {  	[sflag:s12] =	ssyncset.done $0x0  }
0x70: {  	s21 =	sadd.s32 $0x280, s19;
	[sflag:s12] =	ssyncadd.s32 $0xFFFFFB00  }
0x71: {  	[tilespmem:s20], [sflag:$0x4] =	stream.indirect.gather [hbm4b:s1+s14], $0x10, s21, s14, $0xb8;
	[tilespmem:$0x8F20] =	vst v63  }
0x72: {  	_ =	swait.ge [sflag:s28], $0x500  }
0x73: {  	[sflag:s28] =	ssyncset.done $0x0  }
.Ltmp0:
0x74: {  	s21 =	sadd.s32 $0x2850, s19;
	[sflag:s28] =	ssyncadd.s32 $0xFFFFFB00;
	(pc) =	sbr.rel @p0 .LBB2_2-.Ltmp0, $4  }
0x75: {  	[spmem:s3] =	stream.indirect.scatter.add.f32 [tilespmem:s22], [sflag:$0x6], $0x10, s21, s14, $0xb8;
	[tilespmem:$0x8F20] =	vst v63  }
0x76: {  	_ =	swait.ge [sflag:s12], $0x500  }
0x77: {  	[sflag:s12] =	ssyncset.done $0x0  }
0x78: {  	s19 =	sadd.s32 $0x2D0, s19;
	[sflag:s12] =	ssyncadd.s32 $0xFFFFFB00  }
0x79: {  	[tilespmem:s22], [sflag:$0x5] =	stream.indirect.gather [hbm4b:s1+s14], $0x10, s19, s14, $0xb8;
	[tilespmem:$0x8F20] =	vst v63  }
0x7a: {  	_ =	swait.ge [sflag:s23], $0x500  }
0x7b: {  	[sflag:s23] =	ssyncset.done $0x0  }
0x7c: {  	[sflag:s23] =	ssyncadd.s32 $0xFFFFFB00  }
0x7d: {  	[spmem:s3] =	stream.indirect.scatter.add.f32 [tilespmem:s15], [sflag:$0x6], $0x10, s29, s14, $0xb8;
	[tilespmem:$0x8F20] =	vst v63  }
0x7e: {  	_ =	swait.ge [sflag:s12], $0x500  }
0x7f: {  	[sflag:s12] =	ssyncset.done $0x0  }
0x80: {  	[sflag:s12] =	ssyncadd.s32 $0xFFFFFB00  }
0x81: {  	_ =	swait.ge [sflag:s24], $0x500  }
0x82: {  	[sflag:s24] =	ssyncset.done $0x0  }
0x83: {  	[sflag:s24] =	ssyncadd.s32 $0xFFFFFB00  }
0x84: {  	[spmem:s3] =	stream.indirect.scatter.add.f32 [tilespmem:s16], [sflag:$0x6], $0x10, s30, s14, $0xb8;
	[tilespmem:$0x8F20] =	vst v63  }
0x85: {  	_ =	swait.ge [sflag:s12], $0x500  }
0x86: {  	[sflag:s12] =	ssyncset.done $0x0  }
0x87: {  	[sflag:s12] =	ssyncadd.s32 $0xFFFFFB00  }
0x88: {  	_ =	swait.ge [sflag:s25], $0x500  }
0x89: {  	[sflag:s25] =	ssyncset.done $0x0  }
0x8a: {  	[sflag:s25] =	ssyncadd.s32 $0xFFFFFB00  }
0x8b: {  	[spmem:s3] =	stream.indirect.scatter.add.f32 [tilespmem:s18], [sflag:$0x6], $0x10, s31, s14, $0xb8;
	[tilespmem:$0x8F20] =	vst v63  }
0x8c: {  	_ =	swait.ge [sflag:s12], $0x500  }
0x8d: {  	[sflag:s12] =	ssyncset.done $0x0  }
0x8e: {  	[sflag:s12] =	ssyncadd.s32 $0xFFFFFB00  }
0x8f: {  	_ =	swait.ge [sflag:s26], $0x500  }
0x90: {  	[sflag:s26] =	ssyncset.done $0x0  }
0x91: {  	[sflag:s26] =	ssyncadd.s32 $0xFFFFFB00  }
0x92: {  	[spmem:s3] =	stream.indirect.scatter.add.f32 [tilespmem:s20], [sflag:$0x6], $0x10, s2, s14, $0xb8;
	[tilespmem:$0x8F20] =	vst v63  }
0x93: {  	_ =	swait.ge [sflag:s12], $0x500  }
0x94: {  	[sflag:s12] =	ssyncset.done $0x0  }
0x95: {  	[sflag:s12] =	ssyncadd.s32 $0xFFFFFB00  }
0x96: {  	_ =	swait.ge [sflag:s28], $0x500  }
0x97: {  	[sflag:s28] =	ssyncset.done $0x0  }
0x98: {  	[sflag:s28] =	ssyncadd.s32 $0xFFFFFB00  }
0x99: {  	[spmem:s3] =	stream.indirect.scatter.add.f32 [tilespmem:s22], [sflag:$0x6], $0x10, s0, s14, $0xb8;
	[tilespmem:$0x8F20] =	vst v63  }
0x9a: {  	_ =	swait.ge [sflag:s12], $0x500  }
0x9b: {  	s13 =	sadd.s32 $0x1, s13;
	[sflag:s12] =	ssyncset.done $0x0  }
0x9c: {  	p0 =	sne.s32 s13, s10;
	[sflag:s12] =	ssyncadd.s32 $0xFFFFFB00  }
.Ltmp1:
0x9d: {  	[bflag:$0x0] =	sbarrier.arrive $0xFFFF;
	(pc) =	sbr.rel @p0 .LBB2_1-.Ltmp1, $4  }
0x9e: {  	[hbm:s9], [sflag:s6] =	dma.local [spmem:s11], $0x500  }
0x9f: {  	_ =	swait.ge [sflag:s12], $0x500  }
0xa0: {  	[sflag:s12] =	ssyncset.done $0x0  }
0xa1: {  	[sflag:s12] =	ssyncadd.s32 $0xFFFFFB00  }
0xa2: {  	_ =	sfence.sel $0x180000  }
0xa3: {  	[bflag:$0x0] =	sbarrier.arrive $0xFFFF  }
0xa4: {  	_ =	strace $0x90000050  }
0xa5: {  	s0 =	stileid.u32;
	[bflag:$0x2] =	sbarrier.arrive $0xFFFF  }
0xa6: {  	p0 =	sne.s32 s0, $0x0;
	s0 =	rddreg [dreg:$0x3]  }
0xa7: {  	s0 =	sadd.s32 @!p0 $0x100000, s0  }
0xa8: {  	[sflag:s0] =	ssyncadd.tile.s32 @!p0 $0x1;
	_ =	shalt  }
.Lfunc_end2:
_tile_overlayer_lowered:
.L_overlay_start_2:
0xa9: {  	(tag) =	ssettag $0x2  }
0xaa: {  	s0 =	rddreg [dreg:$0x0];
	s2 =	stileid.u32  }
0xab: {  	s1 =	rddreg [dreg:$0x1];
	p0 =	sne.s32 s2, $0x0  }
0xac: {  	s3 =	rddreg [dreg:$0x2];
	[bflag:$0x3] =	sbarrier.arrive $0xFFFF;
	s2 =	simm.s32 @!p0 $0x1C06  }
0xad: {  	[timem:s3], [sflag:s2] =	dma.local @!p0 [hbm:s0], s1  }
0xae: {  	s0 =	simm.s32 @!p0 $0x6  }
0xaf: {  	_ =	swait.ge @!p0 [sflag:s0], s1  }
0xb0: {  	s1 =	ssub.s32 @!p0 $0x0, s1;
	[sflag:s0] =	ssyncset.done @!p0 $0x0  }
0xb1: {  	[sflag:s0] =	ssyncadd.s32 @!p0 s1  }
0xb2: {  	[bflag:$0x3] =	sbarrier.arrive $0xFFFF  }
0xb3: {  	_ =	shalt  }

</sc_bundles>
